<compile_context>
chip_gen: v7x
topology: tpu7x:2x2x1
jax: 0.10.2.dev20260603
libtpu: 0.0.44.dev20260713+nightly
codegen_flags: <defaults>
</compile_context>

<pallas_src>
import functools

import jax
import jax.numpy as jnp
from jax import lax
from jax.experimental import pallas as pl
from jax.experimental.pallas import tpu as pltpu
from jax.experimental.pallas import tpu_sc as plsc

_B, _S, _D = 4096, 200, 64
_ROWS = _S * _D
_NW = 32
_RPW = _ROWS // _NW
_CR = 8
_NCH = _RPW // _CR
_NBUF = 3
_L = 16


def _sc_body(x_hbm, pos_hbm, out_hbm, pos_v, b0, b1, b2,
             i0, i1, i2, o0, o1, o2):
    bufs = (b0, b1, b2)
    isems = (i0, i1, i2)
    osems = (o0, o1, o2)
    wid = lax.axis_index("s") * 2 + lax.axis_index("c")
    row0 = wid * _RPW
    pltpu.sync_copy(pos_hbm.at[pl.ds(row0 * _L, _RPW * _L)], pos_v)

    def xslice(c):
        r = row0 + c * _CR
        return x_hbm.at[r // _D, pl.ds(r % _D, _CR), :]

    def oslice(c):
        r = row0 + c * _CR
        return out_hbm.at[r // _D, pl.ds(r % _D, _CR), :]

    def start_in(c, k):
        pltpu.async_copy(xslice(c), bufs[k], isems[k])

    def wait_in(c, k):
        pltpu.make_async_copy(xslice(c), bufs[k], isems[k]).wait()

    def start_out(c, k):
        pltpu.async_copy(bufs[k], oslice(c), osems[k])

    def wait_out(c, k):
        pltpu.make_async_copy(bufs[k], oslice(c), osems[k]).wait()

    def compute(c, k):
        buf = bufs[k]

        def per_row(rh, carry):
            pv = pos_v[pl.ds((_CR * c + rh) * _L, _L)]

            def per_jo(jo, carry2):
                for ji in range(16):
                    sl = pl.ds(jo * 256 + ji * _L, _L)
                    buf[rh, sl] = buf[rh, sl] + pv
                return carry2

            lax.fori_loop(0, _B // 256, per_jo, 0)
            return carry

        lax.fori_loop(0, _CR, per_row, 0)

    def step(c, k):
        wait_in(c, k)
        compute(c, k)
        start_out(c, k)

    start_in(0, 0)
    start_in(1, 1)

    def outer(o, carry):
        for b in range(_NBUF):
            c = _NBUF * o + b
            step(c, b)
            k2 = (b + 2) % _NBUF

            @pl.when(c >= 1)
            def _():
                wait_out(c - 1, k2)

            start_in(c + 2, k2)
        return carry

    lax.fori_loop(0, (_NCH - 2) // _NBUF, outer, 0)

    for c in range(_NCH - 2, _NCH):
        step(c, c % _NBUF)
    for c in range(_NCH - _NBUF, _NCH):
        wait_out(c, c % _NBUF)


def kernel(x, pos_emb):
    xt = jnp.transpose(x, (1, 2, 0))
    pos16 = jnp.broadcast_to(
        pos_emb.reshape(_ROWS)[:, None], (_ROWS, _L)
    ).reshape(_ROWS * _L)

    mesh = plsc.VectorSubcoreMesh(core_axis_name="c", subcore_axis_name="s")
    sc_add = functools.partial(
        pl.kernel,
        mesh=mesh,
        out_type=jax.ShapeDtypeStruct((_S, _D, _B), jnp.float32),
        scratch_types=(
            [pltpu.VMEM((_RPW * _L,), jnp.float32)]
            + [pltpu.VMEM((_CR, _B), jnp.float32) for _ in range(_NBUF)]
            + [pltpu.SemaphoreType.DMA for _ in range(2 * _NBUF)]
        ),
    )(_sc_body)
    out = sc_add(xt, pos16)
    return jnp.transpose(out, (2, 0, 1))

# --- scband reference (transcript-rebuilt; emitter-appended) ---
"""Pipeline reference for scband-position-embedding-33956011442354 (READ-ONLY COPY).

The authoritative reference and input builder live on the scoring server;
editing this copy changes nothing except your own understanding.
"""

import jax, jax.numpy as jnp
import numpy as np

MAX_LEN = 200
EMBED_DIM = 64

def setup_inputs(seed: int = 0) -> dict:
    key = jax.random.key(seed)
    k1, k2 = jax.random.split(key)
    x = jax.random.normal(k1, (4096, 200, 64), dtype=jnp.float32)
    # glorot_uniform init for pos_emb [max_len, embed_dim]
    limit = np.sqrt(6.0 / (MAX_LEN + EMBED_DIM))
    pos_emb = jax.random.uniform(k2, (MAX_LEN, EMBED_DIM), dtype=jnp.float32, minval=-limit, maxval=limit)
    return {"x": x, "pos_emb": pos_emb}

def reference(x, pos_emb):
    seq_len = x.shape[1]
    positions = jnp.arange(seq_len, dtype=jnp.int32)
    pos = jnp.take(pos_emb, positions, axis=0)  # embedding lookup
    return x + pos[None, :, :]

if __name__ == "__main__":
    import jax
    _d = setup_inputs()
    print(jax.jit(kernel)(*tuple(_d.values())))

</pallas_src>

<mosaic_0001>
#map = affine_map<(d0, d1) -> (0, 0, 0)>
#map1 = affine_map<(d0, d1) -> (0)>
module attributes {stable_mosaic.version = 14 : i64} {
  func.func @_sc_body(%arg0: i32, %arg1: i32, %arg2: memref<200x64x4096xf32, #tpu.memory_space<hbm>>, %arg3: memref<204800xf32, #tpu.memory_space<hbm>>, %arg4: memref<200x64x4096xf32, #tpu.memory_space<hbm>>, %arg5: memref<6400xf32, #tpu.memory_space<vmem>>, %arg6: memref<8x4096xf32, #tpu.memory_space<vmem>>, %arg7: memref<8x4096xf32, #tpu.memory_space<vmem>>, %arg8: memref<8x4096xf32, #tpu.memory_space<vmem>>, %arg9: memref<!tpu.dma_semaphore, #tpu.memory_space<semaphore_mem>>, %arg10: memref<!tpu.dma_semaphore, #tpu.memory_space<semaphore_mem>>, %arg11: memref<!tpu.dma_semaphore, #tpu.memory_space<semaphore_mem>>, %arg12: memref<!tpu.dma_semaphore, #tpu.memory_space<semaphore_mem>>, %arg13: memref<!tpu.dma_semaphore, #tpu.memory_space<semaphore_mem>>, %arg14: memref<!tpu.dma_semaphore, #tpu.memory_space<semaphore_mem>>) attributes {dimension_semantics = [#tpu.dimension_semantics<core_parallel>, #tpu.dimension_semantics<subcore_parallel>], iteration_bounds = array<i64: 2, 16>, scalar_prefetch = 0 : i64, scratch_operands = 10 : i64, tpu.core_type = #tpu.core_type<sc_vector_subcore>, window_params = [{transform_indices = #map}, {transform_indices = #map1}, {transform_indices = #map}]} {
    %mul3A = arith.constant 2 : i32
    %mul3A_0 = arith.muli %arg1, %mul3A : i32
    %add3A = arith.addi %mul3A_0, %arg0 : i32
    %mul3A_1 = arith.constant 400 : i32
    %mul3A_2 = arith.muli %add3A, %mul3A_1 : i32
    %mul3A_3 = arith.constant 16 : i32
    %mul3A_4 = arith.muli %mul3A_2, %mul3A_3 : i32
    "tpu.region"() ({
      %run_scoped3A = tpu.sem_alloc : memref<!tpu.dma_semaphore, #tpu.memory_space<semaphore_mem>>
      %dma_start3A_442 = tpu.memref_slice %arg3[%mul3A_4] : memref<204800xf32, #tpu.memory_space<hbm>> -> memref<6400xf32, #tpu.memory_space<hbm>>
      %dma_start3A_443 = tpu.memref_slice %arg3[%mul3A_4] : memref<204800xf32, #tpu.memory_space<hbm>> -> memref<6400xf32, #tpu.memory_space<hbm>>
      tpu.enqueue_dma source(%dma_start3A_443 : memref<6400xf32, #tpu.memory_space<hbm>>) target(%arg5 : memref<6400xf32, #tpu.memory_space<vmem>>) target_semaphore(%run_scoped3A : memref<!tpu.dma_semaphore, #tpu.memory_space<semaphore_mem>>)
      %dma_wait3A_444 = tpu.memref_slice %arg3[%mul3A_4] : memref<204800xf32, #tpu.memory_space<hbm>> -> memref<6400xf32, #tpu.memory_space<hbm>>
      %dma_wait3A_445 = tpu.memref_slice %arg3[%mul3A_4] : memref<204800xf32, #tpu.memory_space<hbm>> -> memref<6400xf32, #tpu.memory_space<hbm>>
      tpu.wait_dma2 semaphore(%run_scoped3A : memref<!tpu.dma_semaphore, #tpu.memory_space<semaphore_mem>>) src(%dma_wait3A_445 : memref<6400xf32, #tpu.memory_space<hbm>>) dst(%arg5 : memref<6400xf32, #tpu.memory_space<vmem>>)
      tpu.yield
    }) : () -> ()
    %add3A_5 = arith.constant 0 : i32
    %add3A_6 = arith.addi %mul3A_2, %add3A_5 : i32
    %jit3A = arith.constant 64 : i32
    %div3A = arith.divsi %add3A_6, %jit3A : i32
    %sign3A = arith.constant 0 : i32
    %sign3A_7 = arith.cmpi sgt, %add3A_6, %sign3A : i32
    %sign3A_8 = arith.extui %sign3A_7 : i1 to i32
    %sign3A_9 = arith.constant 0 : i32
    %sign3A_10 = arith.cmpi slt, %add3A_6, %sign3A_9 : i32
    %sign3A_11 = arith.extui %sign3A_10 : i1 to i32
    %sign3A_12 = arith.subi %sign3A_8, %sign3A_11 : i32
    %sign3A_13 = arith.constant 0 : i32
    %sign3A_14 = arith.cmpi sgt, %jit3A, %sign3A_13 : i32
    %sign3A_15 = arith.extui %sign3A_14 : i1 to i32
    %sign3A_16 = arith.constant 0 : i32
    %sign3A_17 = arith.cmpi slt, %jit3A, %sign3A_16 : i32
    %sign3A_18 = arith.extui %sign3A_17 : i1 to i32
    %sign3A_19 = arith.subi %sign3A_15, %sign3A_18 : i32
    %ne3A = arith.cmpi ne, %sign3A_12, %sign3A_19 : i32
    %rem3A = arith.remsi %add3A_6, %jit3A : i32
    %ne3A_20 = arith.constant 0 : i32
    %ne3A_21 = arith.cmpi ne, %rem3A, %ne3A_20 : i32
    %and3A = arith.andi %ne3A, %ne3A_21 : i1
    %sub3A = arith.constant 1 : i32
    %sub3A_22 = arith.subi %div3A, %sub3A : i32
    %select_n3A = arith.select %and3A, %sub3A_22, %div3A : i32
    %jit3A_23 = arith.constant 64 : i32
    %eq3A = arith.constant 0 : i32
    %eq3A_24 = arith.cmpi eq, %jit3A_23, %eq3A : i32
    %jit3A_25 = arith.constant 1 : i32
    %select_n3A_26 = arith.select %eq3A_24, %jit3A_25, %jit3A_23 : i32
    %rem3A_27 = arith.remsi %add3A_6, %select_n3A_26 : i32
    %ne3A_28 = arith.constant 0 : i32
    %ne3A_29 = arith.cmpi ne, %rem3A_27, %ne3A_28 : i32
    %lt3A = arith.constant 0 : i32
    %lt3A_30 = arith.cmpi slt, %rem3A_27, %lt3A : i32
    %lt3A_31 = arith.constant 0 : i32
    %lt3A_32 = arith.cmpi slt, %select_n3A_26, %lt3A_31 : i32
    %ne3A_33 = arith.xori %lt3A_30, %lt3A_32 : i1
    %and3A_34 = arith.andi %ne3A_33, %ne3A_29 : i1
    %add3A_35 = arith.addi %rem3A_27, %select_n3A_26 : i32
    %select_n3A_36 = arith.select %and3A_34, %add3A_35, %rem3A_27 : i32
    %dma_start3A = arith.constant 0 : i32
    %dma_start3A_37 = tpu.memref_slice %arg2[%select_n3A, %select_n3A_36, %dma_start3A] : memref<200x64x4096xf32, #tpu.memory_space<hbm>> -> memref<1x8x4096xf32, #tpu.memory_space<hbm>>
    %dma_start3A_38 = tpu.memref_squeeze %dma_start3A_37 : memref<1x8x4096xf32, #tpu.memory_space<hbm>> -> memref<8x4096xf32, #tpu.memory_space<hbm>>
    %dma_start3A_39 = arith.constant 0 : i32
    %dma_start3A_40 = tpu.memref_slice %arg2[%select_n3A, %select_n3A_36, %dma_start3A_39] : memref<200x64x4096xf32, #tpu.memory_space<hbm>> -> memref<1x8x4096xf32, #tpu.memory_space<hbm>>
    %dma_start3A_41 = tpu.memref_squeeze %dma_start3A_40 : memref<1x8x4096xf32, #tpu.memory_space<hbm>> -> memref<8x4096xf32, #tpu.memory_space<hbm>>
    tpu.enqueue_dma source(%dma_start3A_41 : memref<8x4096xf32, #tpu.memory_space<hbm>>) target(%arg6 : memref<8x4096xf32, #tpu.memory_space<vmem>>) target_semaphore(%arg9 : memref<!tpu.dma_semaphore, #tpu.memory_space<semaphore_mem>>)
    %add3A_42 = arith.constant 8 : i32
    %add3A_43 = arith.addi %mul3A_2, %add3A_42 : i32
    %jit3A_44 = arith.constant 64 : i32
    %div3A_45 = arith.divsi %add3A_43, %jit3A_44 : i32
    %sign3A_46 = arith.constant 0 : i32
    %sign3A_47 = arith.cmpi sgt, %add3A_43, %sign3A_46 : i32
    %sign3A_48 = arith.extui %sign3A_47 : i1 to i32
    %sign3A_49 = arith.constant 0 : i32
    %sign3A_50 = arith.cmpi slt, %add3A_43, %sign3A_49 : i32
    %sign3A_51 = arith.extui %sign3A_50 : i1 to i32
    %sign3A_52 = arith.subi %sign3A_48, %sign3A_51 : i32
    %sign3A_53 = arith.constant 0 : i32
    %sign3A_54 = arith.cmpi sgt, %jit3A_44, %sign3A_53 : i32
    %sign3A_55 = arith.extui %sign3A_54 : i1 to i32
    %sign3A_56 = arith.constant 0 : i32
    %sign3A_57 = arith.cmpi slt, %jit3A_44, %sign3A_56 : i32
    %sign3A_58 = arith.extui %sign3A_57 : i1 to i32
    %sign3A_59 = arith.subi %sign3A_55, %sign3A_58 : i32
    %ne3A_60 = arith.cmpi ne, %sign3A_52, %sign3A_59 : i32
    %rem3A_61 = arith.remsi %add3A_43, %jit3A_44 : i32
    %ne3A_62 = arith.constant 0 : i32
    %ne3A_63 = arith.cmpi ne, %rem3A_61, %ne3A_62 : i32
    %and3A_64 = arith.andi %ne3A_60, %ne3A_63 : i1
    %sub3A_65 = arith.constant 1 : i32
    %sub3A_66 = arith.subi %div3A_45, %sub3A_65 : i32
    %select_n3A_67 = arith.select %and3A_64, %sub3A_66, %div3A_45 : i32
    %jit3A_68 = arith.constant 64 : i32
    %eq3A_69 = arith.constant 0 : i32
    %eq3A_70 = arith.cmpi eq, %jit3A_68, %eq3A_69 : i32
    %jit3A_71 = arith.constant 1 : i32
    %select_n3A_72 = arith.select %eq3A_70, %jit3A_71, %jit3A_68 : i32
    %rem3A_73 = arith.remsi %add3A_43, %select_n3A_72 : i32
    %ne3A_74 = arith.constant 0 : i32
    %ne3A_75 = arith.cmpi ne, %rem3A_73, %ne3A_74 : i32
    %lt3A_76 = arith.constant 0 : i32
    %lt3A_77 = arith.cmpi slt, %rem3A_73, %lt3A_76 : i32
    %lt3A_78 = arith.constant 0 : i32
    %lt3A_79 = arith.cmpi slt, %select_n3A_72, %lt3A_78 : i32
    %ne3A_80 = arith.xori %lt3A_77, %lt3A_79 : i1
    %and3A_81 = arith.andi %ne3A_80, %ne3A_75 : i1
    %add3A_82 = arith.addi %rem3A_73, %select_n3A_72 : i32
    %select_n3A_83 = arith.select %and3A_81, %add3A_82, %rem3A_73 : i32
    %dma_start3A_84 = arith.constant 0 : i32
    %dma_start3A_85 = tpu.memref_slice %arg2[%select_n3A_67, %select_n3A_83, %dma_start3A_84] : memref<200x64x4096xf32, #tpu.memory_space<hbm>> -> memref<1x8x4096xf32, #tpu.memory_space<hbm>>
    %dma_start3A_86 = tpu.memref_squeeze %dma_start3A_85 : memref<1x8x4096xf32, #tpu.memory_space<hbm>> -> memref<8x4096xf32, #tpu.memory_space<hbm>>
    %dma_start3A_87 = arith.constant 0 : i32
    %dma_start3A_88 = tpu.memref_slice %arg2[%select_n3A_67, %select_n3A_83, %dma_start3A_87] : memref<200x64x4096xf32, #tpu.memory_space<hbm>> -> memref<1x8x4096xf32, #tpu.memory_space<hbm>>
    %dma_start3A_89 = tpu.memref_squeeze %dma_start3A_88 : memref<1x8x4096xf32, #tpu.memory_space<hbm>> -> memref<8x4096xf32, #tpu.memory_space<hbm>>
    tpu.enqueue_dma source(%dma_start3A_89 : memref<8x4096xf32, #tpu.memory_space<hbm>>) target(%arg7 : memref<8x4096xf32, #tpu.memory_space<vmem>>) target_semaphore(%arg10 : memref<!tpu.dma_semaphore, #tpu.memory_space<semaphore_mem>>)
    %scan3A = arith.constant 0 : i32
    %scan3A_90 = arith.constant 0 : i32
    %scan3A_91 = arith.constant 16 : i32
    %scan3A_92 = arith.addi %scan3A_90, %scan3A_91 : i32
    %scan3A_93 = arith.constant 1 : i32
    scf.for %scan3A_442 = %scan3A_90 to %scan3A_92 step %scan3A_93  : i32 {
      %mul3A_443 = arith.constant 3 : i32
      %mul3A_444 = arith.muli %mul3A_443, %scan3A_442 : i32
      %add3A_445 = arith.constant 0 : i32
      %add3A_446 = arith.addi %mul3A_444, %add3A_445 : i32
      %mul3A_447 = arith.constant 8 : i32
      %mul3A_448 = arith.muli %add3A_446, %mul3A_447 : i32
      %add3A_449 = arith.addi %mul3A_2, %mul3A_448 : i32
      %jit3A_450 = arith.constant 64 : i32
      %div3A_451 = arith.divsi %add3A_449, %jit3A_450 : i32
      %sign3A_452 = arith.constant 0 : i32
      %sign3A_453 = arith.cmpi sgt, %add3A_449, %sign3A_452 : i32
      %sign3A_454 = arith.extui %sign3A_453 : i1 to i32
      %sign3A_455 = arith.constant 0 : i32
      %sign3A_456 = arith.cmpi slt, %add3A_449, %sign3A_455 : i32
      %sign3A_457 = arith.extui %sign3A_456 : i1 to i32
      %sign3A_458 = arith.subi %sign3A_454, %sign3A_457 : i32
      %sign3A_459 = arith.constant 0 : i32
      %sign3A_460 = arith.cmpi sgt, %jit3A_450, %sign3A_459 : i32
      %sign3A_461 = arith.extui %sign3A_460 : i1 to i32
      %sign3A_462 = arith.constant 0 : i32
      %sign3A_463 = arith.cmpi slt, %jit3A_450, %sign3A_462 : i32
      %sign3A_464 = arith.extui %sign3A_463 : i1 to i32
      %sign3A_465 = arith.subi %sign3A_461, %sign3A_464 : i32
      %ne3A_466 = arith.cmpi ne, %sign3A_458, %sign3A_465 : i32
      %rem3A_467 = arith.remsi %add3A_449, %jit3A_450 : i32
      %ne3A_468 = arith.constant 0 : i32
      %ne3A_469 = arith.cmpi ne, %rem3A_467, %ne3A_468 : i32
      %and3A_470 = arith.andi %ne3A_466, %ne3A_469 : i1
      %sub3A_471 = arith.constant 1 : i32
      %sub3A_472 = arith.subi %div3A_451, %sub3A_471 : i32
      %select_n3A_473 = arith.select %and3A_470, %sub3A_472, %div3A_451 : i32
      %jit3A_474 = arith.constant 64 : i32
      %eq3A_475 = arith.constant 0 : i32
      %eq3A_476 = arith.cmpi eq, %jit3A_474, %eq3A_475 : i32
      %jit3A_477 = arith.constant 1 : i32
      %select_n3A_478 = arith.select %eq3A_476, %jit3A_477, %jit3A_474 : i32
      %rem3A_479 = arith.remsi %add3A_449, %select_n3A_478 : i32
      %ne3A_480 = arith.constant 0 : i32
      %ne3A_481 = arith.cmpi ne, %rem3A_479, %ne3A_480 : i32
      %lt3A_482 = arith.constant 0 : i32
      %lt3A_483 = arith.cmpi slt, %rem3A_479, %lt3A_482 : i32
      %lt3A_484 = arith.constant 0 : i32
      %lt3A_485 = arith.cmpi slt, %select_n3A_478, %lt3A_484 : i32
      %ne3A_486 = arith.xori %lt3A_483, %lt3A_485 : i1
      %and3A_487 = arith.andi %ne3A_486, %ne3A_481 : i1
      %add3A_488 = arith.addi %rem3A_479, %select_n3A_478 : i32
      %select_n3A_489 = arith.select %and3A_487, %add3A_488, %rem3A_479 : i32
      %dma_wait3A_490 = arith.constant 0 : i32
      %dma_wait3A_491 = tpu.memref_slice %arg2[%select_n3A_473, %select_n3A_489, %dma_wait3A_490] : memref<200x64x4096xf32, #tpu.memory_space<hbm>> -> memref<1x8x4096xf32, #tpu.memory_space<hbm>>
      %dma_wait3A_492 = tpu.memref_squeeze %dma_wait3A_491 : memref<1x8x4096xf32, #tpu.memory_space<hbm>> -> memref<8x4096xf32, #tpu.memory_space<hbm>>
      %dma_wait3A_493 = arith.constant 0 : i32
      %dma_wait3A_494 = tpu.memref_slice %arg2[%select_n3A_473, %select_n3A_489, %dma_wait3A_493] : memref<200x64x4096xf32, #tpu.memory_space<hbm>> -> memref<1x8x4096xf32, #tpu.memory_space<hbm>>
      %dma_wait3A_495 = tpu.memref_squeeze %dma_wait3A_494 : memref<1x8x4096xf32, #tpu.memory_space<hbm>> -> memref<8x4096xf32, #tpu.memory_space<hbm>>
      tpu.wait_dma2 semaphore(%arg9 : memref<!tpu.dma_semaphore, #tpu.memory_space<semaphore_mem>>) src(%dma_wait3A_495 : memref<8x4096xf32, #tpu.memory_space<hbm>>) dst(%arg6 : memref<8x4096xf32, #tpu.memory_space<vmem>>)
      %scan3A_496 = arith.constant 0 : i32
      %scan3A_497 = arith.constant 0 : i32
      %scan3A_498 = arith.constant 8 : i32
      %scan3A_499 = arith.addi %scan3A_497, %scan3A_498 : i32
      %scan3A_500 = arith.constant 1 : i32
      scf.for %scan3A_932 = %scan3A_497 to %scan3A_499 step %scan3A_500  : i32 {
        %mul3A_933 = arith.constant 8 : i32
        %mul3A_934 = arith.muli %mul3A_933, %add3A_446 : i32
        %add3A_935 = arith.addi %mul3A_934, %scan3A_932 : i32
        %mul3A_936 = arith.constant 16 : i32
        %mul3A_937 = arith.muli %add3A_935, %mul3A_936 : i32
        %get3A = arith.index_cast %mul3A_937 : i32 to index
        %get3A_938 = tpu.vector_load %arg5[%get3A] {strides = array<i32>} : memref<6400xf32, #tpu.memory_space<vmem>>, vector<16xf32>,
        %get3A_939 = vector.shape_cast %get3A_938 : vector<16xf32> to vector<16xf32>
        %scan3A_940 = arith.constant 0 : i32
        %scan3A_941 = arith.constant 0 : i32
        %scan3A_942 = arith.constant 16 : i32
        %scan3A_943 = arith.addi %scan3A_941, %scan3A_942 : i32
        %scan3A_944 = arith.constant 1 : i32
        scf.for %scan3A_946 = %scan3A_941 to %scan3A_943 step %scan3A_944  : i32 {
          %mul3A_947 = arith.constant 256 : i32
          %mul3A_948 = arith.muli %scan3A_946, %mul3A_947 : i32
          %add3A_949 = arith.constant 0 : i32
          %add3A_950 = arith.addi %mul3A_948, %add3A_949 : i32
          %get3A_951 = arith.index_cast %scan3A_932 : i32 to index
          %get3A_952 = arith.index_cast %add3A_950 : i32 to index
          %get3A_953 = tpu.vector_load %arg6[%get3A_951, %get3A_952] {strides = array<i32>} : memref<8x4096xf32, #tpu.memory_space<vmem>>, vector<1x16xf32>,
          %get3A_954 = vector.shape_cast %get3A_953 : vector<1x16xf32> to vector<16xf32>
          %add3A_955 = arith.addf %get3A_954, %get3A_939 : vector<16xf32>
          %swap3A = arith.index_cast %scan3A_932 : i32 to index
          %swap3A_956 = arith.index_cast %add3A_950 : i32 to index
          %swap3A_957 = tpu.vector_load %arg6[%swap3A, %swap3A_956] {strides = array<i32>} : memref<8x4096xf32, #tpu.memory_space<vmem>>, vector<1x16xf32>,
          %swap3A_958 = vector.shape_cast %swap3A_957 : vector<1x16xf32> to vector<16xf32>
          %swap3A_959 = vector.shape_cast %add3A_955 : vector<16xf32> to vector<1x16xf32>
          tpu.vector_store %arg6[%swap3A, %swap3A_956], %swap3A_959 {strides = array<i32>} : memref<8x4096xf32, #tpu.memory_space<vmem>>, vector<1x16xf32>,
          %mul3A_960 = arith.constant 256 : i32
          %mul3A_961 = arith.muli %scan3A_946, %mul3A_960 : i32
          %add3A_962 = arith.constant 16 : i32
          %add3A_963 = arith.addi %mul3A_961, %add3A_962 : i32
          %get3A_964 = arith.index_cast %scan3A_932 : i32 to index
          %get3A_965 = arith.index_cast %add3A_963 : i32 to index
          %get3A_966 = tpu.vector_load %arg6[%get3A_964, %get3A_965] {strides = array<i32>} : memref<8x4096xf32, #tpu.memory_space<vmem>>, vector<1x16xf32>,
          %get3A_967 = vector.shape_cast %get3A_966 : vector<1x16xf32> to vector<16xf32>
          %add3A_968 = arith.addf %get3A_967, %get3A_939 : vector<16xf32>
          %swap3A_969 = arith.index_cast %scan3A_932 : i32 to index
          %swap3A_970 = arith.index_cast %add3A_963 : i32 to index
          %swap3A_971 = tpu.vector_load %arg6[%swap3A_969, %swap3A_970] {strides = array<i32>} : memref<8x4096xf32, #tpu.memory_space<vmem>>, vector<1x16xf32>,
          %swap3A_972 = vector.shape_cast %swap3A_971 : vector<1x16xf32> to vector<16xf32>
          %swap3A_973 = vector.shape_cast %add3A_968 : vector<16xf32> to vector<1x16xf32>
          tpu.vector_store %arg6[%swap3A_969, %swap3A_970], %swap3A_973 {strides = array<i32>} : memref<8x4096xf32, #tpu.memory_space<vmem>>, vector<1x16xf32>,
          %mul3A_974 = arith.constant 256 : i32
          %mul3A_975 = arith.muli %scan3A_946, %mul3A_974 : i32
          %add3A_976 = arith.constant 32 : i32
          %add3A_977 = arith.addi %mul3A_975, %add3A_976 : i32
          %get3A_978 = arith.index_cast %scan3A_932 : i32 to index
          %get3A_979 = arith.index_cast %add3A_977 : i32 to index
          %get3A_980 = tpu.vector_load %arg6[%get3A_978, %get3A_979] {strides = array<i32>} : memref<8x4096xf32, #tpu.memory_space<vmem>>, vector<1x16xf32>,
          %get3A_981 = vector.shape_cast %get3A_980 : vector<1x16xf32> to vector<16xf32>
          %add3A_982 = arith.addf %get3A_981, %get3A_939 : vector<16xf32>
          %swap3A_983 = arith.index_cast %scan3A_932 : i32 to index
          %swap3A_984 = arith.index_cast %add3A_977 : i32 to index
          %swap3A_985 = tpu.vector_load %arg6[%swap3A_983, %swap3A_984] {strides = array<i32>} : memref<8x4096xf32, #tpu.memory_space<vmem>>, vector<1x16xf32>,
          %swap3A_986 = vector.shape_cast %swap3A_985 : vector<1x16xf32> to vector<16xf32>
          %swap3A_987 = vector.shape_cast %add3A_982 : vector<16xf32> to vector<1x16xf32>
          tpu.vector_store %arg6[%swap3A_983, %swap3A_984], %swap3A_987 {strides = array<i32>} : memref<8x4096xf32, #tpu.memory_space<vmem>>, vector<1x16xf32>,
          %mul3A_988 = arith.constant 256 : i32
          %mul3A_989 = arith.muli %scan3A_946, %mul3A_988 : i32
          %add3A_990 = arith.constant 48 : i32
          %add3A_991 = arith.addi %mul3A_989, %add3A_990 : i32
          %get3A_992 = arith.index_cast %scan3A_932 : i32 to index
          %get3A_993 = arith.index_cast %add3A_991 : i32 to index
          %get3A_994 = tpu.vector_load %arg6[%get3A_992, %get3A_993] {strides = array<i32>} : memref<8x4096xf32, #tpu.memory_space<vmem>>, vector<1x16xf32>,
          %get3A_995 = vector.shape_cast %get3A_994 : vector<1x16xf32> to vector<16xf32>
          %add3A_996 = arith.addf %get3A_995, %get3A_939 : vector<16xf32>
          %swap3A_997 = arith.index_cast %scan3A_932 : i32 to index
          %swap3A_998 = arith.index_cast %add3A_991 : i32 to index
          %swap3A_999 = tpu.vector_load %arg6[%swap3A_997, %swap3A_998] {strides = array<i32>} : memref<8x4096xf32, #tpu.memory_space<vmem>>, vector<1x16xf32>,
          %swap3A_1000 = vector.shape_cast %swap3A_999 : vector<1x16xf32> to vector<16xf32>
          %swap3A_1001 = vector.shape_cast %add3A_996 : vector<16xf32> to vector<1x16xf32>
          tpu.vector_store %arg6[%swap3A_997, %swap3A_998], %swap3A_1001 {strides = array<i32>} : memref<8x4096xf32, #tpu.memory_space<vmem>>, vector<1x16xf32>,
          %mul3A_1002 = arith.constant 256 : i32
          %mul3A_1003 = arith.muli %scan3A_946, %mul3A_1002 : i32
          %add3A_1004 = arith.constant 64 : i32
          %add3A_1005 = arith.addi %mul3A_1003, %add3A_1004 : i32
          %get3A_1006 = arith.index_cast %scan3A_932 : i32 to index
          %get3A_1007 = arith.index_cast %add3A_1005 : i32 to index
          %get3A_1008 = tpu.vector_load %arg6[%get3A_1006, %get3A_1007] {strides = array<i32>} : memref<8x4096xf32, #tpu.memory_space<vmem>>, vector<1x16xf32>,
          %get3A_1009 = vector.shape_cast %get3A_1008 : vector<1x16xf32> to vector<16xf32>
          %add3A_1010 = arith.addf %get3A_1009, %get3A_939 : vector<16xf32>
          %swap3A_1011 = arith.index_cast %scan3A_932 : i32 to index
          %swap3A_1012 = arith.index_cast %add3A_1005 : i32 to index
          %swap3A_1013 = tpu.vector_load %arg6[%swap3A_1011, %swap3A_1012] {strides = array<i32>} : memref<8x4096xf32, #tpu.memory_space<vmem>>, vector<1x16xf32>,
          %swap3A_1014 = vector.shape_cast %swap3A_1013 : vector<1x16xf32> to vector<16xf32>
          %swap3A_1015 = vector.shape_cast %add3A_1010 : vector<16xf32> to vector<1x16xf32>
          tpu.vector_store %arg6[%swap3A_1011, %swap3A_1012], %swap3A_1015 {strides = array<i32>} : memref<8x4096xf32, #tpu.memory_space<vmem>>, vector<1x16xf32>,
          %mul3A_1016 = arith.constant 256 : i32
          %mul3A_1017 = arith.muli %scan3A_946, %mul3A_1016 : i32
          %add3A_1018 = arith.constant 80 : i32
          %add3A_1019 = arith.addi %mul3A_1017, %add3A_1018 : i32
          %get3A_1020 = arith.index_cast %scan3A_932 : i32 to index
          %get3A_1021 = arith.index_cast %add3A_1019 : i32 to index
          %get3A_1022 = tpu.vector_load %arg6[%get3A_1020, %get3A_1021] {strides = array<i32>} : memref<8x4096xf32, #tpu.memory_space<vmem>>, vector<1x16xf32>,
          %get3A_1023 = vector.shape_cast %get3A_1022 : vector<1x16xf32> to vector<16xf32>
          %add3A_1024 = arith.addf %get3A_1023, %get3A_939 : vector<16xf32>
          %swap3A_1025 = arith.index_cast %scan3A_932 : i32 to index
          %swap3A_1026 = arith.index_cast %add3A_1019 : i32 to index
          %swap3A_1027 = tpu.vector_load %arg6[%swap3A_1025, %swap3A_1026] {strides = array<i32>} : memref<8x4096xf32, #tpu.memory_space<vmem>>, vector<1x16xf32>,
          %swap3A_1028 = vector.shape_cast %swap3A_1027 : vector<1x16xf32> to vector<16xf32>
          %swap3A_1029 = vector.shape_cast %add3A_1024 : vector<16xf32> to vector<1x16xf32>
          tpu.vector_store %arg6[%swap3A_1025, %swap3A_1026], %swap3A_1029 {strides = array<i32>} : memref<8x4096xf32, #tpu.memory_space<vmem>>, vector<1x16xf32>,
          %mul3A_1030 = arith.constant 256 : i32
          %mul3A_1031 = arith.muli %scan3A_946, %mul3A_1030 : i32
          %add3A_1032 = arith.constant 96 : i32
          %add3A_1033 = arith.addi %mul3A_1031, %add3A_1032 : i32
          %get3A_1034 = arith.index_cast %scan3A_932 : i32 to index
          %get3A_1035 = arith.index_cast %add3A_1033 : i32 to index
          %get3A_1036 = tpu.vector_load %arg6[%get3A_1034, %get3A_1035] {strides = array<i32>} : memref<8x4096xf32, #tpu.memory_space<vmem>>, vector<1x16xf32>,
          %get3A_1037 = vector.shape_cast %get3A_1036 : vector<1x16xf32> to vector<16xf32>
          %add3A_1038 = arith.addf %get3A_1037, %get3A_939 : vector<16xf32>
          %swap3A_1039 = arith.index_cast %scan3A_932 : i32 to index
          %swap3A_1040 = arith.index_cast %add3A_1033 : i32 to index
          %swap3A_1041 = tpu.vector_load %arg6[%swap3A_1039, %swap3A_1040] {strides = array<i32>} : memref<8x4096xf32, #tpu.memory_space<vmem>>, vector<1x16xf32>,
          %swap3A_1042 = vector.shape_cast %swap3A_1041 : vector<1x16xf32> to vector<16xf32>
          %swap3A_1043 = vector.shape_cast %add3A_1038 : vector<16xf32> to vector<1x16xf32>
          tpu.vector_store %arg6[%swap3A_1039, %swap3A_1040], %swap3A_1043 {strides = array<i32>} : memref<8x4096xf32, #tpu.memory_space<vmem>>, vector<1x16xf32>,
          %mul3A_1044 = arith.constant 256 : i32
          %mul3A_1045 = arith.muli %scan3A_946, %mul3A_1044 : i32
          %add3A_1046 = arith.constant 112 : i32
          %add3A_1047 = arith.addi %mul3A_1045, %add3A_1046 : i32
          %get3A_1048 = arith.index_cast %scan3A_932 : i32 to index
          %get3A_1049 = arith.index_cast %add3A_1047 : i32 to index
          %get3A_1050 = tpu.vector_load %arg6[%get3A_1048, %get3A_1049] {strides = array<i32>} : memref<8x4096xf32, #tpu.memory_space<vmem>>, vector<1x16xf32>,
          %get3A_1051 = vector.shape_cast %get3A_1050 : vector<1x16xf32> to vector<16xf32>
          %add3A_1052 = arith.addf %get3A_1051, %get3A_939 : vector<16xf32>
          %swap3A_1053 = arith.index_cast %scan3A_932 : i32 to index
          %swap3A_1054 = arith.index_cast %add3A_1047 : i32 to index
          %swap3A_1055 = tpu.vector_load %arg6[%swap3A_1053, %swap3A_1054] {strides = array<i32>} : memref<8x4096xf32, #tpu.memory_space<vmem>>, vector<1x16xf32>,
          %swap3A_1056 = vector.shape_cast %swap3A_1055 : vector<1x16xf32> to vector<16xf32>
          %swap3A_1057 = vector.shape_cast %add3A_1052 : vector<16xf32> to vector<1x16xf32>
          tpu.vector_store %arg6[%swap3A_1053, %swap3A_1054], %swap3A_1057 {strides = array<i32>} : memref<8x4096xf32, #tpu.memory_space<vmem>>, vector<1x16xf32>,
          %mul3A_1058 = arith.constant 256 : i32
          %mul3A_1059 = arith.muli %scan3A_946, %mul3A_1058 : i32
          %add3A_1060 = arith.constant 128 : i32
          %add3A_1061 = arith.addi %mul3A_1059, %add3A_1060 : i32
          %get3A_1062 = arith.index_cast %scan3A_932 : i32 to index
          %get3A_1063 = arith.index_cast %add3A_1061 : i32 to index
          %get3A_1064 = tpu.vector_load %arg6[%get3A_1062, %get3A_1063] {strides = array<i32>} : memref<8x4096xf32, #tpu.memory_space<vmem>>, vector<1x16xf32>,
          %get3A_1065 = vector.shape_cast %get3A_1064 : vector<1x16xf32> to vector<16xf32>
          %add3A_1066 = arith.addf %get3A_1065, %get3A_939 : vector<16xf32>
          %swap3A_1067 = arith.index_cast %scan3A_932 : i32 to index
          %swap3A_1068 = arith.index_cast %add3A_1061 : i32 to index
          %swap3A_1069 = tpu.vector_load %arg6[%swap3A_1067, %swap3A_1068] {strides = array<i32>} : memref<8x4096xf32, #tpu.memory_space<vmem>>, vector<1x16xf32>,
          %swap3A_1070 = vector.shape_cast %swap3A_1069 : vector<1x16xf32> to vector<16xf32>
          %swap3A_1071 = vector.shape_cast %add3A_1066 : vector<16xf32> to vector<1x16xf32>
          tpu.vector_store %arg6[%swap3A_1067, %swap3A_1068], %swap3A_1071 {strides = array<i32>} : memref<8x4096xf32, #tpu.memory_space<vmem>>, vector<1x16xf32>,
          %mul3A_1072 = arith.constant 256 : i32
          %mul3A_1073 = arith.muli %scan3A_946, %mul3A_1072 : i32
          %add3A_1074 = arith.constant 144 : i32
          %add3A_1075 = arith.addi %mul3A_1073, %add3A_1074 : i32
          %get3A_1076 = arith.index_cast %scan3A_932 : i32 to index
          %get3A_1077 = arith.index_cast %add3A_1075 : i32 to index
          %get3A_1078 = tpu.vector_load %arg6[%get3A_1076, %get3A_1077] {strides = array<i32>} : memref<8x4096xf32, #tpu.memory_space<vmem>>, vector<1x16xf32>,
          %get3A_1079 = vector.shape_cast %get3A_1078 : vector<1x16xf32> to vector<16xf32>
          %add3A_1080 = arith.addf %get3A_1079, %get3A_939 : vector<16xf32>
          %swap3A_1081 = arith.index_cast %scan3A_932 : i32 to index
          %swap3A_1082 = arith.index_cast %add3A_1075 : i32 to index
          %swap3A_1083 = tpu.vector_load %arg6[%swap3A_1081, %swap3A_1082] {strides = array<i32>} : memref<8x4096xf32, #tpu.memory_space<vmem>>, vector<1x16xf32>,
          %swap3A_1084 = vector.shape_cast %swap3A_1083 : vector<1x16xf32> to vector<16xf32>
          %swap3A_1085 = vector.shape_cast %add3A_1080 : vector<16xf32> to vector<1x16xf32>
          tpu.vector_store %arg6[%swap3A_1081, %swap3A_1082], %swap3A_1085 {strides = array<i32>} : memref<8x4096xf32, #tpu.memory_space<vmem>>, vector<1x16xf32>,
          %mul3A_1086 = arith.constant 256 : i32
          %mul3A_1087 = arith.muli %scan3A_946, %mul3A_1086 : i32
          %add3A_1088 = arith.constant 160 : i32
          %add3A_1089 = arith.addi %mul3A_1087, %add3A_1088 : i32
          %get3A_1090 = arith.index_cast %scan3A_932 : i32 to index
          %get3A_1091 = arith.index_cast %add3A_1089 : i32 to index
          %get3A_1092 = tpu.vector_load %arg6[%get3A_1090, %get3A_1091] {strides = array<i32>} : memref<8x4096xf32, #tpu.memory_space<vmem>>, vector<1x16xf32>,
          %get3A_1093 = vector.shape_cast %get3A_1092 : vector<1x16xf32> to vector<16xf32>
          %add3A_1094 = arith.addf %get3A_1093, %get3A_939 : vector<16xf32>
          %swap3A_1095 = arith.index_cast %scan3A_932 : i32 to index
          %swap3A_1096 = arith.index_cast %add3A_1089 : i32 to index
          %swap3A_1097 = tpu.vector_load %arg6[%swap3A_1095, %swap3A_1096] {strides = array<i32>} : memref<8x4096xf32, #tpu.memory_space<vmem>>, vector<1x16xf32>,
          %swap3A_1098 = vector.shape_cast %swap3A_1097 : vector<1x16xf32> to vector<16xf32>
          %swap3A_1099 = vector.shape_cast %add3A_1094 : vector<16xf32> to vector<1x16xf32>
          tpu.vector_store %arg6[%swap3A_1095, %swap3A_1096], %swap3A_1099 {strides = array<i32>} : memref<8x4096xf32, #tpu.memory_space<vmem>>, vector<1x16xf32>,
          %mul3A_1100 = arith.constant 256 : i32
          %mul3A_1101 = arith.muli %scan3A_946, %mul3A_1100 : i32
          %add3A_1102 = arith.constant 176 : i32
          %add3A_1103 = arith.addi %mul3A_1101, %add3A_1102 : i32
          %get3A_1104 = arith.index_cast %scan3A_932 : i32 to index
          %get3A_1105 = arith.index_cast %add3A_1103 : i32 to index
          %get3A_1106 = tpu.vector_load %arg6[%get3A_1104, %get3A_1105] {strides = array<i32>} : memref<8x4096xf32, #tpu.memory_space<vmem>>, vector<1x16xf32>,
          %get3A_1107 = vector.shape_cast %get3A_1106 : vector<1x16xf32> to vector<16xf32>
          %add3A_1108 = arith.addf %get3A_1107, %get3A_939 : vector<16xf32>
          %swap3A_1109 = arith.index_cast %scan3A_932 : i32 to index
          %swap3A_1110 = arith.index_cast %add3A_1103 : i32 to index
          %swap3A_1111 = tpu.vector_load %arg6[%swap3A_1109, %swap3A_1110] {strides = array<i32>} : memref<8x4096xf32, #tpu.memory_space<vmem>>, vector<1x16xf32>,
          %swap3A_1112 = vector.shape_cast %swap3A_1111 : vector<1x16xf32> to vector<16xf32>
          %swap3A_1113 = vector.shape_cast %add3A_1108 : vector<16xf32> to vector<1x16xf32>
          tpu.vector_store %arg6[%swap3A_1109, %swap3A_1110], %swap3A_1113 {strides = array<i32>} : memref<8x4096xf32, #tpu.memory_space<vmem>>, vector<1x16xf32>,
          %mul3A_1114 = arith.constant 256 : i32
          %mul3A_1115 = arith.muli %scan3A_946, %mul3A_1114 : i32
          %add3A_1116 = arith.constant 192 : i32
          %add3A_1117 = arith.addi %mul3A_1115, %add3A_1116 : i32
          %get3A_1118 = arith.index_cast %scan3A_932 : i32 to index
          %get3A_1119 = arith.index_cast %add3A_1117 : i32 to index
          %get3A_1120 = tpu.vector_load %arg6[%get3A_1118, %get3A_1119] {strides = array<i32>} : memref<8x4096xf32, #tpu.memory_space<vmem>>, vector<1x16xf32>,
          %get3A_1121 = vector.shape_cast %get3A_1120 : vector<1x16xf32> to vector<16xf32>
          %add3A_1122 = arith.addf %get3A_1121, %get3A_939 : vector<16xf32>
          %swap3A_1123 = arith.index_cast %scan3A_932 : i32 to index
          %swap3A_1124 = arith.index_cast %add3A_1117 : i32 to index
          %swap3A_1125 = tpu.vector_load %arg6[%swap3A_1123, %swap3A_1124] {strides = array<i32>} : memref<8x4096xf32, #tpu.memory_space<vmem>>, vector<1x16xf32>,
          %swap3A_1126 = vector.shape_cast %swap3A_1125 : vector<1x16xf32> to vector<16xf32>
          %swap3A_1127 = vector.shape_cast %add3A_1122 : vector<16xf32> to vector<1x16xf32>
          tpu.vector_store %arg6[%swap3A_1123, %swap3A_1124], %swap3A_1127 {strides = array<i32>} : memref<8x4096xf32, #tpu.memory_space<vmem>>, vector<1x16xf32>,
          %mul3A_1128 = arith.constant 256 : i32
          %mul3A_1129 = arith.muli %scan3A_946, %mul3A_1128 : i32
          %add3A_1130 = arith.constant 208 : i32
          %add3A_1131 = arith.addi %mul3A_1129, %add3A_1130 : i32
          %get3A_1132 = arith.index_cast %scan3A_932 : i32 to index
          %get3A_1133 = arith.index_cast %add3A_1131 : i32 to index
          %get3A_1134 = tpu.vector_load %arg6[%get3A_1132, %get3A_1133] {strides = array<i32>} : memref<8x4096xf32, #tpu.memory_space<vmem>>, vector<1x16xf32>,
          %get3A_1135 = vector.shape_cast %get3A_1134 : vector<1x16xf32> to vector<16xf32>
          %add3A_1136 = arith.addf %get3A_1135, %get3A_939 : vector<16xf32>
          %swap3A_1137 = arith.index_cast %scan3A_932 : i32 to index
          %swap3A_1138 = arith.index_cast %add3A_1131 : i32 to index
          %swap3A_1139 = tpu.vector_load %arg6[%swap3A_1137, %swap3A_1138] {strides = array<i32>} : memref<8x4096xf32, #tpu.memory_space<vmem>>, vector<1x16xf32>,
          %swap3A_1140 = vector.shape_cast %swap3A_1139 : vector<1x16xf32> to vector<16xf32>
          %swap3A_1141 = vector.shape_cast %add3A_1136 : vector<16xf32> to vector<1x16xf32>
          tpu.vector_store %arg6[%swap3A_1137, %swap3A_1138], %swap3A_1141 {strides = array<i32>} : memref<8x4096xf32, #tpu.memory_space<vmem>>, vector<1x16xf32>,
          %mul3A_1142 = arith.constant 256 : i32
          %mul3A_1143 = arith.muli %scan3A_946, %mul3A_1142 : i32
          %add3A_1144 = arith.constant 224 : i32
          %add3A_1145 = arith.addi %mul3A_1143, %add3A_1144 : i32
          %get3A_1146 = arith.index_cast %scan3A_932 : i32 to index
          %get3A_1147 = arith.index_cast %add3A_1145 : i32 to index
          %get3A_1148 = tpu.vector_load %arg6[%get3A_1146, %get3A_1147] {strides = array<i32>} : memref<8x4096xf32, #tpu.memory_space<vmem>>, vector<1x16xf32>,
          %get3A_1149 = vector.shape_cast %get3A_1148 : vector<1x16xf32> to vector<16xf32>
          %add3A_1150 = arith.addf %get3A_1149, %get3A_939 : vector<16xf32>
          %swap3A_1151 = arith.index_cast %scan3A_932 : i32 to index
          %swap3A_1152 = arith.index_cast %add3A_1145 : i32 to index
          %swap3A_1153 = tpu.vector_load %arg6[%swap3A_1151, %swap3A_1152] {strides = array<i32>} : memref<8x4096xf32, #tpu.memory_space<vmem>>, vector<1x16xf32>,
          %swap3A_1154 = vector.shape_cast %swap3A_1153 : vector<1x16xf32> to vector<16xf32>
          %swap3A_1155 = vector.shape_cast %add3A_1150 : vector<16xf32> to vector<1x16xf32>
          tpu.vector_store %arg6[%swap3A_1151, %swap3A_1152], %swap3A_1155 {strides = array<i32>} : memref<8x4096xf32, #tpu.memory_space<vmem>>, vector<1x16xf32>,
          %mul3A_1156 = arith.constant 256 : i32
          %mul3A_1157 = arith.muli %scan3A_946, %mul3A_1156 : i32
          %add3A_1158 = arith.constant 240 : i32
          %add3A_1159 = arith.addi %mul3A_1157, %add3A_1158 : i32
          %get3A_1160 = arith.index_cast %scan3A_932 : i32 to index
          %get3A_1161 = arith.index_cast %add3A_1159 : i32 to index
          %get3A_1162 = tpu.vector_load %arg6[%get3A_1160, %get3A_1161] {strides = array<i32>} : memref<8x4096xf32, #tpu.memory_space<vmem>>, vector<1x16xf32>,
          %get3A_1163 = vector.shape_cast %get3A_1162 : vector<1x16xf32> to vector<16xf32>
          %add3A_1164 = arith.addf %get3A_1163, %get3A_939 : vector<16xf32>
          %swap3A_1165 = arith.index_cast %scan3A_932 : i32 to index
          %swap3A_1166 = arith.index_cast %add3A_1159 : i32 to index
          %swap3A_1167 = tpu.vector_load %arg6[%swap3A_1165, %swap3A_1166] {strides = array<i32>} : memref<8x4096xf32, #tpu.memory_space<vmem>>, vector<1x16xf32>,
          %swap3A_1168 = vector.shape_cast %swap3A_1167 : vector<1x16xf32> to vector<16xf32>
          %swap3A_1169 = vector.shape_cast %add3A_1164 : vector<16xf32> to vector<1x16xf32>
          tpu.vector_store %arg6[%swap3A_1165, %swap3A_1166], %swap3A_1169 {strides = array<i32>} : memref<8x4096xf32, #tpu.memory_space<vmem>>, vector<1x16xf32>,
        }
        %scan3A_945 = arith.constant 16 : i32
      }
      %scan3A_501 = arith.constant 8 : i32
      %mul3A_502 = arith.constant 8 : i32
      %mul3A_503 = arith.muli %add3A_446, %mul3A_502 : i32
      %add3A_504 = arith.addi %mul3A_2, %mul3A_503 : i32
      %jit3A_505 = arith.constant 64 : i32
      %div3A_506 = arith.divsi %add3A_504, %jit3A_505 : i32
      %sign3A_507 = arith.constant 0 : i32
      %sign3A_508 = arith.cmpi sgt, %add3A_504, %sign3A_507 : i32
      %sign3A_509 = arith.extui %sign3A_508 : i1 to i32
      %sign3A_510 = arith.constant 0 : i32
      %sign3A_511 = arith.cmpi slt, %add3A_504, %sign3A_510 : i32
      %sign3A_512 = arith.extui %sign3A_511 : i1 to i32
      %sign3A_513 = arith.subi %sign3A_509, %sign3A_512 : i32
      %sign3A_514 = arith.constant 0 : i32
      %sign3A_515 = arith.cmpi sgt, %jit3A_505, %sign3A_514 : i32
      %sign3A_516 = arith.extui %sign3A_515 : i1 to i32
      %sign3A_517 = arith.constant 0 : i32
      %sign3A_518 = arith.cmpi slt, %jit3A_505, %sign3A_517 : i32
      %sign3A_519 = arith.extui %sign3A_518 : i1 to i32
      %sign3A_520 = arith.subi %sign3A_516, %sign3A_519 : i32
      %ne3A_521 = arith.cmpi ne, %sign3A_513, %sign3A_520 : i32
      %rem3A_522 = arith.remsi %add3A_504, %jit3A_505 : i32
      %ne3A_523 = arith.constant 0 : i32
      %ne3A_524 = arith.cmpi ne, %rem3A_522, %ne3A_523 : i32
      %and3A_525 = arith.andi %ne3A_521, %ne3A_524 : i1
      %sub3A_526 = arith.constant 1 : i32
      %sub3A_527 = arith.subi %div3A_506, %sub3A_526 : i32
      %select_n3A_528 = arith.select %and3A_525, %sub3A_527, %div3A_506 : i32
      %jit3A_529 = arith.constant 64 : i32
      %eq3A_530 = arith.constant 0 : i32
      %eq3A_531 = arith.cmpi eq, %jit3A_529, %eq3A_530 : i32
      %jit3A_532 = arith.constant 1 : i32
      %select_n3A_533 = arith.select %eq3A_531, %jit3A_532, %jit3A_529 : i32
      %rem3A_534 = arith.remsi %add3A_504, %select_n3A_533 : i32
      %ne3A_535 = arith.constant 0 : i32
      %ne3A_536 = arith.cmpi ne, %rem3A_534, %ne3A_535 : i32
      %lt3A_537 = arith.constant 0 : i32
      %lt3A_538 = arith.cmpi slt, %rem3A_534, %lt3A_537 : i32
      %lt3A_539 = arith.constant 0 : i32
      %lt3A_540 = arith.cmpi slt, %select_n3A_533, %lt3A_539 : i32
      %ne3A_541 = arith.xori %lt3A_538, %lt3A_540 : i1
      %and3A_542 = arith.andi %ne3A_541, %ne3A_536 : i1
      %add3A_543 = arith.addi %rem3A_534, %select_n3A_533 : i32
      %select_n3A_544 = arith.select %and3A_542, %add3A_543, %rem3A_534 : i32
      %dma_start3A_545 = arith.constant 0 : i32
      %dma_start3A_546 = tpu.memref_slice %arg4[%select_n3A_528, %select_n3A_544, %dma_start3A_545] : memref<200x64x4096xf32, #tpu.memory_space<hbm>> -> memref<1x8x4096xf32, #tpu.memory_space<hbm>>
      %dma_start3A_547 = tpu.memref_squeeze %dma_start3A_546 : memref<1x8x4096xf32, #tpu.memory_space<hbm>> -> memref<8x4096xf32, #tpu.memory_space<hbm>>
      %dma_start3A_548 = arith.constant 0 : i32
      %dma_start3A_549 = tpu.memref_slice %arg4[%select_n3A_528, %select_n3A_544, %dma_start3A_548] : memref<200x64x4096xf32, #tpu.memory_space<hbm>> -> memref<1x8x4096xf32, #tpu.memory_space<hbm>>
      %dma_start3A_550 = tpu.memref_squeeze %dma_start3A_549 : memref<1x8x4096xf32, #tpu.memory_space<hbm>> -> memref<8x4096xf32, #tpu.memory_space<hbm>>
      tpu.enqueue_dma source(%arg6 : memref<8x4096xf32, #tpu.memory_space<vmem>>) target(%dma_start3A_550 : memref<8x4096xf32, #tpu.memory_space<hbm>>) target_semaphore(%arg12 : memref<!tpu.dma_semaphore, #tpu.memory_space<semaphore_mem>>)
      %ge3A = arith.constant 1 : i32
      %ge3A_551 = arith.cmpi sge, %add3A_446, %ge3A : i32
      %convert_element_type3A = arith.extui %ge3A_551 : i1 to i32
      %cond3A = arith.constant 0 : i32
      %cond3A_552 = arith.cmpi ne, %convert_element_type3A, %cond3A : i32
      scf.if %cond3A_552 {
        %sub3A_932 = arith.constant 1 : i32
        %sub3A_933 = arith.subi %add3A_446, %sub3A_932 : i32
        %mul3A_934 = arith.constant 8 : i32
        %mul3A_935 = arith.muli %sub3A_933, %mul3A_934 : i32
        %add3A_936 = arith.addi %mul3A_2, %mul3A_935 : i32
        %jit3A_937 = arith.constant 64 : i32
        %div3A_938 = arith.divsi %add3A_936, %jit3A_937 : i32
        %sign3A_939 = arith.constant 0 : i32
        %sign3A_940 = arith.cmpi sgt, %add3A_936, %sign3A_939 : i32
        %sign3A_941 = arith.extui %sign3A_940 : i1 to i32
        %sign3A_942 = arith.constant 0 : i32
        %sign3A_943 = arith.cmpi slt, %add3A_936, %sign3A_942 : i32
        %sign3A_944 = arith.extui %sign3A_943 : i1 to i32
        %sign3A_945 = arith.subi %sign3A_941, %sign3A_944 : i32
        %sign3A_946 = arith.constant 0 : i32
        %sign3A_947 = arith.cmpi sgt, %jit3A_937, %sign3A_946 : i32
        %sign3A_948 = arith.extui %sign3A_947 : i1 to i32
        %sign3A_949 = arith.constant 0 : i32
        %sign3A_950 = arith.cmpi slt, %jit3A_937, %sign3A_949 : i32
        %sign3A_951 = arith.extui %sign3A_950 : i1 to i32
        %sign3A_952 = arith.subi %sign3A_948, %sign3A_951 : i32
        %ne3A_953 = arith.cmpi ne, %sign3A_945, %sign3A_952 : i32
        %rem3A_954 = arith.remsi %add3A_936, %jit3A_937 : i32
        %ne3A_955 = arith.constant 0 : i32
        %ne3A_956 = arith.cmpi ne, %rem3A_954, %ne3A_955 : i32
        %and3A_957 = arith.andi %ne3A_953, %ne3A_956 : i1
        %sub3A_958 = arith.constant 1 : i32
        %sub3A_959 = arith.subi %div3A_938, %sub3A_958 : i32
        %select_n3A_960 = arith.select %and3A_957, %sub3A_959, %div3A_938 : i32
        %jit3A_961 = arith.constant 64 : i32
        %eq3A_962 = arith.constant 0 : i32
        %eq3A_963 = arith.cmpi eq, %jit3A_961, %eq3A_962 : i32
        %jit3A_964 = arith.constant 1 : i32
        %select_n3A_965 = arith.select %eq3A_963, %jit3A_964, %jit3A_961 : i32
        %rem3A_966 = arith.remsi %add3A_936, %select_n3A_965 : i32
        %ne3A_967 = arith.constant 0 : i32
        %ne3A_968 = arith.cmpi ne, %rem3A_966, %ne3A_967 : i32
        %lt3A_969 = arith.constant 0 : i32
        %lt3A_970 = arith.cmpi slt, %rem3A_966, %lt3A_969 : i32
        %lt3A_971 = arith.constant 0 : i32
        %lt3A_972 = arith.cmpi slt, %select_n3A_965, %lt3A_971 : i32
        %ne3A_973 = arith.xori %lt3A_970, %lt3A_972 : i1
        %and3A_974 = arith.andi %ne3A_973, %ne3A_968 : i1
        %add3A_975 = arith.addi %rem3A_966, %select_n3A_965 : i32
        %select_n3A_976 = arith.select %and3A_974, %add3A_975, %rem3A_966 : i32
        %dma_wait3A_977 = arith.constant 0 : i32
        %dma_wait3A_978 = tpu.memref_slice %arg4[%select_n3A_960, %select_n3A_976, %dma_wait3A_977] : memref<200x64x4096xf32, #tpu.memory_space<hbm>> -> memref<1x8x4096xf32, #tpu.memory_space<hbm>>
        %dma_wait3A_979 = tpu.memref_squeeze %dma_wait3A_978 : memref<1x8x4096xf32, #tpu.memory_space<hbm>> -> memref<8x4096xf32, #tpu.memory_space<hbm>>
        %dma_wait3A_980 = arith.constant 0 : i32
        %dma_wait3A_981 = tpu.memref_slice %arg4[%select_n3A_960, %select_n3A_976, %dma_wait3A_980] : memref<200x64x4096xf32, #tpu.memory_space<hbm>> -> memref<1x8x4096xf32, #tpu.memory_space<hbm>>
        %dma_wait3A_982 = tpu.memref_squeeze %dma_wait3A_981 : memref<1x8x4096xf32, #tpu.memory_space<hbm>> -> memref<8x4096xf32, #tpu.memory_space<hbm>>
        tpu.wait_dma2 semaphore(%arg14 : memref<!tpu.dma_semaphore, #tpu.memory_space<semaphore_mem>>) src(%arg8 : memref<8x4096xf32, #tpu.memory_space<vmem>>) dst(%dma_wait3A_982 : memref<8x4096xf32, #tpu.memory_space<hbm>>)
      } else {
      }
      %add3A_553 = arith.constant 2 : i32
      %add3A_554 = arith.addi %add3A_446, %add3A_553 : i32
      %mul3A_555 = arith.constant 8 : i32
      %mul3A_556 = arith.muli %add3A_554, %mul3A_555 : i32
      %add3A_557 = arith.addi %mul3A_2, %mul3A_556 : i32
      %jit3A_558 = arith.constant 64 : i32
      %div3A_559 = arith.divsi %add3A_557, %jit3A_558 : i32
      %sign3A_560 = arith.constant 0 : i32
      %sign3A_561 = arith.cmpi sgt, %add3A_557, %sign3A_560 : i32
      %sign3A_562 = arith.extui %sign3A_561 : i1 to i32
      %sign3A_563 = arith.constant 0 : i32
      %sign3A_564 = arith.cmpi slt, %add3A_557, %sign3A_563 : i32
      %sign3A_565 = arith.extui %sign3A_564 : i1 to i32
      %sign3A_566 = arith.subi %sign3A_562, %sign3A_565 : i32
      %sign3A_567 = arith.constant 0 : i32
      %sign3A_568 = arith.cmpi sgt, %jit3A_558, %sign3A_567 : i32
      %sign3A_569 = arith.extui %sign3A_568 : i1 to i32
      %sign3A_570 = arith.constant 0 : i32
      %sign3A_571 = arith.cmpi slt, %jit3A_558, %sign3A_570 : i32
      %sign3A_572 = arith.extui %sign3A_571 : i1 to i32
      %sign3A_573 = arith.subi %sign3A_569, %sign3A_572 : i32
      %ne3A_574 = arith.cmpi ne, %sign3A_566, %sign3A_573 : i32
      %rem3A_575 = arith.remsi %add3A_557, %jit3A_558 : i32
      %ne3A_576 = arith.constant 0 : i32
      %ne3A_577 = arith.cmpi ne, %rem3A_575, %ne3A_576 : i32
      %and3A_578 = arith.andi %ne3A_574, %ne3A_577 : i1
      %sub3A_579 = arith.constant 1 : i32
      %sub3A_580 = arith.subi %div3A_559, %sub3A_579 : i32
      %select_n3A_581 = arith.select %and3A_578, %sub3A_580, %div3A_559 : i32
      %jit3A_582 = arith.constant 64 : i32
      %eq3A_583 = arith.constant 0 : i32
      %eq3A_584 = arith.cmpi eq, %jit3A_582, %eq3A_583 : i32
      %jit3A_585 = arith.constant 1 : i32
      %select_n3A_586 = arith.select %eq3A_584, %jit3A_585, %jit3A_582 : i32
      %rem3A_587 = arith.remsi %add3A_557, %select_n3A_586 : i32
      %ne3A_588 = arith.constant 0 : i32
      %ne3A_589 = arith.cmpi ne, %rem3A_587, %ne3A_588 : i32
      %lt3A_590 = arith.constant 0 : i32
      %lt3A_591 = arith.cmpi slt, %rem3A_587, %lt3A_590 : i32
      %lt3A_592 = arith.constant 0 : i32
      %lt3A_593 = arith.cmpi slt, %select_n3A_586, %lt3A_592 : i32
      %ne3A_594 = arith.xori %lt3A_591, %lt3A_593 : i1
      %and3A_595 = arith.andi %ne3A_594, %ne3A_589 : i1
      %add3A_596 = arith.addi %rem3A_587, %select_n3A_586 : i32
      %select_n3A_597 = arith.select %and3A_595, %add3A_596, %rem3A_587 : i32
      %dma_start3A_598 = arith.constant 0 : i32
      %dma_start3A_599 = tpu.memref_slice %arg2[%select_n3A_581, %select_n3A_597, %dma_start3A_598] : memref<200x64x4096xf32, #tpu.memory_space<hbm>> -> memref<1x8x4096xf32, #tpu.memory_space<hbm>>
      %dma_start3A_600 = tpu.memref_squeeze %dma_start3A_599 : memref<1x8x4096xf32, #tpu.memory_space<hbm>> -> memref<8x4096xf32, #tpu.memory_space<hbm>>
      %dma_start3A_601 = arith.constant 0 : i32
      %dma_start3A_602 = tpu.memref_slice %arg2[%select_n3A_581, %select_n3A_597, %dma_start3A_601] : memref<200x64x4096xf32, #tpu.memory_space<hbm>> -> memref<1x8x4096xf32, #tpu.memory_space<hbm>>
      %dma_start3A_603 = tpu.memref_squeeze %dma_start3A_602 : memref<1x8x4096xf32, #tpu.memory_space<hbm>> -> memref<8x4096xf32, #tpu.memory_space<hbm>>
      tpu.enqueue_dma source(%dma_start3A_603 : memref<8x4096xf32, #tpu.memory_space<hbm>>) target(%arg8 : memref<8x4096xf32, #tpu.memory_space<vmem>>) target_semaphore(%arg11 : memref<!tpu.dma_semaphore, #tpu.memory_space<semaphore_mem>>)
      %mul3A_604 = arith.constant 3 : i32
      %mul3A_605 = arith.muli %mul3A_604, %scan3A_442 : i32
      %add3A_606 = arith.constant 1 : i32
      %add3A_607 = arith.addi %mul3A_605, %add3A_606 : i32
      %mul3A_608 = arith.constant 8 : i32
      %mul3A_609 = arith.muli %add3A_607, %mul3A_608 : i32
      %add3A_610 = arith.addi %mul3A_2, %mul3A_609 : i32
      %jit3A_611 = arith.constant 64 : i32
      %div3A_612 = arith.divsi %add3A_610, %jit3A_611 : i32
      %sign3A_613 = arith.constant 0 : i32
      %sign3A_614 = arith.cmpi sgt, %add3A_610, %sign3A_613 : i32
      %sign3A_615 = arith.extui %sign3A_614 : i1 to i32
      %sign3A_616 = arith.constant 0 : i32
      %sign3A_617 = arith.cmpi slt, %add3A_610, %sign3A_616 : i32
      %sign3A_618 = arith.extui %sign3A_617 : i1 to i32
      %sign3A_619 = arith.subi %sign3A_615, %sign3A_618 : i32
      %sign3A_620 = arith.constant 0 : i32
      %sign3A_621 = arith.cmpi sgt, %jit3A_611, %sign3A_620 : i32
      %sign3A_622 = arith.extui %sign3A_621 : i1 to i32
      %sign3A_623 = arith.constant 0 : i32
      %sign3A_624 = arith.cmpi slt, %jit3A_611, %sign3A_623 : i32
      %sign3A_625 = arith.extui %sign3A_624 : i1 to i32
      %sign3A_626 = arith.subi %sign3A_622, %sign3A_625 : i32
      %ne3A_627 = arith.cmpi ne, %sign3A_619, %sign3A_626 : i32
      %rem3A_628 = arith.remsi %add3A_610, %jit3A_611 : i32
      %ne3A_629 = arith.constant 0 : i32
      %ne3A_630 = arith.cmpi ne, %rem3A_628, %ne3A_629 : i32
      %and3A_631 = arith.andi %ne3A_627, %ne3A_630 : i1
      %sub3A_632 = arith.constant 1 : i32
      %sub3A_633 = arith.subi %div3A_612, %sub3A_632 : i32
      %select_n3A_634 = arith.select %and3A_631, %sub3A_633, %div3A_612 : i32
      %jit3A_635 = arith.constant 64 : i32
      %eq3A_636 = arith.constant 0 : i32
      %eq3A_637 = arith.cmpi eq, %jit3A_635, %eq3A_636 : i32
      %jit3A_638 = arith.constant 1 : i32
      %select_n3A_639 = arith.select %eq3A_637, %jit3A_638, %jit3A_635 : i32
      %rem3A_640 = arith.remsi %add3A_610, %select_n3A_639 : i32
      %ne3A_641 = arith.constant 0 : i32
      %ne3A_642 = arith.cmpi ne, %rem3A_640, %ne3A_641 : i32
      %lt3A_643 = arith.constant 0 : i32
      %lt3A_644 = arith.cmpi slt, %rem3A_640, %lt3A_643 : i32
      %lt3A_645 = arith.constant 0 : i32
      %lt3A_646 = arith.cmpi slt, %select_n3A_639, %lt3A_645 : i32
      %ne3A_647 = arith.xori %lt3A_644, %lt3A_646 : i1
      %and3A_648 = arith.andi %ne3A_647, %ne3A_642 : i1
      %add3A_649 = arith.addi %rem3A_640, %select_n3A_639 : i32
      %select_n3A_650 = arith.select %and3A_648, %add3A_649, %rem3A_640 : i32
      %dma_wait3A_651 = arith.constant 0 : i32
      %dma_wait3A_652 = tpu.memref_slice %arg2[%select_n3A_634, %select_n3A_650, %dma_wait3A_651] : memref<200x64x4096xf32, #tpu.memory_space<hbm>> -> memref<1x8x4096xf32, #tpu.memory_space<hbm>>
      %dma_wait3A_653 = tpu.memref_squeeze %dma_wait3A_652 : memref<1x8x4096xf32, #tpu.memory_space<hbm>> -> memref<8x4096xf32, #tpu.memory_space<hbm>>
      %dma_wait3A_654 = arith.constant 0 : i32
      %dma_wait3A_655 = tpu.memref_slice %arg2[%select_n3A_634, %select_n3A_650, %dma_wait3A_654] : memref<200x64x4096xf32, #tpu.memory_space<hbm>> -> memref<1x8x4096xf32, #tpu.memory_space<hbm>>
      %dma_wait3A_656 = tpu.memref_squeeze %dma_wait3A_655 : memref<1x8x4096xf32, #tpu.memory_space<hbm>> -> memref<8x4096xf32, #tpu.memory_space<hbm>>
      tpu.wait_dma2 semaphore(%arg10 : memref<!tpu.dma_semaphore, #tpu.memory_space<semaphore_mem>>) src(%dma_wait3A_656 : memref<8x4096xf32, #tpu.memory_space<hbm>>) dst(%arg7 : memref<8x4096xf32, #tpu.memory_space<vmem>>)
      %scan3A_657 = arith.constant 0 : i32
      %scan3A_658 = arith.constant 0 : i32
      %scan3A_659 = arith.constant 8 : i32
      %scan3A_660 = arith.addi %scan3A_658, %scan3A_659 : i32
      %scan3A_661 = arith.constant 1 : i32
      scf.for %scan3A_932 = %scan3A_658 to %scan3A_660 step %scan3A_661  : i32 {
        %mul3A_933 = arith.constant 8 : i32
        %mul3A_934 = arith.muli %mul3A_933, %add3A_607 : i32
        %add3A_935 = arith.addi %mul3A_934, %scan3A_932 : i32
        %mul3A_936 = arith.constant 16 : i32
        %mul3A_937 = arith.muli %add3A_935, %mul3A_936 : i32
        %get3A = arith.index_cast %mul3A_937 : i32 to index
        %get3A_938 = tpu.vector_load %arg5[%get3A] {strides = array<i32>} : memref<6400xf32, #tpu.memory_space<vmem>>, vector<16xf32>,
        %get3A_939 = vector.shape_cast %get3A_938 : vector<16xf32> to vector<16xf32>
        %scan3A_940 = arith.constant 0 : i32
        %scan3A_941 = arith.constant 0 : i32
        %scan3A_942 = arith.constant 16 : i32
        %scan3A_943 = arith.addi %scan3A_941, %scan3A_942 : i32
        %scan3A_944 = arith.constant 1 : i32
        scf.for %scan3A_946 = %scan3A_941 to %scan3A_943 step %scan3A_944  : i32 {
          %mul3A_947 = arith.constant 256 : i32
          %mul3A_948 = arith.muli %scan3A_946, %mul3A_947 : i32
          %add3A_949 = arith.constant 0 : i32
          %add3A_950 = arith.addi %mul3A_948, %add3A_949 : i32
          %get3A_951 = arith.index_cast %scan3A_932 : i32 to index
          %get3A_952 = arith.index_cast %add3A_950 : i32 to index
          %get3A_953 = tpu.vector_load %arg7[%get3A_951, %get3A_952] {strides = array<i32>} : memref<8x4096xf32, #tpu.memory_space<vmem>>, vector<1x16xf32>,
          %get3A_954 = vector.shape_cast %get3A_953 : vector<1x16xf32> to vector<16xf32>
          %add3A_955 = arith.addf %get3A_954, %get3A_939 : vector<16xf32>
          %swap3A = arith.index_cast %scan3A_932 : i32 to index
          %swap3A_956 = arith.index_cast %add3A_950 : i32 to index
          %swap3A_957 = tpu.vector_load %arg7[%swap3A, %swap3A_956] {strides = array<i32>} : memref<8x4096xf32, #tpu.memory_space<vmem>>, vector<1x16xf32>,
          %swap3A_958 = vector.shape_cast %swap3A_957 : vector<1x16xf32> to vector<16xf32>
          %swap3A_959 = vector.shape_cast %add3A_955 : vector<16xf32> to vector<1x16xf32>
          tpu.vector_store %arg7[%swap3A, %swap3A_956], %swap3A_959 {strides = array<i32>} : memref<8x4096xf32, #tpu.memory_space<vmem>>, vector<1x16xf32>,
          %mul3A_960 = arith.constant 256 : i32
          %mul3A_961 = arith.muli %scan3A_946, %mul3A_960 : i32
          %add3A_962 = arith.constant 16 : i32
          %add3A_963 = arith.addi %mul3A_961, %add3A_962 : i32
          %get3A_964 = arith.index_cast %scan3A_932 : i32 to index
          %get3A_965 = arith.index_cast %add3A_963 : i32 to index
          %get3A_966 = tpu.vector_load %arg7[%get3A_964, %get3A_965] {strides = array<i32>} : memref<8x4096xf32, #tpu.memory_space<vmem>>, vector<1x16xf32>,
          %get3A_967 = vector.shape_cast %get3A_966 : vector<1x16xf32> to vector<16xf32>
          %add3A_968 = arith.addf %get3A_967, %get3A_939 : vector<16xf32>
          %swap3A_969 = arith.index_cast %scan3A_932 : i32 to index
          %swap3A_970 = arith.index_cast %add3A_963 : i32 to index
          %swap3A_971 = tpu.vector_load %arg7[%swap3A_969, %swap3A_970] {strides = array<i32>} : memref<8x4096xf32, #tpu.memory_space<vmem>>, vector<1x16xf32>,
          %swap3A_972 = vector.shape_cast %swap3A_971 : vector<1x16xf32> to vector<16xf32>
          %swap3A_973 = vector.shape_cast %add3A_968 : vector<16xf32> to vector<1x16xf32>
          tpu.vector_store %arg7[%swap3A_969, %swap3A_970], %swap3A_973 {strides = array<i32>} : memref<8x4096xf32, #tpu.memory_space<vmem>>, vector<1x16xf32>,
          %mul3A_974 = arith.constant 256 : i32
          %mul3A_975 = arith.muli %scan3A_946, %mul3A_974 : i32
          %add3A_976 = arith.constant 32 : i32
          %add3A_977 = arith.addi %mul3A_975, %add3A_976 : i32
          %get3A_978 = arith.index_cast %scan3A_932 : i32 to index
          %get3A_979 = arith.index_cast %add3A_977 : i32 to index
          %get3A_980 = tpu.vector_load %arg7[%get3A_978, %get3A_979] {strides = array<i32>} : memref<8x4096xf32, #tpu.memory_space<vmem>>, vector<1x16xf32>,
          %get3A_981 = vector.shape_cast %get3A_980 : vector<1x16xf32> to vector<16xf32>
          %add3A_982 = arith.addf %get3A_981, %get3A_939 : vector<16xf32>
          %swap3A_983 = arith.index_cast %scan3A_932 : i32 to index
          %swap3A_984 = arith.index_cast %add3A_977 : i32 to index
          %swap3A_985 = tpu.vector_load %arg7[%swap3A_983, %swap3A_984] {strides = array<i32>} : memref<8x4096xf32, #tpu.memory_space<vmem>>, vector<1x16xf32>,
          %swap3A_986 = vector.shape_cast %swap3A_985 : vector<1x16xf32> to vector<16xf32>
          %swap3A_987 = vector.shape_cast %add3A_982 : vector<16xf32> to vector<1x16xf32>
          tpu.vector_store %arg7[%swap3A_983, %swap3A_984], %swap3A_987 {strides = array<i32>} : memref<8x4096xf32, #tpu.memory_space<vmem>>, vector<1x16xf32>,
          %mul3A_988 = arith.constant 256 : i32
          %mul3A_989 = arith.muli %scan3A_946, %mul3A_988 : i32
          %add3A_990 = arith.constant 48 : i32
          %add3A_991 = arith.addi %mul3A_989, %add3A_990 : i32
          %get3A_992 = arith.index_cast %scan3A_932 : i32 to index
          %get3A_993 = arith.index_cast %add3A_991 : i32 to index
          %get3A_994 = tpu.vector_load %arg7[%get3A_992, %get3A_993] {strides = array<i32>} : memref<8x4096xf32, #tpu.memory_space<vmem>>, vector<1x16xf32>,
          %get3A_995 = vector.shape_cast %get3A_994 : vector<1x16xf32> to vector<16xf32>
          %add3A_996 = arith.addf %get3A_995, %get3A_939 : vector<16xf32>
          %swap3A_997 = arith.index_cast %scan3A_932 : i32 to index
          %swap3A_998 = arith.index_cast %add3A_991 : i32 to index
          %swap3A_999 = tpu.vector_load %arg7[%swap3A_997, %swap3A_998] {strides = array<i32>} : memref<8x4096xf32, #tpu.memory_space<vmem>>, vector<1x16xf32>,
          %swap3A_1000 = vector.shape_cast %swap3A_999 : vector<1x16xf32> to vector<16xf32>
          %swap3A_1001 = vector.shape_cast %add3A_996 : vector<16xf32> to vector<1x16xf32>
          tpu.vector_store %arg7[%swap3A_997, %swap3A_998], %swap3A_1001 {strides = array<i32>} : memref<8x4096xf32, #tpu.memory_space<vmem>>, vector<1x16xf32>,
          %mul3A_1002 = arith.constant 256 : i32
          %mul3A_1003 = arith.muli %scan3A_946, %mul3A_1002 : i32
          %add3A_1004 = arith.constant 64 : i32
          %add3A_1005 = arith.addi %mul3A_1003, %add3A_1004 : i32
          %get3A_1006 = arith.index_cast %scan3A_932 : i32 to index
          %get3A_1007 = arith.index_cast %add3A_1005 : i32 to index
          %get3A_1008 = tpu.vector_load %arg7[%get3A_1006, %get3A_1007] {strides = array<i32>} : memref<8x4096xf32, #tpu.memory_space<vmem>>, vector<1x16xf32>,
          %get3A_1009 = vector.shape_cast %get3A_1008 : vector<1x16xf32> to vector<16xf32>
          %add3A_1010 = arith.addf %get3A_1009, %get3A_939 : vector<16xf32>
          %swap3A_1011 = arith.index_cast %scan3A_932 : i32 to index
          %swap3A_1012 = arith.index_cast %add3A_1005 : i32 to index
          %swap3A_1013 = tpu.vector_load %arg7[%swap3A_1011, %swap3A_1012] {strides = array<i32>} : memref<8x4096xf32, #tpu.memory_space<vmem>>, vector<1x16xf32>,
          %swap3A_1014 = vector.shape_cast %swap3A_1013 : vector<1x16xf32> to vector<16xf32>
          %swap3A_1015 = vector.shape_cast %add3A_1010 : vector<16xf32> to vector<1x16xf32>
          tpu.vector_store %arg7[%swap3A_1011, %swap3A_1012], %swap3A_1015 {strides = array<i32>} : memref<8x4096xf32, #tpu.memory_space<vmem>>, vector<1x16xf32>,
          %mul3A_1016 = arith.constant 256 : i32
          %mul3A_1017 = arith.muli %scan3A_946, %mul3A_1016 : i32
          %add3A_1018 = arith.constant 80 : i32
          %add3A_1019 = arith.addi %mul3A_1017, %add3A_1018 : i32
          %get3A_1020 = arith.index_cast %scan3A_932 : i32 to index
          %get3A_1021 = arith.index_cast %add3A_1019 : i32 to index
          %get3A_1022 = tpu.vector_load %arg7[%get3A_1020, %get3A_1021] {strides = array<i32>} : memref<8x4096xf32, #tpu.memory_space<vmem>>, vector<1x16xf32>,
          %get3A_1023 = vector.shape_cast %get3A_1022 : vector<1x16xf32> to vector<16xf32>
          %add3A_1024 = arith.addf %get3A_1023, %get3A_939 : vector<16xf32>
          %swap3A_1025 = arith.index_cast %scan3A_932 : i32 to index
          %swap3A_1026 = arith.index_cast %add3A_1019 : i32 to index
          %swap3A_1027 = tpu.vector_load %arg7[%swap3A_1025, %swap3A_1026] {strides = array<i32>} : memref<8x4096xf32, #tpu.memory_space<vmem>>, vector<1x16xf32>,
          %swap3A_1028 = vector.shape_cast %swap3A_1027 : vector<1x16xf32> to vector<16xf32>
          %swap3A_1029 = vector.shape_cast %add3A_1024 : vector<16xf32> to vector<1x16xf32>
          tpu.vector_store %arg7[%swap3A_1025, %swap3A_1026], %swap3A_1029 {strides = array<i32>} : memref<8x4096xf32, #tpu.memory_space<vmem>>, vector<1x16xf32>,
          %mul3A_1030 = arith.constant 256 : i32
          %mul3A_1031 = arith.muli %scan3A_946, %mul3A_1030 : i32
          %add3A_1032 = arith.constant 96 : i32
          %add3A_1033 = arith.addi %mul3A_1031, %add3A_1032 : i32
          %get3A_1034 = arith.index_cast %scan3A_932 : i32 to index
          %get3A_1035 = arith.index_cast %add3A_1033 : i32 to index
          %get3A_1036 = tpu.vector_load %arg7[%get3A_1034, %get3A_1035] {strides = array<i32>} : memref<8x4096xf32, #tpu.memory_space<vmem>>, vector<1x16xf32>,
          %get3A_1037 = vector.shape_cast %get3A_1036 : vector<1x16xf32> to vector<16xf32>
          %add3A_1038 = arith.addf %get3A_1037, %get3A_939 : vector<16xf32>
          %swap3A_1039 = arith.index_cast %scan3A_932 : i32 to index
          %swap3A_1040 = arith.index_cast %add3A_1033 : i32 to index
          %swap3A_1041 = tpu.vector_load %arg7[%swap3A_1039, %swap3A_1040] {strides = array<i32>} : memref<8x4096xf32, #tpu.memory_space<vmem>>, vector<1x16xf32>,
          %swap3A_1042 = vector.shape_cast %swap3A_1041 : vector<1x16xf32> to vector<16xf32>
          %swap3A_1043 = vector.shape_cast %add3A_1038 : vector<16xf32> to vector<1x16xf32>
          tpu.vector_store %arg7[%swap3A_1039, %swap3A_1040], %swap3A_1043 {strides = array<i32>} : memref<8x4096xf32, #tpu.memory_space<vmem>>, vector<1x16xf32>,
          %mul3A_1044 = arith.constant 256 : i32
          %mul3A_1045 = arith.muli %scan3A_946, %mul3A_1044 : i32
          %add3A_1046 = arith.constant 112 : i32
          %add3A_1047 = arith.addi %mul3A_1045, %add3A_1046 : i32
          %get3A_1048 = arith.index_cast %scan3A_932 : i32 to index
          %get3A_1049 = arith.index_cast %add3A_1047 : i32 to index
          %get3A_1050 = tpu.vector_load %arg7[%get3A_1048, %get3A_1049] {strides = array<i32>} : memref<8x4096xf32, #tpu.memory_space<vmem>>, vector<1x16xf32>,
          %get3A_1051 = vector.shape_cast %get3A_1050 : vector<1x16xf32> to vector<16xf32>
          %add3A_1052 = arith.addf %get3A_1051, %get3A_939 : vector<16xf32>
          %swap3A_1053 = arith.index_cast %scan3A_932 : i32 to index
          %swap3A_1054 = arith.index_cast %add3A_1047 : i32 to index
          %swap3A_1055 = tpu.vector_load %arg7[%swap3A_1053, %swap3A_1054] {strides = array<i32>} : memref<8x4096xf32, #tpu.memory_space<vmem>>, vector<1x16xf32>,
          %swap3A_1056 = vector.shape_cast %swap3A_1055 : vector<1x16xf32> to vector<16xf32>
          %swap3A_1057 = vector.shape_cast %add3A_1052 : vector<16xf32> to vector<1x16xf32>
          tpu.vector_store %arg7[%swap3A_1053, %swap3A_1054], %swap3A_1057 {strides = array<i32>} : memref<8x4096xf32, #tpu.memory_space<vmem>>, vector<1x16xf32>,
          %mul3A_1058 = arith.constant 256 : i32
          %mul3A_1059 = arith.muli %scan3A_946, %mul3A_1058 : i32
          %add3A_1060 = arith.constant 128 : i32
          %add3A_1061 = arith.addi %mul3A_1059, %add3A_1060 : i32
          %get3A_1062 = arith.index_cast %scan3A_932 : i32 to index
          %get3A_1063 = arith.index_cast %add3A_1061 : i32 to index
          %get3A_1064 = tpu.vector_load %arg7[%get3A_1062, %get3A_1063] {strides = array<i32>} : memref<8x4096xf32, #tpu.memory_space<vmem>>, vector<1x16xf32>,
          %get3A_1065 = vector.shape_cast %get3A_1064 : vector<1x16xf32> to vector<16xf32>
          %add3A_1066 = arith.addf %get3A_1065, %get3A_939 : vector<16xf32>
          %swap3A_1067 = arith.index_cast %scan3A_932 : i32 to index
          %swap3A_1068 = arith.index_cast %add3A_1061 : i32 to index
          %swap3A_1069 = tpu.vector_load %arg7[%swap3A_1067, %swap3A_1068] {strides = array<i32>} : memref<8x4096xf32, #tpu.memory_space<vmem>>, vector<1x16xf32>,
          %swap3A_1070 = vector.shape_cast %swap3A_1069 : vector<1x16xf32> to vector<16xf32>
          %swap3A_1071 = vector.shape_cast %add3A_1066 : vector<16xf32> to vector<1x16xf32>
          tpu.vector_store %arg7[%swap3A_1067, %swap3A_1068], %swap3A_1071 {strides = array<i32>} : memref<8x4096xf32, #tpu.memory_space<vmem>>, vector<1x16xf32>,
          %mul3A_1072 = arith.constant 256 : i32
          %mul3A_1073 = arith.muli %scan3A_946, %mul3A_1072 : i32
          %add3A_1074 = arith.constant 144 : i32
          %add3A_1075 = arith.addi %mul3A_1073, %add3A_1074 : i32
          %get3A_1076 = arith.index_cast %scan3A_932 : i32 to index
          %get3A_1077 = arith.index_cast %add3A_1075 : i32 to index
          %get3A_1078 = tpu.vector_load %arg7[%get3A_1076, %get3A_1077] {strides = array<i32>} : memref<8x4096xf32, #tpu.memory_space<vmem>>, vector<1x16xf32>,
          %get3A_1079 = vector.shape_cast %get3A_1078 : vector<1x16xf32> to vector<16xf32>
          %add3A_1080 = arith.addf %get3A_1079, %get3A_939 : vector<16xf32>
          %swap3A_1081 = arith.index_cast %scan3A_932 : i32 to index
          %swap3A_1082 = arith.index_cast %add3A_1075 : i32 to index
          %swap3A_1083 = tpu.vector_load %arg7[%swap3A_1081, %swap3A_1082] {strides = array<i32>} : memref<8x4096xf32, #tpu.memory_space<vmem>>, vector<1x16xf32>,
          %swap3A_1084 = vector.shape_cast %swap3A_1083 : vector<1x16xf32> to vector<16xf32>
          %swap3A_1085 = vector.shape_cast %add3A_1080 : vector<16xf32> to vector<1x16xf32>
          tpu.vector_store %arg7[%swap3A_1081, %swap3A_1082], %swap3A_1085 {strides = array<i32>} : memref<8x4096xf32, #tpu.memory_space<vmem>>, vector<1x16xf32>,
          %mul3A_1086 = arith.constant 256 : i32
          %mul3A_1087 = arith.muli %scan3A_946, %mul3A_1086 : i32
          %add3A_1088 = arith.constant 160 : i32
          %add3A_1089 = arith.addi %mul3A_1087, %add3A_1088 : i32
          %get3A_1090 = arith.index_cast %scan3A_932 : i32 to index
          %get3A_1091 = arith.index_cast %add3A_1089 : i32 to index
          %get3A_1092 = tpu.vector_load %arg7[%get3A_1090, %get3A_1091] {strides = array<i32>} : memref<8x4096xf32, #tpu.memory_space<vmem>>, vector<1x16xf32>,
          %get3A_1093 = vector.shape_cast %get3A_1092 : vector<1x16xf32> to vector<16xf32>
          %add3A_1094 = arith.addf %get3A_1093, %get3A_939 : vector<16xf32>
          %swap3A_1095 = arith.index_cast %scan3A_932 : i32 to index
          %swap3A_1096 = arith.index_cast %add3A_1089 : i32 to index
          %swap3A_1097 = tpu.vector_load %arg7[%swap3A_1095, %swap3A_1096] {strides = array<i32>} : memref<8x4096xf32, #tpu.memory_space<vmem>>, vector<1x16xf32>,
          %swap3A_1098 = vector.shape_cast %swap3A_1097 : vector<1x16xf32> to vector<16xf32>
          %swap3A_1099 = vector.shape_cast %add3A_1094 : vector<16xf32> to vector<1x16xf32>
          tpu.vector_store %arg7[%swap3A_1095, %swap3A_1096], %swap3A_1099 {strides = array<i32>} : memref<8x4096xf32, #tpu.memory_space<vmem>>, vector<1x16xf32>,
          %mul3A_1100 = arith.constant 256 : i32
          %mul3A_1101 = arith.muli %scan3A_946, %mul3A_1100 : i32
          %add3A_1102 = arith.constant 176 : i32
          %add3A_1103 = arith.addi %mul3A_1101, %add3A_1102 : i32
          %get3A_1104 = arith.index_cast %scan3A_932 : i32 to index
          %get3A_1105 = arith.index_cast %add3A_1103 : i32 to index
          %get3A_1106 = tpu.vector_load %arg7[%get3A_1104, %get3A_1105] {strides = array<i32>} : memref<8x4096xf32, #tpu.memory_space<vmem>>, vector<1x16xf32>,
          %get3A_1107 = vector.shape_cast %get3A_1106 : vector<1x16xf32> to vector<16xf32>
          %add3A_1108 = arith.addf %get3A_1107, %get3A_939 : vector<16xf32>
          %swap3A_1109 = arith.index_cast %scan3A_932 : i32 to index
          %swap3A_1110 = arith.index_cast %add3A_1103 : i32 to index
          %swap3A_1111 = tpu.vector_load %arg7[%swap3A_1109, %swap3A_1110] {strides = array<i32>} : memref<8x4096xf32, #tpu.memory_space<vmem>>, vector<1x16xf32>,
          %swap3A_1112 = vector.shape_cast %swap3A_1111 : vector<1x16xf32> to vector<16xf32>
          %swap3A_1113 = vector.shape_cast %add3A_1108 : vector<16xf32> to vector<1x16xf32>
          tpu.vector_store %arg7[%swap3A_1109, %swap3A_1110], %swap3A_1113 {strides = array<i32>} : memref<8x4096xf32, #tpu.memory_space<vmem>>, vector<1x16xf32>,
          %mul3A_1114 = arith.constant 256 : i32
          %mul3A_1115 = arith.muli %scan3A_946, %mul3A_1114 : i32
          %add3A_1116 = arith.constant 192 : i32
          %add3A_1117 = arith.addi %mul3A_1115, %add3A_1116 : i32
          %get3A_1118 = arith.index_cast %scan3A_932 : i32 to index
          %get3A_1119 = arith.index_cast %add3A_1117 : i32 to index
          %get3A_1120 = tpu.vector_load %arg7[%get3A_1118, %get3A_1119] {strides = array<i32>} : memref<8x4096xf32, #tpu.memory_space<vmem>>, vector<1x16xf32>,
          %get3A_1121 = vector.shape_cast %get3A_1120 : vector<1x16xf32> to vector<16xf32>
          %add3A_1122 = arith.addf %get3A_1121, %get3A_939 : vector<16xf32>
          %swap3A_1123 = arith.index_cast %scan3A_932 : i32 to index
          %swap3A_1124 = arith.index_cast %add3A_1117 : i32 to index
          %swap3A_1125 = tpu.vector_load %arg7[%swap3A_1123, %swap3A_1124] {strides = array<i32>} : memref<8x4096xf32, #tpu.memory_space<vmem>>, vector<1x16xf32>,
          %swap3A_1126 = vector.shape_cast %swap3A_1125 : vector<1x16xf32> to vector<16xf32>
          %swap3A_1127 = vector.shape_cast %add3A_1122 : vector<16xf32> to vector<1x16xf32>
          tpu.vector_store %arg7[%swap3A_1123, %swap3A_1124], %swap3A_1127 {strides = array<i32>} : memref<8x4096xf32, #tpu.memory_space<vmem>>, vector<1x16xf32>,
          %mul3A_1128 = arith.constant 256 : i32
          %mul3A_1129 = arith.muli %scan3A_946, %mul3A_1128 : i32
          %add3A_1130 = arith.constant 208 : i32
          %add3A_1131 = arith.addi %mul3A_1129, %add3A_1130 : i32
          %get3A_1132 = arith.index_cast %scan3A_932 : i32 to index
          %get3A_1133 = arith.index_cast %add3A_1131 : i32 to index
          %get3A_1134 = tpu.vector_load %arg7[%get3A_1132, %get3A_1133] {strides = array<i32>} : memref<8x4096xf32, #tpu.memory_space<vmem>>, vector<1x16xf32>,
          %get3A_1135 = vector.shape_cast %get3A_1134 : vector<1x16xf32> to vector<16xf32>
          %add3A_1136 = arith.addf %get3A_1135, %get3A_939 : vector<16xf32>
          %swap3A_1137 = arith.index_cast %scan3A_932 : i32 to index
          %swap3A_1138 = arith.index_cast %add3A_1131 : i32 to index
          %swap3A_1139 = tpu.vector_load %arg7[%swap3A_1137, %swap3A_1138] {strides = array<i32>} : memref<8x4096xf32, #tpu.memory_space<vmem>>, vector<1x16xf32>,
          %swap3A_1140 = vector.shape_cast %swap3A_1139 : vector<1x16xf32> to vector<16xf32>
          %swap3A_1141 = vector.shape_cast %add3A_1136 : vector<16xf32> to vector<1x16xf32>
          tpu.vector_store %arg7[%swap3A_1137, %swap3A_1138], %swap3A_1141 {strides = array<i32>} : memref<8x4096xf32, #tpu.memory_space<vmem>>, vector<1x16xf32>,
          %mul3A_1142 = arith.constant 256 : i32
          %mul3A_1143 = arith.muli %scan3A_946, %mul3A_1142 : i32
          %add3A_1144 = arith.constant 224 : i32
          %add3A_1145 = arith.addi %mul3A_1143, %add3A_1144 : i32
          %get3A_1146 = arith.index_cast %scan3A_932 : i32 to index
          %get3A_1147 = arith.index_cast %add3A_1145 : i32 to index
          %get3A_1148 = tpu.vector_load %arg7[%get3A_1146, %get3A_1147] {strides = array<i32>} : memref<8x4096xf32, #tpu.memory_space<vmem>>, vector<1x16xf32>,
          %get3A_1149 = vector.shape_cast %get3A_1148 : vector<1x16xf32> to vector<16xf32>
          %add3A_1150 = arith.addf %get3A_1149, %get3A_939 : vector<16xf32>
          %swap3A_1151 = arith.index_cast %scan3A_932 : i32 to index
          %swap3A_1152 = arith.index_cast %add3A_1145 : i32 to index
          %swap3A_1153 = tpu.vector_load %arg7[%swap3A_1151, %swap3A_1152] {strides = array<i32>} : memref<8x4096xf32, #tpu.memory_space<vmem>>, vector<1x16xf32>,
          %swap3A_1154 = vector.shape_cast %swap3A_1153 : vector<1x16xf32> to vector<16xf32>
          %swap3A_1155 = vector.shape_cast %add3A_1150 : vector<16xf32> to vector<1x16xf32>
          tpu.vector_store %arg7[%swap3A_1151, %swap3A_1152], %swap3A_1155 {strides = array<i32>} : memref<8x4096xf32, #tpu.memory_space<vmem>>, vector<1x16xf32>,
          %mul3A_1156 = arith.constant 256 : i32
          %mul3A_1157 = arith.muli %scan3A_946, %mul3A_1156 : i32
          %add3A_1158 = arith.constant 240 : i32
          %add3A_1159 = arith.addi %mul3A_1157, %add3A_1158 : i32
          %get3A_1160 = arith.index_cast %scan3A_932 : i32 to index
          %get3A_1161 = arith.index_cast %add3A_1159 : i32 to index
          %get3A_1162 = tpu.vector_load %arg7[%get3A_1160, %get3A_1161] {strides = array<i32>} : memref<8x4096xf32, #tpu.memory_space<vmem>>, vector<1x16xf32>,
          %get3A_1163 = vector.shape_cast %get3A_1162 : vector<1x16xf32> to vector<16xf32>
          %add3A_1164 = arith.addf %get3A_1163, %get3A_939 : vector<16xf32>
          %swap3A_1165 = arith.index_cast %scan3A_932 : i32 to index
          %swap3A_1166 = arith.index_cast %add3A_1159 : i32 to index
          %swap3A_1167 = tpu.vector_load %arg7[%swap3A_1165, %swap3A_1166] {strides = array<i32>} : memref<8x4096xf32, #tpu.memory_space<vmem>>, vector<1x16xf32>,
          %swap3A_1168 = vector.shape_cast %swap3A_1167 : vector<1x16xf32> to vector<16xf32>
          %swap3A_1169 = vector.shape_cast %add3A_1164 : vector<16xf32> to vector<1x16xf32>
          tpu.vector_store %arg7[%swap3A_1165, %swap3A_1166], %swap3A_1169 {strides = array<i32>} : memref<8x4096xf32, #tpu.memory_space<vmem>>, vector<1x16xf32>,
        }
        %scan3A_945 = arith.constant 16 : i32
      }
      %scan3A_662 = arith.constant 8 : i32
      %mul3A_663 = arith.constant 8 : i32
      %mul3A_664 = arith.muli %add3A_607, %mul3A_663 : i32
      %add3A_665 = arith.addi %mul3A_2, %mul3A_664 : i32
      %jit3A_666 = arith.constant 64 : i32
      %div3A_667 = arith.divsi %add3A_665, %jit3A_666 : i32
      %sign3A_668 = arith.constant 0 : i32
      %sign3A_669 = arith.cmpi sgt, %add3A_665, %sign3A_668 : i32
      %sign3A_670 = arith.extui %sign3A_669 : i1 to i32
      %sign3A_671 = arith.constant 0 : i32
      %sign3A_672 = arith.cmpi slt, %add3A_665, %sign3A_671 : i32
      %sign3A_673 = arith.extui %sign3A_672 : i1 to i32
      %sign3A_674 = arith.subi %sign3A_670, %sign3A_673 : i32
      %sign3A_675 = arith.constant 0 : i32
      %sign3A_676 = arith.cmpi sgt, %jit3A_666, %sign3A_675 : i32
      %sign3A_677 = arith.extui %sign3A_676 : i1 to i32
      %sign3A_678 = arith.constant 0 : i32
      %sign3A_679 = arith.cmpi slt, %jit3A_666, %sign3A_678 : i32
      %sign3A_680 = arith.extui %sign3A_679 : i1 to i32
      %sign3A_681 = arith.subi %sign3A_677, %sign3A_680 : i32
      %ne3A_682 = arith.cmpi ne, %sign3A_674, %sign3A_681 : i32
      %rem3A_683 = arith.remsi %add3A_665, %jit3A_666 : i32
      %ne3A_684 = arith.constant 0 : i32
      %ne3A_685 = arith.cmpi ne, %rem3A_683, %ne3A_684 : i32
      %and3A_686 = arith.andi %ne3A_682, %ne3A_685 : i1
      %sub3A_687 = arith.constant 1 : i32
      %sub3A_688 = arith.subi %div3A_667, %sub3A_687 : i32
      %select_n3A_689 = arith.select %and3A_686, %sub3A_688, %div3A_667 : i32
      %jit3A_690 = arith.constant 64 : i32
      %eq3A_691 = arith.constant 0 : i32
      %eq3A_692 = arith.cmpi eq, %jit3A_690, %eq3A_691 : i32
      %jit3A_693 = arith.constant 1 : i32
      %select_n3A_694 = arith.select %eq3A_692, %jit3A_693, %jit3A_690 : i32
      %rem3A_695 = arith.remsi %add3A_665, %select_n3A_694 : i32
      %ne3A_696 = arith.constant 0 : i32
      %ne3A_697 = arith.cmpi ne, %rem3A_695, %ne3A_696 : i32
      %lt3A_698 = arith.constant 0 : i32
      %lt3A_699 = arith.cmpi slt, %rem3A_695, %lt3A_698 : i32
      %lt3A_700 = arith.constant 0 : i32
      %lt3A_701 = arith.cmpi slt, %select_n3A_694, %lt3A_700 : i32
      %ne3A_702 = arith.xori %lt3A_699, %lt3A_701 : i1
      %and3A_703 = arith.andi %ne3A_702, %ne3A_697 : i1
      %add3A_704 = arith.addi %rem3A_695, %select_n3A_694 : i32
      %select_n3A_705 = arith.select %and3A_703, %add3A_704, %rem3A_695 : i32
      %dma_start3A_706 = arith.constant 0 : i32
      %dma_start3A_707 = tpu.memref_slice %arg4[%select_n3A_689, %select_n3A_705, %dma_start3A_706] : memref<200x64x4096xf32, #tpu.memory_space<hbm>> -> memref<1x8x4096xf32, #tpu.memory_space<hbm>>
      %dma_start3A_708 = tpu.memref_squeeze %dma_start3A_707 : memref<1x8x4096xf32, #tpu.memory_space<hbm>> -> memref<8x4096xf32, #tpu.memory_space<hbm>>
      %dma_start3A_709 = arith.constant 0 : i32
      %dma_start3A_710 = tpu.memref_slice %arg4[%select_n3A_689, %select_n3A_705, %dma_start3A_709] : memref<200x64x4096xf32, #tpu.memory_space<hbm>> -> memref<1x8x4096xf32, #tpu.memory_space<hbm>>
      %dma_start3A_711 = tpu.memref_squeeze %dma_start3A_710 : memref<1x8x4096xf32, #tpu.memory_space<hbm>> -> memref<8x4096xf32, #tpu.memory_space<hbm>>
      tpu.enqueue_dma source(%arg7 : memref<8x4096xf32, #tpu.memory_space<vmem>>) target(%dma_start3A_711 : memref<8x4096xf32, #tpu.memory_space<hbm>>) target_semaphore(%arg13 : memref<!tpu.dma_semaphore, #tpu.memory_space<semaphore_mem>>)
      %ge3A_712 = arith.constant 1 : i32
      %ge3A_713 = arith.cmpi sge, %add3A_607, %ge3A_712 : i32
      %convert_element_type3A_714 = arith.extui %ge3A_713 : i1 to i32
      %cond3A_715 = arith.constant 0 : i32
      %cond3A_716 = arith.cmpi ne, %convert_element_type3A_714, %cond3A_715 : i32
      scf.if %cond3A_716 {
        %sub3A_932 = arith.constant 1 : i32
        %sub3A_933 = arith.subi %add3A_607, %sub3A_932 : i32
        %mul3A_934 = arith.constant 8 : i32
        %mul3A_935 = arith.muli %sub3A_933, %mul3A_934 : i32
        %add3A_936 = arith.addi %mul3A_2, %mul3A_935 : i32
        %jit3A_937 = arith.constant 64 : i32
        %div3A_938 = arith.divsi %add3A_936, %jit3A_937 : i32
        %sign3A_939 = arith.constant 0 : i32
        %sign3A_940 = arith.cmpi sgt, %add3A_936, %sign3A_939 : i32
        %sign3A_941 = arith.extui %sign3A_940 : i1 to i32
        %sign3A_942 = arith.constant 0 : i32
        %sign3A_943 = arith.cmpi slt, %add3A_936, %sign3A_942 : i32
        %sign3A_944 = arith.extui %sign3A_943 : i1 to i32
        %sign3A_945 = arith.subi %sign3A_941, %sign3A_944 : i32
        %sign3A_946 = arith.constant 0 : i32
        %sign3A_947 = arith.cmpi sgt, %jit3A_937, %sign3A_946 : i32
        %sign3A_948 = arith.extui %sign3A_947 : i1 to i32
        %sign3A_949 = arith.constant 0 : i32
        %sign3A_950 = arith.cmpi slt, %jit3A_937, %sign3A_949 : i32
        %sign3A_951 = arith.extui %sign3A_950 : i1 to i32
        %sign3A_952 = arith.subi %sign3A_948, %sign3A_951 : i32
        %ne3A_953 = arith.cmpi ne, %sign3A_945, %sign3A_952 : i32
        %rem3A_954 = arith.remsi %add3A_936, %jit3A_937 : i32
        %ne3A_955 = arith.constant 0 : i32
        %ne3A_956 = arith.cmpi ne, %rem3A_954, %ne3A_955 : i32
        %and3A_957 = arith.andi %ne3A_953, %ne3A_956 : i1
        %sub3A_958 = arith.constant 1 : i32
        %sub3A_959 = arith.subi %div3A_938, %sub3A_958 : i32
        %select_n3A_960 = arith.select %and3A_957, %sub3A_959, %div3A_938 : i32
        %jit3A_961 = arith.constant 64 : i32
        %eq3A_962 = arith.constant 0 : i32
        %eq3A_963 = arith.cmpi eq, %jit3A_961, %eq3A_962 : i32
        %jit3A_964 = arith.constant 1 : i32
        %select_n3A_965 = arith.select %eq3A_963, %jit3A_964, %jit3A_961 : i32
        %rem3A_966 = arith.remsi %add3A_936, %select_n3A_965 : i32
        %ne3A_967 = arith.constant 0 : i32
        %ne3A_968 = arith.cmpi ne, %rem3A_966, %ne3A_967 : i32
        %lt3A_969 = arith.constant 0 : i32
        %lt3A_970 = arith.cmpi slt, %rem3A_966, %lt3A_969 : i32
        %lt3A_971 = arith.constant 0 : i32
        %lt3A_972 = arith.cmpi slt, %select_n3A_965, %lt3A_971 : i32
        %ne3A_973 = arith.xori %lt3A_970, %lt3A_972 : i1
        %and3A_974 = arith.andi %ne3A_973, %ne3A_968 : i1
        %add3A_975 = arith.addi %rem3A_966, %select_n3A_965 : i32
        %select_n3A_976 = arith.select %and3A_974, %add3A_975, %rem3A_966 : i32
        %dma_wait3A_977 = arith.constant 0 : i32
        %dma_wait3A_978 = tpu.memref_slice %arg4[%select_n3A_960, %select_n3A_976, %dma_wait3A_977] : memref<200x64x4096xf32, #tpu.memory_space<hbm>> -> memref<1x8x4096xf32, #tpu.memory_space<hbm>>
        %dma_wait3A_979 = tpu.memref_squeeze %dma_wait3A_978 : memref<1x8x4096xf32, #tpu.memory_space<hbm>> -> memref<8x4096xf32, #tpu.memory_space<hbm>>
        %dma_wait3A_980 = arith.constant 0 : i32
        %dma_wait3A_981 = tpu.memref_slice %arg4[%select_n3A_960, %select_n3A_976, %dma_wait3A_980] : memref<200x64x4096xf32, #tpu.memory_space<hbm>> -> memref<1x8x4096xf32, #tpu.memory_space<hbm>>
        %dma_wait3A_982 = tpu.memref_squeeze %dma_wait3A_981 : memref<1x8x4096xf32, #tpu.memory_space<hbm>> -> memref<8x4096xf32, #tpu.memory_space<hbm>>
        tpu.wait_dma2 semaphore(%arg12 : memref<!tpu.dma_semaphore, #tpu.memory_space<semaphore_mem>>) src(%arg6 : memref<8x4096xf32, #tpu.memory_space<vmem>>) dst(%dma_wait3A_982 : memref<8x4096xf32, #tpu.memory_space<hbm>>)
      } else {
      }
      %add3A_717 = arith.constant 2 : i32
      %add3A_718 = arith.addi %add3A_607, %add3A_717 : i32
      %mul3A_719 = arith.constant 8 : i32
      %mul3A_720 = arith.muli %add3A_718, %mul3A_719 : i32
      %add3A_721 = arith.addi %mul3A_2, %mul3A_720 : i32
      %jit3A_722 = arith.constant 64 : i32
      %div3A_723 = arith.divsi %add3A_721, %jit3A_722 : i32
      %sign3A_724 = arith.constant 0 : i32
      %sign3A_725 = arith.cmpi sgt, %add3A_721, %sign3A_724 : i32
      %sign3A_726 = arith.extui %sign3A_725 : i1 to i32
      %sign3A_727 = arith.constant 0 : i32
      %sign3A_728 = arith.cmpi slt, %add3A_721, %sign3A_727 : i32
      %sign3A_729 = arith.extui %sign3A_728 : i1 to i32
      %sign3A_730 = arith.subi %sign3A_726, %sign3A_729 : i32
      %sign3A_731 = arith.constant 0 : i32
      %sign3A_732 = arith.cmpi sgt, %jit3A_722, %sign3A_731 : i32
      %sign3A_733 = arith.extui %sign3A_732 : i1 to i32
      %sign3A_734 = arith.constant 0 : i32
      %sign3A_735 = arith.cmpi slt, %jit3A_722, %sign3A_734 : i32
      %sign3A_736 = arith.extui %sign3A_735 : i1 to i32
      %sign3A_737 = arith.subi %sign3A_733, %sign3A_736 : i32
      %ne3A_738 = arith.cmpi ne, %sign3A_730, %sign3A_737 : i32
      %rem3A_739 = arith.remsi %add3A_721, %jit3A_722 : i32
      %ne3A_740 = arith.constant 0 : i32
      %ne3A_741 = arith.cmpi ne, %rem3A_739, %ne3A_740 : i32
      %and3A_742 = arith.andi %ne3A_738, %ne3A_741 : i1
      %sub3A_743 = arith.constant 1 : i32
      %sub3A_744 = arith.subi %div3A_723, %sub3A_743 : i32
      %select_n3A_745 = arith.select %and3A_742, %sub3A_744, %div3A_723 : i32
      %jit3A_746 = arith.constant 64 : i32
      %eq3A_747 = arith.constant 0 : i32
      %eq3A_748 = arith.cmpi eq, %jit3A_746, %eq3A_747 : i32
      %jit3A_749 = arith.constant 1 : i32
      %select_n3A_750 = arith.select %eq3A_748, %jit3A_749, %jit3A_746 : i32
      %rem3A_751 = arith.remsi %add3A_721, %select_n3A_750 : i32
      %ne3A_752 = arith.constant 0 : i32
      %ne3A_753 = arith.cmpi ne, %rem3A_751, %ne3A_752 : i32
      %lt3A_754 = arith.constant 0 : i32
      %lt3A_755 = arith.cmpi slt, %rem3A_751, %lt3A_754 : i32
      %lt3A_756 = arith.constant 0 : i32
      %lt3A_757 = arith.cmpi slt, %select_n3A_750, %lt3A_756 : i32
      %ne3A_758 = arith.xori %lt3A_755, %lt3A_757 : i1
      %and3A_759 = arith.andi %ne3A_758, %ne3A_753 : i1
      %add3A_760 = arith.addi %rem3A_751, %select_n3A_750 : i32
      %select_n3A_761 = arith.select %and3A_759, %add3A_760, %rem3A_751 : i32
      %dma_start3A_762 = arith.constant 0 : i32
      %dma_start3A_763 = tpu.memref_slice %arg2[%select_n3A_745, %select_n3A_761, %dma_start3A_762] : memref<200x64x4096xf32, #tpu.memory_space<hbm>> -> memref<1x8x4096xf32, #tpu.memory_space<hbm>>
      %dma_start3A_764 = tpu.memref_squeeze %dma_start3A_763 : memref<1x8x4096xf32, #tpu.memory_space<hbm>> -> memref<8x4096xf32, #tpu.memory_space<hbm>>
      %dma_start3A_765 = arith.constant 0 : i32
      %dma_start3A_766 = tpu.memref_slice %arg2[%select_n3A_745, %select_n3A_761, %dma_start3A_765] : memref<200x64x4096xf32, #tpu.memory_space<hbm>> -> memref<1x8x4096xf32, #tpu.memory_space<hbm>>
      %dma_start3A_767 = tpu.memref_squeeze %dma_start3A_766 : memref<1x8x4096xf32, #tpu.memory_space<hbm>> -> memref<8x4096xf32, #tpu.memory_space<hbm>>
      tpu.enqueue_dma source(%dma_start3A_767 : memref<8x4096xf32, #tpu.memory_space<hbm>>) target(%arg6 : memref<8x4096xf32, #tpu.memory_space<vmem>>) target_semaphore(%arg9 : memref<!tpu.dma_semaphore, #tpu.memory_space<semaphore_mem>>)
      %mul3A_768 = arith.constant 3 : i32
      %mul3A_769 = arith.muli %mul3A_768, %scan3A_442 : i32
      %add3A_770 = arith.constant 2 : i32
      %add3A_771 = arith.addi %mul3A_769, %add3A_770 : i32
      %mul3A_772 = arith.constant 8 : i32
      %mul3A_773 = arith.muli %add3A_771, %mul3A_772 : i32
      %add3A_774 = arith.addi %mul3A_2, %mul3A_773 : i32
      %jit3A_775 = arith.constant 64 : i32
      %div3A_776 = arith.divsi %add3A_774, %jit3A_775 : i32
      %sign3A_777 = arith.constant 0 : i32
      %sign3A_778 = arith.cmpi sgt, %add3A_774, %sign3A_777 : i32
      %sign3A_779 = arith.extui %sign3A_778 : i1 to i32
      %sign3A_780 = arith.constant 0 : i32
      %sign3A_781 = arith.cmpi slt, %add3A_774, %sign3A_780 : i32
      %sign3A_782 = arith.extui %sign3A_781 : i1 to i32
      %sign3A_783 = arith.subi %sign3A_779, %sign3A_782 : i32
      %sign3A_784 = arith.constant 0 : i32
      %sign3A_785 = arith.cmpi sgt, %jit3A_775, %sign3A_784 : i32
      %sign3A_786 = arith.extui %sign3A_785 : i1 to i32
      %sign3A_787 = arith.constant 0 : i32
      %sign3A_788 = arith.cmpi slt, %jit3A_775, %sign3A_787 : i32
      %sign3A_789 = arith.extui %sign3A_788 : i1 to i32
      %sign3A_790 = arith.subi %sign3A_786, %sign3A_789 : i32
      %ne3A_791 = arith.cmpi ne, %sign3A_783, %sign3A_790 : i32
      %rem3A_792 = arith.remsi %add3A_774, %jit3A_775 : i32
      %ne3A_793 = arith.constant 0 : i32
      %ne3A_794 = arith.cmpi ne, %rem3A_792, %ne3A_793 : i32
      %and3A_795 = arith.andi %ne3A_791, %ne3A_794 : i1
      %sub3A_796 = arith.constant 1 : i32
      %sub3A_797 = arith.subi %div3A_776, %sub3A_796 : i32
      %select_n3A_798 = arith.select %and3A_795, %sub3A_797, %div3A_776 : i32
      %jit3A_799 = arith.constant 64 : i32
      %eq3A_800 = arith.constant 0 : i32
      %eq3A_801 = arith.cmpi eq, %jit3A_799, %eq3A_800 : i32
      %jit3A_802 = arith.constant 1 : i32
      %select_n3A_803 = arith.select %eq3A_801, %jit3A_802, %jit3A_799 : i32
      %rem3A_804 = arith.remsi %add3A_774, %select_n3A_803 : i32
      %ne3A_805 = arith.constant 0 : i32
      %ne3A_806 = arith.cmpi ne, %rem3A_804, %ne3A_805 : i32
      %lt3A_807 = arith.constant 0 : i32
      %lt3A_808 = arith.cmpi slt, %rem3A_804, %lt3A_807 : i32
      %lt3A_809 = arith.constant 0 : i32
      %lt3A_810 = arith.cmpi slt, %select_n3A_803, %lt3A_809 : i32
      %ne3A_811 = arith.xori %lt3A_808, %lt3A_810 : i1
      %and3A_812 = arith.andi %ne3A_811, %ne3A_806 : i1
      %add3A_813 = arith.addi %rem3A_804, %select_n3A_803 : i32
      %select_n3A_814 = arith.select %and3A_812, %add3A_813, %rem3A_804 : i32
      %dma_wait3A_815 = arith.constant 0 : i32
      %dma_wait3A_816 = tpu.memref_slice %arg2[%select_n3A_798, %select_n3A_814, %dma_wait3A_815] : memref<200x64x4096xf32, #tpu.memory_space<hbm>> -> memref<1x8x4096xf32, #tpu.memory_space<hbm>>
      %dma_wait3A_817 = tpu.memref_squeeze %dma_wait3A_816 : memref<1x8x4096xf32, #tpu.memory_space<hbm>> -> memref<8x4096xf32, #tpu.memory_space<hbm>>
      %dma_wait3A_818 = arith.constant 0 : i32
      %dma_wait3A_819 = tpu.memref_slice %arg2[%select_n3A_798, %select_n3A_814, %dma_wait3A_818] : memref<200x64x4096xf32, #tpu.memory_space<hbm>> -> memref<1x8x4096xf32, #tpu.memory_space<hbm>>
      %dma_wait3A_820 = tpu.memref_squeeze %dma_wait3A_819 : memref<1x8x4096xf32, #tpu.memory_space<hbm>> -> memref<8x4096xf32, #tpu.memory_space<hbm>>
      tpu.wait_dma2 semaphore(%arg11 : memref<!tpu.dma_semaphore, #tpu.memory_space<semaphore_mem>>) src(%dma_wait3A_820 : memref<8x4096xf32, #tpu.memory_space<hbm>>) dst(%arg8 : memref<8x4096xf32, #tpu.memory_space<vmem>>)
      %scan3A_821 = arith.constant 0 : i32
      %scan3A_822 = arith.constant 0 : i32
      %scan3A_823 = arith.constant 8 : i32
      %scan3A_824 = arith.addi %scan3A_822, %scan3A_823 : i32
      %scan3A_825 = arith.constant 1 : i32
      scf.for %scan3A_932 = %scan3A_822 to %scan3A_824 step %scan3A_825  : i32 {
        %mul3A_933 = arith.constant 8 : i32
        %mul3A_934 = arith.muli %mul3A_933, %add3A_771 : i32
        %add3A_935 = arith.addi %mul3A_934, %scan3A_932 : i32
        %mul3A_936 = arith.constant 16 : i32
        %mul3A_937 = arith.muli %add3A_935, %mul3A_936 : i32
        %get3A = arith.index_cast %mul3A_937 : i32 to index
        %get3A_938 = tpu.vector_load %arg5[%get3A] {strides = array<i32>} : memref<6400xf32, #tpu.memory_space<vmem>>, vector<16xf32>,
        %get3A_939 = vector.shape_cast %get3A_938 : vector<16xf32> to vector<16xf32>
        %scan3A_940 = arith.constant 0 : i32
        %scan3A_941 = arith.constant 0 : i32
        %scan3A_942 = arith.constant 16 : i32
        %scan3A_943 = arith.addi %scan3A_941, %scan3A_942 : i32
        %scan3A_944 = arith.constant 1 : i32
        scf.for %scan3A_946 = %scan3A_941 to %scan3A_943 step %scan3A_944  : i32 {
          %mul3A_947 = arith.constant 256 : i32
          %mul3A_948 = arith.muli %scan3A_946, %mul3A_947 : i32
          %add3A_949 = arith.constant 0 : i32
          %add3A_950 = arith.addi %mul3A_948, %add3A_949 : i32
          %get3A_951 = arith.index_cast %scan3A_932 : i32 to index
          %get3A_952 = arith.index_cast %add3A_950 : i32 to index
          %get3A_953 = tpu.vector_load %arg8[%get3A_951, %get3A_952] {strides = array<i32>} : memref<8x4096xf32, #tpu.memory_space<vmem>>, vector<1x16xf32>,
          %get3A_954 = vector.shape_cast %get3A_953 : vector<1x16xf32> to vector<16xf32>
          %add3A_955 = arith.addf %get3A_954, %get3A_939 : vector<16xf32>
          %swap3A = arith.index_cast %scan3A_932 : i32 to index
          %swap3A_956 = arith.index_cast %add3A_950 : i32 to index
          %swap3A_957 = tpu.vector_load %arg8[%swap3A, %swap3A_956] {strides = array<i32>} : memref<8x4096xf32, #tpu.memory_space<vmem>>, vector<1x16xf32>,
          %swap3A_958 = vector.shape_cast %swap3A_957 : vector<1x16xf32> to vector<16xf32>
          %swap3A_959 = vector.shape_cast %add3A_955 : vector<16xf32> to vector<1x16xf32>
          tpu.vector_store %arg8[%swap3A, %swap3A_956], %swap3A_959 {strides = array<i32>} : memref<8x4096xf32, #tpu.memory_space<vmem>>, vector<1x16xf32>,
          %mul3A_960 = arith.constant 256 : i32
          %mul3A_961 = arith.muli %scan3A_946, %mul3A_960 : i32
          %add3A_962 = arith.constant 16 : i32
          %add3A_963 = arith.addi %mul3A_961, %add3A_962 : i32
          %get3A_964 = arith.index_cast %scan3A_932 : i32 to index
          %get3A_965 = arith.index_cast %add3A_963 : i32 to index
          %get3A_966 = tpu.vector_load %arg8[%get3A_964, %get3A_965] {strides = array<i32>} : memref<8x4096xf32, #tpu.memory_space<vmem>>, vector<1x16xf32>,
          %get3A_967 = vector.shape_cast %get3A_966 : vector<1x16xf32> to vector<16xf32>
          %add3A_968 = arith.addf %get3A_967, %get3A_939 : vector<16xf32>
          %swap3A_969 = arith.index_cast %scan3A_932 : i32 to index
          %swap3A_970 = arith.index_cast %add3A_963 : i32 to index
          %swap3A_971 = tpu.vector_load %arg8[%swap3A_969, %swap3A_970] {strides = array<i32>} : memref<8x4096xf32, #tpu.memory_space<vmem>>, vector<1x16xf32>,
          %swap3A_972 = vector.shape_cast %swap3A_971 : vector<1x16xf32> to vector<16xf32>
          %swap3A_973 = vector.shape_cast %add3A_968 : vector<16xf32> to vector<1x16xf32>
          tpu.vector_store %arg8[%swap3A_969, %swap3A_970], %swap3A_973 {strides = array<i32>} : memref<8x4096xf32, #tpu.memory_space<vmem>>, vector<1x16xf32>,
          %mul3A_974 = arith.constant 256 : i32
          %mul3A_975 = arith.muli %scan3A_946, %mul3A_974 : i32
          %add3A_976 = arith.constant 32 : i32
          %add3A_977 = arith.addi %mul3A_975, %add3A_976 : i32
          %get3A_978 = arith.index_cast %scan3A_932 : i32 to index
          %get3A_979 = arith.index_cast %add3A_977 : i32 to index
          %get3A_980 = tpu.vector_load %arg8[%get3A_978, %get3A_979] {strides = array<i32>} : memref<8x4096xf32, #tpu.memory_space<vmem>>, vector<1x16xf32>,
          %get3A_981 = vector.shape_cast %get3A_980 : vector<1x16xf32> to vector<16xf32>
          %add3A_982 = arith.addf %get3A_981, %get3A_939 : vector<16xf32>
          %swap3A_983 = arith.index_cast %scan3A_932 : i32 to index
          %swap3A_984 = arith.index_cast %add3A_977 : i32 to index
          %swap3A_985 = tpu.vector_load %arg8[%swap3A_983, %swap3A_984] {strides = array<i32>} : memref<8x4096xf32, #tpu.memory_space<vmem>>, vector<1x16xf32>,
          %swap3A_986 = vector.shape_cast %swap3A_985 : vector<1x16xf32> to vector<16xf32>
          %swap3A_987 = vector.shape_cast %add3A_982 : vector<16xf32> to vector<1x16xf32>
          tpu.vector_store %arg8[%swap3A_983, %swap3A_984], %swap3A_987 {strides = array<i32>} : memref<8x4096xf32, #tpu.memory_space<vmem>>, vector<1x16xf32>,
          %mul3A_988 = arith.constant 256 : i32
          %mul3A_989 = arith.muli %scan3A_946, %mul3A_988 : i32
          %add3A_990 = arith.constant 48 : i32
          %add3A_991 = arith.addi %mul3A_989, %add3A_990 : i32
          %get3A_992 = arith.index_cast %scan3A_932 : i32 to index
          %get3A_993 = arith.index_cast %add3A_991 : i32 to index
          %get3A_994 = tpu.vector_load %arg8[%get3A_992, %get3A_993] {strides = array<i32>} : memref<8x4096xf32, #tpu.memory_space<vmem>>, vector<1x16xf32>,
          %get3A_995 = vector.shape_cast %get3A_994 : vector<1x16xf32> to vector<16xf32>
          %add3A_996 = arith.addf %get3A_995, %get3A_939 : vector<16xf32>
          %swap3A_997 = arith.index_cast %scan3A_932 : i32 to index
          %swap3A_998 = arith.index_cast %add3A_991 : i32 to index
          %swap3A_999 = tpu.vector_load %arg8[%swap3A_997, %swap3A_998] {strides = array<i32>} : memref<8x4096xf32, #tpu.memory_space<vmem>>, vector<1x16xf32>,
          %swap3A_1000 = vector.shape_cast %swap3A_999 : vector<1x16xf32> to vector<16xf32>
          %swap3A_1001 = vector.shape_cast %add3A_996 : vector<16xf32> to vector<1x16xf32>
          tpu.vector_store %arg8[%swap3A_997, %swap3A_998], %swap3A_1001 {strides = array<i32>} : memref<8x4096xf32, #tpu.memory_space<vmem>>, vector<1x16xf32>,
          %mul3A_1002 = arith.constant 256 : i32
          %mul3A_1003 = arith.muli %scan3A_946, %mul3A_1002 : i32
          %add3A_1004 = arith.constant 64 : i32
          %add3A_1005 = arith.addi %mul3A_1003, %add3A_1004 : i32
          %get3A_1006 = arith.index_cast %scan3A_932 : i32 to index
          %get3A_1007 = arith.index_cast %add3A_1005 : i32 to index
          %get3A_1008 = tpu.vector_load %arg8[%get3A_1006, %get3A_1007] {strides = array<i32>} : memref<8x4096xf32, #tpu.memory_space<vmem>>, vector<1x16xf32>,
          %get3A_1009 = vector.shape_cast %get3A_1008 : vector<1x16xf32> to vector<16xf32>
          %add3A_1010 = arith.addf %get3A_1009, %get3A_939 : vector<16xf32>
          %swap3A_1011 = arith.index_cast %scan3A_932 : i32 to index
          %swap3A_1012 = arith.index_cast %add3A_1005 : i32 to index
          %swap3A_1013 = tpu.vector_load %arg8[%swap3A_1011, %swap3A_1012] {strides = array<i32>} : memref<8x4096xf32, #tpu.memory_space<vmem>>, vector<1x16xf32>,
          %swap3A_1014 = vector.shape_cast %swap3A_1013 : vector<1x16xf32> to vector<16xf32>
          %swap3A_1015 = vector.shape_cast %add3A_1010 : vector<16xf32> to vector<1x16xf32>
          tpu.vector_store %arg8[%swap3A_1011, %swap3A_1012], %swap3A_1015 {strides = array<i32>} : memref<8x4096xf32, #tpu.memory_space<vmem>>, vector<1x16xf32>,
          %mul3A_1016 = arith.constant 256 : i32
          %mul3A_1017 = arith.muli %scan3A_946, %mul3A_1016 : i32
          %add3A_1018 = arith.constant 80 : i32
          %add3A_1019 = arith.addi %mul3A_1017, %add3A_1018 : i32
          %get3A_1020 = arith.index_cast %scan3A_932 : i32 to index
          %get3A_1021 = arith.index_cast %add3A_1019 : i32 to index
          %get3A_1022 = tpu.vector_load %arg8[%get3A_1020, %get3A_1021] {strides = array<i32>} : memref<8x4096xf32, #tpu.memory_space<vmem>>, vector<1x16xf32>,
          %get3A_1023 = vector.shape_cast %get3A_1022 : vector<1x16xf32> to vector<16xf32>
          %add3A_1024 = arith.addf %get3A_1023, %get3A_939 : vector<16xf32>
          %swap3A_1025 = arith.index_cast %scan3A_932 : i32 to index
          %swap3A_1026 = arith.index_cast %add3A_1019 : i32 to index
          %swap3A_1027 = tpu.vector_load %arg8[%swap3A_1025, %swap3A_1026] {strides = array<i32>} : memref<8x4096xf32, #tpu.memory_space<vmem>>, vector<1x16xf32>,
          %swap3A_1028 = vector.shape_cast %swap3A_1027 : vector<1x16xf32> to vector<16xf32>
          %swap3A_1029 = vector.shape_cast %add3A_1024 : vector<16xf32> to vector<1x16xf32>
          tpu.vector_store %arg8[%swap3A_1025, %swap3A_1026], %swap3A_1029 {strides = array<i32>} : memref<8x4096xf32, #tpu.memory_space<vmem>>, vector<1x16xf32>,
          %mul3A_1030 = arith.constant 256 : i32
          %mul3A_1031 = arith.muli %scan3A_946, %mul3A_1030 : i32
          %add3A_1032 = arith.constant 96 : i32
          %add3A_1033 = arith.addi %mul3A_1031, %add3A_1032 : i32
          %get3A_1034 = arith.index_cast %scan3A_932 : i32 to index
          %get3A_1035 = arith.index_cast %add3A_1033 : i32 to index
          %get3A_1036 = tpu.vector_load %arg8[%get3A_1034, %get3A_1035] {strides = array<i32>} : memref<8x4096xf32, #tpu.memory_space<vmem>>, vector<1x16xf32>,
          %get3A_1037 = vector.shape_cast %get3A_1036 : vector<1x16xf32> to vector<16xf32>
          %add3A_1038 = arith.addf %get3A_1037, %get3A_939 : vector<16xf32>
          %swap3A_1039 = arith.index_cast %scan3A_932 : i32 to index
          %swap3A_1040 = arith.index_cast %add3A_1033 : i32 to index
          %swap3A_1041 = tpu.vector_load %arg8[%swap3A_1039, %swap3A_1040] {strides = array<i32>} : memref<8x4096xf32, #tpu.memory_space<vmem>>, vector<1x16xf32>,
          %swap3A_1042 = vector.shape_cast %swap3A_1041 : vector<1x16xf32> to vector<16xf32>
          %swap3A_1043 = vector.shape_cast %add3A_1038 : vector<16xf32> to vector<1x16xf32>
          tpu.vector_store %arg8[%swap3A_1039, %swap3A_1040], %swap3A_1043 {strides = array<i32>} : memref<8x4096xf32, #tpu.memory_space<vmem>>, vector<1x16xf32>,
          %mul3A_1044 = arith.constant 256 : i32
          %mul3A_1045 = arith.muli %scan3A_946, %mul3A_1044 : i32
          %add3A_1046 = arith.constant 112 : i32
          %add3A_1047 = arith.addi %mul3A_1045, %add3A_1046 : i32
          %get3A_1048 = arith.index_cast %scan3A_932 : i32 to index
          %get3A_1049 = arith.index_cast %add3A_1047 : i32 to index
          %get3A_1050 = tpu.vector_load %arg8[%get3A_1048, %get3A_1049] {strides = array<i32>} : memref<8x4096xf32, #tpu.memory_space<vmem>>, vector<1x16xf32>,
          %get3A_1051 = vector.shape_cast %get3A_1050 : vector<1x16xf32> to vector<16xf32>
          %add3A_1052 = arith.addf %get3A_1051, %get3A_939 : vector<16xf32>
          %swap3A_1053 = arith.index_cast %scan3A_932 : i32 to index
          %swap3A_1054 = arith.index_cast %add3A_1047 : i32 to index
          %swap3A_1055 = tpu.vector_load %arg8[%swap3A_1053, %swap3A_1054] {strides = array<i32>} : memref<8x4096xf32, #tpu.memory_space<vmem>>, vector<1x16xf32>,
          %swap3A_1056 = vector.shape_cast %swap3A_1055 : vector<1x16xf32> to vector<16xf32>
          %swap3A_1057 = vector.shape_cast %add3A_1052 : vector<16xf32> to vector<1x16xf32>
          tpu.vector_store %arg8[%swap3A_1053, %swap3A_1054], %swap3A_1057 {strides = array<i32>} : memref<8x4096xf32, #tpu.memory_space<vmem>>, vector<1x16xf32>,
          %mul3A_1058 = arith.constant 256 : i32
          %mul3A_1059 = arith.muli %scan3A_946, %mul3A_1058 : i32
          %add3A_1060 = arith.constant 128 : i32
          %add3A_1061 = arith.addi %mul3A_1059, %add3A_1060 : i32
          %get3A_1062 = arith.index_cast %scan3A_932 : i32 to index
          %get3A_1063 = arith.index_cast %add3A_1061 : i32 to index
          %get3A_1064 = tpu.vector_load %arg8[%get3A_1062, %get3A_1063] {strides = array<i32>} : memref<8x4096xf32, #tpu.memory_space<vmem>>, vector<1x16xf32>,
          %get3A_1065 = vector.shape_cast %get3A_1064 : vector<1x16xf32> to vector<16xf32>
          %add3A_1066 = arith.addf %get3A_1065, %get3A_939 : vector<16xf32>
          %swap3A_1067 = arith.index_cast %scan3A_932 : i32 to index
          %swap3A_1068 = arith.index_cast %add3A_1061 : i32 to index
          %swap3A_1069 = tpu.vector_load %arg8[%swap3A_1067, %swap3A_1068] {strides = array<i32>} : memref<8x4096xf32, #tpu.memory_space<vmem>>, vector<1x16xf32>,
          %swap3A_1070 = vector.shape_cast %swap3A_1069 : vector<1x16xf32> to vector<16xf32>
          %swap3A_1071 = vector.shape_cast %add3A_1066 : vector<16xf32> to vector<1x16xf32>
          tpu.vector_store %arg8[%swap3A_1067, %swap3A_1068], %swap3A_1071 {strides = array<i32>} : memref<8x4096xf32, #tpu.memory_space<vmem>>, vector<1x16xf32>,
          %mul3A_1072 = arith.constant 256 : i32
          %mul3A_1073 = arith.muli %scan3A_946, %mul3A_1072 : i32
          %add3A_1074 = arith.constant 144 : i32
          %add3A_1075 = arith.addi %mul3A_1073, %add3A_1074 : i32
          %get3A_1076 = arith.index_cast %scan3A_932 : i32 to index
          %get3A_1077 = arith.index_cast %add3A_1075 : i32 to index
          %get3A_1078 = tpu.vector_load %arg8[%get3A_1076, %get3A_1077] {strides = array<i32>} : memref<8x4096xf32, #tpu.memory_space<vmem>>, vector<1x16xf32>,
          %get3A_1079 = vector.shape_cast %get3A_1078 : vector<1x16xf32> to vector<16xf32>
          %add3A_1080 = arith.addf %get3A_1079, %get3A_939 : vector<16xf32>
          %swap3A_1081 = arith.index_cast %scan3A_932 : i32 to index
          %swap3A_1082 = arith.index_cast %add3A_1075 : i32 to index
          %swap3A_1083 = tpu.vector_load %arg8[%swap3A_1081, %swap3A_1082] {strides = array<i32>} : memref<8x4096xf32, #tpu.memory_space<vmem>>, vector<1x16xf32>,
          %swap3A_1084 = vector.shape_cast %swap3A_1083 : vector<1x16xf32> to vector<16xf32>
          %swap3A_1085 = vector.shape_cast %add3A_1080 : vector<16xf32> to vector<1x16xf32>
          tpu.vector_store %arg8[%swap3A_1081, %swap3A_1082], %swap3A_1085 {strides = array<i32>} : memref<8x4096xf32, #tpu.memory_space<vmem>>, vector<1x16xf32>,
          %mul3A_1086 = arith.constant 256 : i32
          %mul3A_1087 = arith.muli %scan3A_946, %mul3A_1086 : i32
          %add3A_1088 = arith.constant 160 : i32
          %add3A_1089 = arith.addi %mul3A_1087, %add3A_1088 : i32
          %get3A_1090 = arith.index_cast %scan3A_932 : i32 to index
          %get3A_1091 = arith.index_cast %add3A_1089 : i32 to index
          %get3A_1092 = tpu.vector_load %arg8[%get3A_1090, %get3A_1091] {strides = array<i32>} : memref<8x4096xf32, #tpu.memory_space<vmem>>, vector<1x16xf32>,
          %get3A_1093 = vector.shape_cast %get3A_1092 : vector<1x16xf32> to vector<16xf32>
          %add3A_1094 = arith.addf %get3A_1093, %get3A_939 : vector<16xf32>
          %swap3A_1095 = arith.index_cast %scan3A_932 : i32 to index
          %swap3A_1096 = arith.index_cast %add3A_1089 : i32 to index
          %swap3A_1097 = tpu.vector_load %arg8[%swap3A_1095, %swap3A_1096] {strides = array<i32>} : memref<8x4096xf32, #tpu.memory_space<vmem>>, vector<1x16xf32>,
          %swap3A_1098 = vector.shape_cast %swap3A_1097 : vector<1x16xf32> to vector<16xf32>
          %swap3A_1099 = vector.shape_cast %add3A_1094 : vector<16xf32> to vector<1x16xf32>
          tpu.vector_store %arg8[%swap3A_1095, %swap3A_1096], %swap3A_1099 {strides = array<i32>} : memref<8x4096xf32, #tpu.memory_space<vmem>>, vector<1x16xf32>,
          %mul3A_1100 = arith.constant 256 : i32
          %mul3A_1101 = arith.muli %scan3A_946, %mul3A_1100 : i32
          %add3A_1102 = arith.constant 176 : i32
          %add3A_1103 = arith.addi %mul3A_1101, %add3A_1102 : i32
          %get3A_1104 = arith.index_cast %scan3A_932 : i32 to index
          %get3A_1105 = arith.index_cast %add3A_1103 : i32 to index
          %get3A_1106 = tpu.vector_load %arg8[%get3A_1104, %get3A_1105] {strides = array<i32>} : memref<8x4096xf32, #tpu.memory_space<vmem>>, vector<1x16xf32>,
          %get3A_1107 = vector.shape_cast %get3A_1106 : vector<1x16xf32> to vector<16xf32>
          %add3A_1108 = arith.addf %get3A_1107, %get3A_939 : vector<16xf32>
          %swap3A_1109 = arith.index_cast %scan3A_932 : i32 to index
          %swap3A_1110 = arith.index_cast %add3A_1103 : i32 to index
          %swap3A_1111 = tpu.vector_load %arg8[%swap3A_1109, %swap3A_1110] {strides = array<i32>} : memref<8x4096xf32, #tpu.memory_space<vmem>>, vector<1x16xf32>,
          %swap3A_1112 = vector.shape_cast %swap3A_1111 : vector<1x16xf32> to vector<16xf32>
          %swap3A_1113 = vector.shape_cast %add3A_1108 : vector<16xf32> to vector<1x16xf32>
          tpu.vector_store %arg8[%swap3A_1109, %swap3A_1110], %swap3A_1113 {strides = array<i32>} : memref<8x4096xf32, #tpu.memory_space<vmem>>, vector<1x16xf32>,
          %mul3A_1114 = arith.constant 256 : i32
          %mul3A_1115 = arith.muli %scan3A_946, %mul3A_1114 : i32
          %add3A_1116 = arith.constant 192 : i32
          %add3A_1117 = arith.addi %mul3A_1115, %add3A_1116 : i32
          %get3A_1118 = arith.index_cast %scan3A_932 : i32 to index
          %get3A_1119 = arith.index_cast %add3A_1117 : i32 to index
          %get3A_1120 = tpu.vector_load %arg8[%get3A_1118, %get3A_1119] {strides = array<i32>} : memref<8x4096xf32, #tpu.memory_space<vmem>>, vector<1x16xf32>,
          %get3A_1121 = vector.shape_cast %get3A_1120 : vector<1x16xf32> to vector<16xf32>
          %add3A_1122 = arith.addf %get3A_1121, %get3A_939 : vector<16xf32>
          %swap3A_1123 = arith.index_cast %scan3A_932 : i32 to index
          %swap3A_1124 = arith.index_cast %add3A_1117 : i32 to index
          %swap3A_1125 = tpu.vector_load %arg8[%swap3A_1123, %swap3A_1124] {strides = array<i32>} : memref<8x4096xf32, #tpu.memory_space<vmem>>, vector<1x16xf32>,
          %swap3A_1126 = vector.shape_cast %swap3A_1125 : vector<1x16xf32> to vector<16xf32>
          %swap3A_1127 = vector.shape_cast %add3A_1122 : vector<16xf32> to vector<1x16xf32>
          tpu.vector_store %arg8[%swap3A_1123, %swap3A_1124], %swap3A_1127 {strides = array<i32>} : memref<8x4096xf32, #tpu.memory_space<vmem>>, vector<1x16xf32>,
          %mul3A_1128 = arith.constant 256 : i32
          %mul3A_1129 = arith.muli %scan3A_946, %mul3A_1128 : i32
          %add3A_1130 = arith.constant 208 : i32
          %add3A_1131 = arith.addi %mul3A_1129, %add3A_1130 : i32
          %get3A_1132 = arith.index_cast %scan3A_932 : i32 to index
          %get3A_1133 = arith.index_cast %add3A_1131 : i32 to index
          %get3A_1134 = tpu.vector_load %arg8[%get3A_1132, %get3A_1133] {strides = array<i32>} : memref<8x4096xf32, #tpu.memory_space<vmem>>, vector<1x16xf32>,
          %get3A_1135 = vector.shape_cast %get3A_1134 : vector<1x16xf32> to vector<16xf32>
          %add3A_1136 = arith.addf %get3A_1135, %get3A_939 : vector<16xf32>
          %swap3A_1137 = arith.index_cast %scan3A_932 : i32 to index
          %swap3A_1138 = arith.index_cast %add3A_1131 : i32 to index
          %swap3A_1139 = tpu.vector_load %arg8[%swap3A_1137, %swap3A_1138] {strides = array<i32>} : memref<8x4096xf32, #tpu.memory_space<vmem>>, vector<1x16xf32>,
          %swap3A_1140 = vector.shape_cast %swap3A_1139 : vector<1x16xf32> to vector<16xf32>
          %swap3A_1141 = vector.shape_cast %add3A_1136 : vector<16xf32> to vector<1x16xf32>
          tpu.vector_store %arg8[%swap3A_1137, %swap3A_1138], %swap3A_1141 {strides = array<i32>} : memref<8x4096xf32, #tpu.memory_space<vmem>>, vector<1x16xf32>,
          %mul3A_1142 = arith.constant 256 : i32
          %mul3A_1143 = arith.muli %scan3A_946, %mul3A_1142 : i32
          %add3A_1144 = arith.constant 224 : i32
          %add3A_1145 = arith.addi %mul3A_1143, %add3A_1144 : i32
          %get3A_1146 = arith.index_cast %scan3A_932 : i32 to index
          %get3A_1147 = arith.index_cast %add3A_1145 : i32 to index
          %get3A_1148 = tpu.vector_load %arg8[%get3A_1146, %get3A_1147] {strides = array<i32>} : memref<8x4096xf32, #tpu.memory_space<vmem>>, vector<1x16xf32>,
          %get3A_1149 = vector.shape_cast %get3A_1148 : vector<1x16xf32> to vector<16xf32>
          %add3A_1150 = arith.addf %get3A_1149, %get3A_939 : vector<16xf32>
          %swap3A_1151 = arith.index_cast %scan3A_932 : i32 to index
          %swap3A_1152 = arith.index_cast %add3A_1145 : i32 to index
          %swap3A_1153 = tpu.vector_load %arg8[%swap3A_1151, %swap3A_1152] {strides = array<i32>} : memref<8x4096xf32, #tpu.memory_space<vmem>>, vector<1x16xf32>,
          %swap3A_1154 = vector.shape_cast %swap3A_1153 : vector<1x16xf32> to vector<16xf32>
          %swap3A_1155 = vector.shape_cast %add3A_1150 : vector<16xf32> to vector<1x16xf32>
          tpu.vector_store %arg8[%swap3A_1151, %swap3A_1152], %swap3A_1155 {strides = array<i32>} : memref<8x4096xf32, #tpu.memory_space<vmem>>, vector<1x16xf32>,
          %mul3A_1156 = arith.constant 256 : i32
          %mul3A_1157 = arith.muli %scan3A_946, %mul3A_1156 : i32
          %add3A_1158 = arith.constant 240 : i32
          %add3A_1159 = arith.addi %mul3A_1157, %add3A_1158 : i32
          %get3A_1160 = arith.index_cast %scan3A_932 : i32 to index
          %get3A_1161 = arith.index_cast %add3A_1159 : i32 to index
          %get3A_1162 = tpu.vector_load %arg8[%get3A_1160, %get3A_1161] {strides = array<i32>} : memref<8x4096xf32, #tpu.memory_space<vmem>>, vector<1x16xf32>,
          %get3A_1163 = vector.shape_cast %get3A_1162 : vector<1x16xf32> to vector<16xf32>
          %add3A_1164 = arith.addf %get3A_1163, %get3A_939 : vector<16xf32>
          %swap3A_1165 = arith.index_cast %scan3A_932 : i32 to index
          %swap3A_1166 = arith.index_cast %add3A_1159 : i32 to index
          %swap3A_1167 = tpu.vector_load %arg8[%swap3A_1165, %swap3A_1166] {strides = array<i32>} : memref<8x4096xf32, #tpu.memory_space<vmem>>, vector<1x16xf32>,
          %swap3A_1168 = vector.shape_cast %swap3A_1167 : vector<1x16xf32> to vector<16xf32>
          %swap3A_1169 = vector.shape_cast %add3A_1164 : vector<16xf32> to vector<1x16xf32>
          tpu.vector_store %arg8[%swap3A_1165, %swap3A_1166], %swap3A_1169 {strides = array<i32>} : memref<8x4096xf32, #tpu.memory_space<vmem>>, vector<1x16xf32>,
        }
        %scan3A_945 = arith.constant 16 : i32
      }
      %scan3A_826 = arith.constant 8 : i32
      %mul3A_827 = arith.constant 8 : i32
      %mul3A_828 = arith.muli %add3A_771, %mul3A_827 : i32
      %add3A_829 = arith.addi %mul3A_2, %mul3A_828 : i32
      %jit3A_830 = arith.constant 64 : i32
      %div3A_831 = arith.divsi %add3A_829, %jit3A_830 : i32
      %sign3A_832 = arith.constant 0 : i32
      %sign3A_833 = arith.cmpi sgt, %add3A_829, %sign3A_832 : i32
      %sign3A_834 = arith.extui %sign3A_833 : i1 to i32
      %sign3A_835 = arith.constant 0 : i32
      %sign3A_836 = arith.cmpi slt, %add3A_829, %sign3A_835 : i32
      %sign3A_837 = arith.extui %sign3A_836 : i1 to i32
      %sign3A_838 = arith.subi %sign3A_834, %sign3A_837 : i32
      %sign3A_839 = arith.constant 0 : i32
      %sign3A_840 = arith.cmpi sgt, %jit3A_830, %sign3A_839 : i32
      %sign3A_841 = arith.extui %sign3A_840 : i1 to i32
      %sign3A_842 = arith.constant 0 : i32
      %sign3A_843 = arith.cmpi slt, %jit3A_830, %sign3A_842 : i32
      %sign3A_844 = arith.extui %sign3A_843 : i1 to i32
      %sign3A_845 = arith.subi %sign3A_841, %sign3A_844 : i32
      %ne3A_846 = arith.cmpi ne, %sign3A_838, %sign3A_845 : i32
      %rem3A_847 = arith.remsi %add3A_829, %jit3A_830 : i32
      %ne3A_848 = arith.constant 0 : i32
      %ne3A_849 = arith.cmpi ne, %rem3A_847, %ne3A_848 : i32
      %and3A_850 = arith.andi %ne3A_846, %ne3A_849 : i1
      %sub3A_851 = arith.constant 1 : i32
      %sub3A_852 = arith.subi %div3A_831, %sub3A_851 : i32
      %select_n3A_853 = arith.select %and3A_850, %sub3A_852, %div3A_831 : i32
      %jit3A_854 = arith.constant 64 : i32
      %eq3A_855 = arith.constant 0 : i32
      %eq3A_856 = arith.cmpi eq, %jit3A_854, %eq3A_855 : i32
      %jit3A_857 = arith.constant 1 : i32
      %select_n3A_858 = arith.select %eq3A_856, %jit3A_857, %jit3A_854 : i32
      %rem3A_859 = arith.remsi %add3A_829, %select_n3A_858 : i32
      %ne3A_860 = arith.constant 0 : i32
      %ne3A_861 = arith.cmpi ne, %rem3A_859, %ne3A_860 : i32
      %lt3A_862 = arith.constant 0 : i32
      %lt3A_863 = arith.cmpi slt, %rem3A_859, %lt3A_862 : i32
      %lt3A_864 = arith.constant 0 : i32
      %lt3A_865 = arith.cmpi slt, %select_n3A_858, %lt3A_864 : i32
      %ne3A_866 = arith.xori %lt3A_863, %lt3A_865 : i1
      %and3A_867 = arith.andi %ne3A_866, %ne3A_861 : i1
      %add3A_868 = arith.addi %rem3A_859, %select_n3A_858 : i32
      %select_n3A_869 = arith.select %and3A_867, %add3A_868, %rem3A_859 : i32
      %dma_start3A_870 = arith.constant 0 : i32
      %dma_start3A_871 = tpu.memref_slice %arg4[%select_n3A_853, %select_n3A_869, %dma_start3A_870] : memref<200x64x4096xf32, #tpu.memory_space<hbm>> -> memref<1x8x4096xf32, #tpu.memory_space<hbm>>
      %dma_start3A_872 = tpu.memref_squeeze %dma_start3A_871 : memref<1x8x4096xf32, #tpu.memory_space<hbm>> -> memref<8x4096xf32, #tpu.memory_space<hbm>>
      %dma_start3A_873 = arith.constant 0 : i32
      %dma_start3A_874 = tpu.memref_slice %arg4[%select_n3A_853, %select_n3A_869, %dma_start3A_873] : memref<200x64x4096xf32, #tpu.memory_space<hbm>> -> memref<1x8x4096xf32, #tpu.memory_space<hbm>>
      %dma_start3A_875 = tpu.memref_squeeze %dma_start3A_874 : memref<1x8x4096xf32, #tpu.memory_space<hbm>> -> memref<8x4096xf32, #tpu.memory_space<hbm>>
      tpu.enqueue_dma source(%arg8 : memref<8x4096xf32, #tpu.memory_space<vmem>>) target(%dma_start3A_875 : memref<8x4096xf32, #tpu.memory_space<hbm>>) target_semaphore(%arg14 : memref<!tpu.dma_semaphore, #tpu.memory_space<semaphore_mem>>)
      %ge3A_876 = arith.constant 1 : i32
      %ge3A_877 = arith.cmpi sge, %add3A_771, %ge3A_876 : i32
      %convert_element_type3A_878 = arith.extui %ge3A_877 : i1 to i32
      %cond3A_879 = arith.constant 0 : i32
      %cond3A_880 = arith.cmpi ne, %convert_element_type3A_878, %cond3A_879 : i32
      scf.if %cond3A_880 {
        %sub3A_932 = arith.constant 1 : i32
        %sub3A_933 = arith.subi %add3A_771, %sub3A_932 : i32
        %mul3A_934 = arith.constant 8 : i32
        %mul3A_935 = arith.muli %sub3A_933, %mul3A_934 : i32
        %add3A_936 = arith.addi %mul3A_2, %mul3A_935 : i32
        %jit3A_937 = arith.constant 64 : i32
        %div3A_938 = arith.divsi %add3A_936, %jit3A_937 : i32
        %sign3A_939 = arith.constant 0 : i32
        %sign3A_940 = arith.cmpi sgt, %add3A_936, %sign3A_939 : i32
        %sign3A_941 = arith.extui %sign3A_940 : i1 to i32
        %sign3A_942 = arith.constant 0 : i32
        %sign3A_943 = arith.cmpi slt, %add3A_936, %sign3A_942 : i32
        %sign3A_944 = arith.extui %sign3A_943 : i1 to i32
        %sign3A_945 = arith.subi %sign3A_941, %sign3A_944 : i32
        %sign3A_946 = arith.constant 0 : i32
        %sign3A_947 = arith.cmpi sgt, %jit3A_937, %sign3A_946 : i32
        %sign3A_948 = arith.extui %sign3A_947 : i1 to i32
        %sign3A_949 = arith.constant 0 : i32
        %sign3A_950 = arith.cmpi slt, %jit3A_937, %sign3A_949 : i32
        %sign3A_951 = arith.extui %sign3A_950 : i1 to i32
        %sign3A_952 = arith.subi %sign3A_948, %sign3A_951 : i32
        %ne3A_953 = arith.cmpi ne, %sign3A_945, %sign3A_952 : i32
        %rem3A_954 = arith.remsi %add3A_936, %jit3A_937 : i32
        %ne3A_955 = arith.constant 0 : i32
        %ne3A_956 = arith.cmpi ne, %rem3A_954, %ne3A_955 : i32
        %and3A_957 = arith.andi %ne3A_953, %ne3A_956 : i1
        %sub3A_958 = arith.constant 1 : i32
        %sub3A_959 = arith.subi %div3A_938, %sub3A_958 : i32
        %select_n3A_960 = arith.select %and3A_957, %sub3A_959, %div3A_938 : i32
        %jit3A_961 = arith.constant 64 : i32
        %eq3A_962 = arith.constant 0 : i32
        %eq3A_963 = arith.cmpi eq, %jit3A_961, %eq3A_962 : i32
        %jit3A_964 = arith.constant 1 : i32
        %select_n3A_965 = arith.select %eq3A_963, %jit3A_964, %jit3A_961 : i32
        %rem3A_966 = arith.remsi %add3A_936, %select_n3A_965 : i32
        %ne3A_967 = arith.constant 0 : i32
        %ne3A_968 = arith.cmpi ne, %rem3A_966, %ne3A_967 : i32
        %lt3A_969 = arith.constant 0 : i32
        %lt3A_970 = arith.cmpi slt, %rem3A_966, %lt3A_969 : i32
        %lt3A_971 = arith.constant 0 : i32
        %lt3A_972 = arith.cmpi slt, %select_n3A_965, %lt3A_971 : i32
        %ne3A_973 = arith.xori %lt3A_970, %lt3A_972 : i1
        %and3A_974 = arith.andi %ne3A_973, %ne3A_968 : i1
        %add3A_975 = arith.addi %rem3A_966, %select_n3A_965 : i32
        %select_n3A_976 = arith.select %and3A_974, %add3A_975, %rem3A_966 : i32
        %dma_wait3A_977 = arith.constant 0 : i32
        %dma_wait3A_978 = tpu.memref_slice %arg4[%select_n3A_960, %select_n3A_976, %dma_wait3A_977] : memref<200x64x4096xf32, #tpu.memory_space<hbm>> -> memref<1x8x4096xf32, #tpu.memory_space<hbm>>
        %dma_wait3A_979 = tpu.memref_squeeze %dma_wait3A_978 : memref<1x8x4096xf32, #tpu.memory_space<hbm>> -> memref<8x4096xf32, #tpu.memory_space<hbm>>
        %dma_wait3A_980 = arith.constant 0 : i32
        %dma_wait3A_981 = tpu.memref_slice %arg4[%select_n3A_960, %select_n3A_976, %dma_wait3A_980] : memref<200x64x4096xf32, #tpu.memory_space<hbm>> -> memref<1x8x4096xf32, #tpu.memory_space<hbm>>
        %dma_wait3A_982 = tpu.memref_squeeze %dma_wait3A_981 : memref<1x8x4096xf32, #tpu.memory_space<hbm>> -> memref<8x4096xf32, #tpu.memory_space<hbm>>
        tpu.wait_dma2 semaphore(%arg13 : memref<!tpu.dma_semaphore, #tpu.memory_space<semaphore_mem>>) src(%arg7 : memref<8x4096xf32, #tpu.memory_space<vmem>>) dst(%dma_wait3A_982 : memref<8x4096xf32, #tpu.memory_space<hbm>>)
      } else {
      }
      %add3A_881 = arith.constant 2 : i32
      %add3A_882 = arith.addi %add3A_771, %add3A_881 : i32
      %mul3A_883 = arith.constant 8 : i32
      %mul3A_884 = arith.muli %add3A_882, %mul3A_883 : i32
      %add3A_885 = arith.addi %mul3A_2, %mul3A_884 : i32
      %jit3A_886 = arith.constant 64 : i32
      %div3A_887 = arith.divsi %add3A_885, %jit3A_886 : i32
      %sign3A_888 = arith.constant 0 : i32
      %sign3A_889 = arith.cmpi sgt, %add3A_885, %sign3A_888 : i32
      %sign3A_890 = arith.extui %sign3A_889 : i1 to i32
      %sign3A_891 = arith.constant 0 : i32
      %sign3A_892 = arith.cmpi slt, %add3A_885, %sign3A_891 : i32
      %sign3A_893 = arith.extui %sign3A_892 : i1 to i32
      %sign3A_894 = arith.subi %sign3A_890, %sign3A_893 : i32
      %sign3A_895 = arith.constant 0 : i32
      %sign3A_896 = arith.cmpi sgt, %jit3A_886, %sign3A_895 : i32
      %sign3A_897 = arith.extui %sign3A_896 : i1 to i32
      %sign3A_898 = arith.constant 0 : i32
      %sign3A_899 = arith.cmpi slt, %jit3A_886, %sign3A_898 : i32
      %sign3A_900 = arith.extui %sign3A_899 : i1 to i32
      %sign3A_901 = arith.subi %sign3A_897, %sign3A_900 : i32
      %ne3A_902 = arith.cmpi ne, %sign3A_894, %sign3A_901 : i32
      %rem3A_903 = arith.remsi %add3A_885, %jit3A_886 : i32
      %ne3A_904 = arith.constant 0 : i32
      %ne3A_905 = arith.cmpi ne, %rem3A_903, %ne3A_904 : i32
      %and3A_906 = arith.andi %ne3A_902, %ne3A_905 : i1
      %sub3A_907 = arith.constant 1 : i32
      %sub3A_908 = arith.subi %div3A_887, %sub3A_907 : i32
      %select_n3A_909 = arith.select %and3A_906, %sub3A_908, %div3A_887 : i32
      %jit3A_910 = arith.constant 64 : i32
      %eq3A_911 = arith.constant 0 : i32
      %eq3A_912 = arith.cmpi eq, %jit3A_910, %eq3A_911 : i32
      %jit3A_913 = arith.constant 1 : i32
      %select_n3A_914 = arith.select %eq3A_912, %jit3A_913, %jit3A_910 : i32
      %rem3A_915 = arith.remsi %add3A_885, %select_n3A_914 : i32
      %ne3A_916 = arith.constant 0 : i32
      %ne3A_917 = arith.cmpi ne, %rem3A_915, %ne3A_916 : i32
      %lt3A_918 = arith.constant 0 : i32
      %lt3A_919 = arith.cmpi slt, %rem3A_915, %lt3A_918 : i32
      %lt3A_920 = arith.constant 0 : i32
      %lt3A_921 = arith.cmpi slt, %select_n3A_914, %lt3A_920 : i32
      %ne3A_922 = arith.xori %lt3A_919, %lt3A_921 : i1
      %and3A_923 = arith.andi %ne3A_922, %ne3A_917 : i1
      %add3A_924 = arith.addi %rem3A_915, %select_n3A_914 : i32
      %select_n3A_925 = arith.select %and3A_923, %add3A_924, %rem3A_915 : i32
      %dma_start3A_926 = arith.constant 0 : i32
      %dma_start3A_927 = tpu.memref_slice %arg2[%select_n3A_909, %select_n3A_925, %dma_start3A_926] : memref<200x64x4096xf32, #tpu.memory_space<hbm>> -> memref<1x8x4096xf32, #tpu.memory_space<hbm>>
      %dma_start3A_928 = tpu.memref_squeeze %dma_start3A_927 : memref<1x8x4096xf32, #tpu.memory_space<hbm>> -> memref<8x4096xf32, #tpu.memory_space<hbm>>
      %dma_start3A_929 = arith.constant 0 : i32
      %dma_start3A_930 = tpu.memref_slice %arg2[%select_n3A_909, %select_n3A_925, %dma_start3A_929] : memref<200x64x4096xf32, #tpu.memory_space<hbm>> -> memref<1x8x4096xf32, #tpu.memory_space<hbm>>
      %dma_start3A_931 = tpu.memref_squeeze %dma_start3A_930 : memref<1x8x4096xf32, #tpu.memory_space<hbm>> -> memref<8x4096xf32, #tpu.memory_space<hbm>>
      tpu.enqueue_dma source(%dma_start3A_931 : memref<8x4096xf32, #tpu.memory_space<hbm>>) target(%arg7 : memref<8x4096xf32, #tpu.memory_space<vmem>>) target_semaphore(%arg10 : memref<!tpu.dma_semaphore, #tpu.memory_space<semaphore_mem>>)
    }
    %scan3A_94 = arith.constant 16 : i32
    %add3A_95 = arith.constant 384 : i32
    %add3A_96 = arith.addi %mul3A_2, %add3A_95 : i32
    %jit3A_97 = arith.constant 64 : i32
    %div3A_98 = arith.divsi %add3A_96, %jit3A_97 : i32
    %sign3A_99 = arith.constant 0 : i32
    %sign3A_100 = arith.cmpi sgt, %add3A_96, %sign3A_99 : i32
    %sign3A_101 = arith.extui %sign3A_100 : i1 to i32
    %sign3A_102 = arith.constant 0 : i32
    %sign3A_103 = arith.cmpi slt, %add3A_96, %sign3A_102 : i32
    %sign3A_104 = arith.extui %sign3A_103 : i1 to i32
    %sign3A_105 = arith.subi %sign3A_101, %sign3A_104 : i32
    %sign3A_106 = arith.constant 0 : i32
    %sign3A_107 = arith.cmpi sgt, %jit3A_97, %sign3A_106 : i32
    %sign3A_108 = arith.extui %sign3A_107 : i1 to i32
    %sign3A_109 = arith.constant 0 : i32
    %sign3A_110 = arith.cmpi slt, %jit3A_97, %sign3A_109 : i32
    %sign3A_111 = arith.extui %sign3A_110 : i1 to i32
    %sign3A_112 = arith.subi %sign3A_108, %sign3A_111 : i32
    %ne3A_113 = arith.cmpi ne, %sign3A_105, %sign3A_112 : i32
    %rem3A_114 = arith.remsi %add3A_96, %jit3A_97 : i32
    %ne3A_115 = arith.constant 0 : i32
    %ne3A_116 = arith.cmpi ne, %rem3A_114, %ne3A_115 : i32
    %and3A_117 = arith.andi %ne3A_113, %ne3A_116 : i1
    %sub3A_118 = arith.constant 1 : i32
    %sub3A_119 = arith.subi %div3A_98, %sub3A_118 : i32
    %select_n3A_120 = arith.select %and3A_117, %sub3A_119, %div3A_98 : i32
    %jit3A_121 = arith.constant 64 : i32
    %eq3A_122 = arith.constant 0 : i32
    %eq3A_123 = arith.cmpi eq, %jit3A_121, %eq3A_122 : i32
    %jit3A_124 = arith.constant 1 : i32
    %select_n3A_125 = arith.select %eq3A_123, %jit3A_124, %jit3A_121 : i32
    %rem3A_126 = arith.remsi %add3A_96, %select_n3A_125 : i32
    %ne3A_127 = arith.constant 0 : i32
    %ne3A_128 = arith.cmpi ne, %rem3A_126, %ne3A_127 : i32
    %lt3A_129 = arith.constant 0 : i32
    %lt3A_130 = arith.cmpi slt, %rem3A_126, %lt3A_129 : i32
    %lt3A_131 = arith.constant 0 : i32
    %lt3A_132 = arith.cmpi slt, %select_n3A_125, %lt3A_131 : i32
    %ne3A_133 = arith.xori %lt3A_130, %lt3A_132 : i1
    %and3A_134 = arith.andi %ne3A_133, %ne3A_128 : i1
    %add3A_135 = arith.addi %rem3A_126, %select_n3A_125 : i32
    %select_n3A_136 = arith.select %and3A_134, %add3A_135, %rem3A_126 : i32
    %dma_wait3A = arith.constant 0 : i32
    %dma_wait3A_137 = tpu.memref_slice %arg2[%select_n3A_120, %select_n3A_136, %dma_wait3A] : memref<200x64x4096xf32, #tpu.memory_space<hbm>> -> memref<1x8x4096xf32, #tpu.memory_space<hbm>>
    %dma_wait3A_138 = tpu.memref_squeeze %dma_wait3A_137 : memref<1x8x4096xf32, #tpu.memory_space<hbm>> -> memref<8x4096xf32, #tpu.memory_space<hbm>>
    %dma_wait3A_139 = arith.constant 0 : i32
    %dma_wait3A_140 = tpu.memref_slice %arg2[%select_n3A_120, %select_n3A_136, %dma_wait3A_139] : memref<200x64x4096xf32, #tpu.memory_space<hbm>> -> memref<1x8x4096xf32, #tpu.memory_space<hbm>>
    %dma_wait3A_141 = tpu.memref_squeeze %dma_wait3A_140 : memref<1x8x4096xf32, #tpu.memory_space<hbm>> -> memref<8x4096xf32, #tpu.memory_space<hbm>>
    tpu.wait_dma2 semaphore(%arg9 : memref<!tpu.dma_semaphore, #tpu.memory_space<semaphore_mem>>) src(%dma_wait3A_141 : memref<8x4096xf32, #tpu.memory_space<hbm>>) dst(%arg6 : memref<8x4096xf32, #tpu.memory_space<vmem>>)
    %scan3A_142 = arith.constant 0 : i32
    %scan3A_143 = arith.constant 0 : i32
    %scan3A_144 = arith.constant 8 : i32
    %scan3A_145 = arith.addi %scan3A_143, %scan3A_144 : i32
    %scan3A_146 = arith.constant 1 : i32
    scf.for %scan3A_442 = %scan3A_143 to %scan3A_145 step %scan3A_146  : i32 {
      %add3A_443 = arith.constant 384 : i32
      %add3A_444 = arith.addi %add3A_443, %scan3A_442 : i32
      %mul3A_445 = arith.constant 16 : i32
      %mul3A_446 = arith.muli %add3A_444, %mul3A_445 : i32
      %get3A = arith.index_cast %mul3A_446 : i32 to index
      %get3A_447 = tpu.vector_load %arg5[%get3A] {strides = array<i32>} : memref<6400xf32, #tpu.memory_space<vmem>>, vector<16xf32>,
      %get3A_448 = vector.shape_cast %get3A_447 : vector<16xf32> to vector<16xf32>
      %scan3A_449 = arith.constant 0 : i32
      %scan3A_450 = arith.constant 0 : i32
      %scan3A_451 = arith.constant 16 : i32
      %scan3A_452 = arith.addi %scan3A_450, %scan3A_451 : i32
      %scan3A_453 = arith.constant 1 : i32
      scf.for %scan3A_455 = %scan3A_450 to %scan3A_452 step %scan3A_453  : i32 {
        %mul3A_456 = arith.constant 256 : i32
        %mul3A_457 = arith.muli %scan3A_455, %mul3A_456 : i32
        %add3A_458 = arith.constant 0 : i32
        %add3A_459 = arith.addi %mul3A_457, %add3A_458 : i32
        %get3A_460 = arith.index_cast %scan3A_442 : i32 to index
        %get3A_461 = arith.index_cast %add3A_459 : i32 to index
        %get3A_462 = tpu.vector_load %arg6[%get3A_460, %get3A_461] {strides = array<i32>} : memref<8x4096xf32, #tpu.memory_space<vmem>>, vector<1x16xf32>,
        %get3A_463 = vector.shape_cast %get3A_462 : vector<1x16xf32> to vector<16xf32>
        %add3A_464 = arith.addf %get3A_463, %get3A_448 : vector<16xf32>
        %swap3A = arith.index_cast %scan3A_442 : i32 to index
        %swap3A_465 = arith.index_cast %add3A_459 : i32 to index
        %swap3A_466 = tpu.vector_load %arg6[%swap3A, %swap3A_465] {strides = array<i32>} : memref<8x4096xf32, #tpu.memory_space<vmem>>, vector<1x16xf32>,
        %swap3A_467 = vector.shape_cast %swap3A_466 : vector<1x16xf32> to vector<16xf32>
        %swap3A_468 = vector.shape_cast %add3A_464 : vector<16xf32> to vector<1x16xf32>
        tpu.vector_store %arg6[%swap3A, %swap3A_465], %swap3A_468 {strides = array<i32>} : memref<8x4096xf32, #tpu.memory_space<vmem>>, vector<1x16xf32>,
        %mul3A_469 = arith.constant 256 : i32
        %mul3A_470 = arith.muli %scan3A_455, %mul3A_469 : i32
        %add3A_471 = arith.constant 16 : i32
        %add3A_472 = arith.addi %mul3A_470, %add3A_471 : i32
        %get3A_473 = arith.index_cast %scan3A_442 : i32 to index
        %get3A_474 = arith.index_cast %add3A_472 : i32 to index
        %get3A_475 = tpu.vector_load %arg6[%get3A_473, %get3A_474] {strides = array<i32>} : memref<8x4096xf32, #tpu.memory_space<vmem>>, vector<1x16xf32>,
        %get3A_476 = vector.shape_cast %get3A_475 : vector<1x16xf32> to vector<16xf32>
        %add3A_477 = arith.addf %get3A_476, %get3A_448 : vector<16xf32>
        %swap3A_478 = arith.index_cast %scan3A_442 : i32 to index
        %swap3A_479 = arith.index_cast %add3A_472 : i32 to index
        %swap3A_480 = tpu.vector_load %arg6[%swap3A_478, %swap3A_479] {strides = array<i32>} : memref<8x4096xf32, #tpu.memory_space<vmem>>, vector<1x16xf32>,
        %swap3A_481 = vector.shape_cast %swap3A_480 : vector<1x16xf32> to vector<16xf32>
        %swap3A_482 = vector.shape_cast %add3A_477 : vector<16xf32> to vector<1x16xf32>
        tpu.vector_store %arg6[%swap3A_478, %swap3A_479], %swap3A_482 {strides = array<i32>} : memref<8x4096xf32, #tpu.memory_space<vmem>>, vector<1x16xf32>,
        %mul3A_483 = arith.constant 256 : i32
        %mul3A_484 = arith.muli %scan3A_455, %mul3A_483 : i32
        %add3A_485 = arith.constant 32 : i32
        %add3A_486 = arith.addi %mul3A_484, %add3A_485 : i32
        %get3A_487 = arith.index_cast %scan3A_442 : i32 to index
        %get3A_488 = arith.index_cast %add3A_486 : i32 to index
        %get3A_489 = tpu.vector_load %arg6[%get3A_487, %get3A_488] {strides = array<i32>} : memref<8x4096xf32, #tpu.memory_space<vmem>>, vector<1x16xf32>,
        %get3A_490 = vector.shape_cast %get3A_489 : vector<1x16xf32> to vector<16xf32>
        %add3A_491 = arith.addf %get3A_490, %get3A_448 : vector<16xf32>
        %swap3A_492 = arith.index_cast %scan3A_442 : i32 to index
        %swap3A_493 = arith.index_cast %add3A_486 : i32 to index
        %swap3A_494 = tpu.vector_load %arg6[%swap3A_492, %swap3A_493] {strides = array<i32>} : memref<8x4096xf32, #tpu.memory_space<vmem>>, vector<1x16xf32>,
        %swap3A_495 = vector.shape_cast %swap3A_494 : vector<1x16xf32> to vector<16xf32>
        %swap3A_496 = vector.shape_cast %add3A_491 : vector<16xf32> to vector<1x16xf32>
        tpu.vector_store %arg6[%swap3A_492, %swap3A_493], %swap3A_496 {strides = array<i32>} : memref<8x4096xf32, #tpu.memory_space<vmem>>, vector<1x16xf32>,
        %mul3A_497 = arith.constant 256 : i32
        %mul3A_498 = arith.muli %scan3A_455, %mul3A_497 : i32
        %add3A_499 = arith.constant 48 : i32
        %add3A_500 = arith.addi %mul3A_498, %add3A_499 : i32
        %get3A_501 = arith.index_cast %scan3A_442 : i32 to index
        %get3A_502 = arith.index_cast %add3A_500 : i32 to index
        %get3A_503 = tpu.vector_load %arg6[%get3A_501, %get3A_502] {strides = array<i32>} : memref<8x4096xf32, #tpu.memory_space<vmem>>, vector<1x16xf32>,
        %get3A_504 = vector.shape_cast %get3A_503 : vector<1x16xf32> to vector<16xf32>
        %add3A_505 = arith.addf %get3A_504, %get3A_448 : vector<16xf32>
        %swap3A_506 = arith.index_cast %scan3A_442 : i32 to index
        %swap3A_507 = arith.index_cast %add3A_500 : i32 to index
        %swap3A_508 = tpu.vector_load %arg6[%swap3A_506, %swap3A_507] {strides = array<i32>} : memref<8x4096xf32, #tpu.memory_space<vmem>>, vector<1x16xf32>,
        %swap3A_509 = vector.shape_cast %swap3A_508 : vector<1x16xf32> to vector<16xf32>
        %swap3A_510 = vector.shape_cast %add3A_505 : vector<16xf32> to vector<1x16xf32>
        tpu.vector_store %arg6[%swap3A_506, %swap3A_507], %swap3A_510 {strides = array<i32>} : memref<8x4096xf32, #tpu.memory_space<vmem>>, vector<1x16xf32>,
        %mul3A_511 = arith.constant 256 : i32
        %mul3A_512 = arith.muli %scan3A_455, %mul3A_511 : i32
        %add3A_513 = arith.constant 64 : i32
        %add3A_514 = arith.addi %mul3A_512, %add3A_513 : i32
        %get3A_515 = arith.index_cast %scan3A_442 : i32 to index
        %get3A_516 = arith.index_cast %add3A_514 : i32 to index
        %get3A_517 = tpu.vector_load %arg6[%get3A_515, %get3A_516] {strides = array<i32>} : memref<8x4096xf32, #tpu.memory_space<vmem>>, vector<1x16xf32>,
        %get3A_518 = vector.shape_cast %get3A_517 : vector<1x16xf32> to vector<16xf32>
        %add3A_519 = arith.addf %get3A_518, %get3A_448 : vector<16xf32>
        %swap3A_520 = arith.index_cast %scan3A_442 : i32 to index
        %swap3A_521 = arith.index_cast %add3A_514 : i32 to index
        %swap3A_522 = tpu.vector_load %arg6[%swap3A_520, %swap3A_521] {strides = array<i32>} : memref<8x4096xf32, #tpu.memory_space<vmem>>, vector<1x16xf32>,
        %swap3A_523 = vector.shape_cast %swap3A_522 : vector<1x16xf32> to vector<16xf32>
        %swap3A_524 = vector.shape_cast %add3A_519 : vector<16xf32> to vector<1x16xf32>
        tpu.vector_store %arg6[%swap3A_520, %swap3A_521], %swap3A_524 {strides = array<i32>} : memref<8x4096xf32, #tpu.memory_space<vmem>>, vector<1x16xf32>,
        %mul3A_525 = arith.constant 256 : i32
        %mul3A_526 = arith.muli %scan3A_455, %mul3A_525 : i32
        %add3A_527 = arith.constant 80 : i32
        %add3A_528 = arith.addi %mul3A_526, %add3A_527 : i32
        %get3A_529 = arith.index_cast %scan3A_442 : i32 to index
        %get3A_530 = arith.index_cast %add3A_528 : i32 to index
        %get3A_531 = tpu.vector_load %arg6[%get3A_529, %get3A_530] {strides = array<i32>} : memref<8x4096xf32, #tpu.memory_space<vmem>>, vector<1x16xf32>,
        %get3A_532 = vector.shape_cast %get3A_531 : vector<1x16xf32> to vector<16xf32>
        %add3A_533 = arith.addf %get3A_532, %get3A_448 : vector<16xf32>
        %swap3A_534 = arith.index_cast %scan3A_442 : i32 to index
        %swap3A_535 = arith.index_cast %add3A_528 : i32 to index
        %swap3A_536 = tpu.vector_load %arg6[%swap3A_534, %swap3A_535] {strides = array<i32>} : memref<8x4096xf32, #tpu.memory_space<vmem>>, vector<1x16xf32>,
        %swap3A_537 = vector.shape_cast %swap3A_536 : vector<1x16xf32> to vector<16xf32>
        %swap3A_538 = vector.shape_cast %add3A_533 : vector<16xf32> to vector<1x16xf32>
        tpu.vector_store %arg6[%swap3A_534, %swap3A_535], %swap3A_538 {strides = array<i32>} : memref<8x4096xf32, #tpu.memory_space<vmem>>, vector<1x16xf32>,
        %mul3A_539 = arith.constant 256 : i32
        %mul3A_540 = arith.muli %scan3A_455, %mul3A_539 : i32
        %add3A_541 = arith.constant 96 : i32
        %add3A_542 = arith.addi %mul3A_540, %add3A_541 : i32
        %get3A_543 = arith.index_cast %scan3A_442 : i32 to index
        %get3A_544 = arith.index_cast %add3A_542 : i32 to index
        %get3A_545 = tpu.vector_load %arg6[%get3A_543, %get3A_544] {strides = array<i32>} : memref<8x4096xf32, #tpu.memory_space<vmem>>, vector<1x16xf32>,
        %get3A_546 = vector.shape_cast %get3A_545 : vector<1x16xf32> to vector<16xf32>
        %add3A_547 = arith.addf %get3A_546, %get3A_448 : vector<16xf32>
        %swap3A_548 = arith.index_cast %scan3A_442 : i32 to index
        %swap3A_549 = arith.index_cast %add3A_542 : i32 to index
        %swap3A_550 = tpu.vector_load %arg6[%swap3A_548, %swap3A_549] {strides = array<i32>} : memref<8x4096xf32, #tpu.memory_space<vmem>>, vector<1x16xf32>,
        %swap3A_551 = vector.shape_cast %swap3A_550 : vector<1x16xf32> to vector<16xf32>
        %swap3A_552 = vector.shape_cast %add3A_547 : vector<16xf32> to vector<1x16xf32>
        tpu.vector_store %arg6[%swap3A_548, %swap3A_549], %swap3A_552 {strides = array<i32>} : memref<8x4096xf32, #tpu.memory_space<vmem>>, vector<1x16xf32>,
        %mul3A_553 = arith.constant 256 : i32
        %mul3A_554 = arith.muli %scan3A_455, %mul3A_553 : i32
        %add3A_555 = arith.constant 112 : i32
        %add3A_556 = arith.addi %mul3A_554, %add3A_555 : i32
        %get3A_557 = arith.index_cast %scan3A_442 : i32 to index
        %get3A_558 = arith.index_cast %add3A_556 : i32 to index
        %get3A_559 = tpu.vector_load %arg6[%get3A_557, %get3A_558] {strides = array<i32>} : memref<8x4096xf32, #tpu.memory_space<vmem>>, vector<1x16xf32>,
        %get3A_560 = vector.shape_cast %get3A_559 : vector<1x16xf32> to vector<16xf32>
        %add3A_561 = arith.addf %get3A_560, %get3A_448 : vector<16xf32>
        %swap3A_562 = arith.index_cast %scan3A_442 : i32 to index
        %swap3A_563 = arith.index_cast %add3A_556 : i32 to index
        %swap3A_564 = tpu.vector_load %arg6[%swap3A_562, %swap3A_563] {strides = array<i32>} : memref<8x4096xf32, #tpu.memory_space<vmem>>, vector<1x16xf32>,
        %swap3A_565 = vector.shape_cast %swap3A_564 : vector<1x16xf32> to vector<16xf32>
        %swap3A_566 = vector.shape_cast %add3A_561 : vector<16xf32> to vector<1x16xf32>
        tpu.vector_store %arg6[%swap3A_562, %swap3A_563], %swap3A_566 {strides = array<i32>} : memref<8x4096xf32, #tpu.memory_space<vmem>>, vector<1x16xf32>,
        %mul3A_567 = arith.constant 256 : i32
        %mul3A_568 = arith.muli %scan3A_455, %mul3A_567 : i32
        %add3A_569 = arith.constant 128 : i32
        %add3A_570 = arith.addi %mul3A_568, %add3A_569 : i32
        %get3A_571 = arith.index_cast %scan3A_442 : i32 to index
        %get3A_572 = arith.index_cast %add3A_570 : i32 to index
        %get3A_573 = tpu.vector_load %arg6[%get3A_571, %get3A_572] {strides = array<i32>} : memref<8x4096xf32, #tpu.memory_space<vmem>>, vector<1x16xf32>,
        %get3A_574 = vector.shape_cast %get3A_573 : vector<1x16xf32> to vector<16xf32>
        %add3A_575 = arith.addf %get3A_574, %get3A_448 : vector<16xf32>
        %swap3A_576 = arith.index_cast %scan3A_442 : i32 to index
        %swap3A_577 = arith.index_cast %add3A_570 : i32 to index
        %swap3A_578 = tpu.vector_load %arg6[%swap3A_576, %swap3A_577] {strides = array<i32>} : memref<8x4096xf32, #tpu.memory_space<vmem>>, vector<1x16xf32>,
        %swap3A_579 = vector.shape_cast %swap3A_578 : vector<1x16xf32> to vector<16xf32>
        %swap3A_580 = vector.shape_cast %add3A_575 : vector<16xf32> to vector<1x16xf32>
        tpu.vector_store %arg6[%swap3A_576, %swap3A_577], %swap3A_580 {strides = array<i32>} : memref<8x4096xf32, #tpu.memory_space<vmem>>, vector<1x16xf32>,
        %mul3A_581 = arith.constant 256 : i32
        %mul3A_582 = arith.muli %scan3A_455, %mul3A_581 : i32
        %add3A_583 = arith.constant 144 : i32
        %add3A_584 = arith.addi %mul3A_582, %add3A_583 : i32
        %get3A_585 = arith.index_cast %scan3A_442 : i32 to index
        %get3A_586 = arith.index_cast %add3A_584 : i32 to index
        %get3A_587 = tpu.vector_load %arg6[%get3A_585, %get3A_586] {strides = array<i32>} : memref<8x4096xf32, #tpu.memory_space<vmem>>, vector<1x16xf32>,
        %get3A_588 = vector.shape_cast %get3A_587 : vector<1x16xf32> to vector<16xf32>
        %add3A_589 = arith.addf %get3A_588, %get3A_448 : vector<16xf32>
        %swap3A_590 = arith.index_cast %scan3A_442 : i32 to index
        %swap3A_591 = arith.index_cast %add3A_584 : i32 to index
        %swap3A_592 = tpu.vector_load %arg6[%swap3A_590, %swap3A_591] {strides = array<i32>} : memref<8x4096xf32, #tpu.memory_space<vmem>>, vector<1x16xf32>,
        %swap3A_593 = vector.shape_cast %swap3A_592 : vector<1x16xf32> to vector<16xf32>
        %swap3A_594 = vector.shape_cast %add3A_589 : vector<16xf32> to vector<1x16xf32>
        tpu.vector_store %arg6[%swap3A_590, %swap3A_591], %swap3A_594 {strides = array<i32>} : memref<8x4096xf32, #tpu.memory_space<vmem>>, vector<1x16xf32>,
        %mul3A_595 = arith.constant 256 : i32
        %mul3A_596 = arith.muli %scan3A_455, %mul3A_595 : i32
        %add3A_597 = arith.constant 160 : i32
        %add3A_598 = arith.addi %mul3A_596, %add3A_597 : i32
        %get3A_599 = arith.index_cast %scan3A_442 : i32 to index
        %get3A_600 = arith.index_cast %add3A_598 : i32 to index
        %get3A_601 = tpu.vector_load %arg6[%get3A_599, %get3A_600] {strides = array<i32>} : memref<8x4096xf32, #tpu.memory_space<vmem>>, vector<1x16xf32>,
        %get3A_602 = vector.shape_cast %get3A_601 : vector<1x16xf32> to vector<16xf32>
        %add3A_603 = arith.addf %get3A_602, %get3A_448 : vector<16xf32>
        %swap3A_604 = arith.index_cast %scan3A_442 : i32 to index
        %swap3A_605 = arith.index_cast %add3A_598 : i32 to index
        %swap3A_606 = tpu.vector_load %arg6[%swap3A_604, %swap3A_605] {strides = array<i32>} : memref<8x4096xf32, #tpu.memory_space<vmem>>, vector<1x16xf32>,
        %swap3A_607 = vector.shape_cast %swap3A_606 : vector<1x16xf32> to vector<16xf32>
        %swap3A_608 = vector.shape_cast %add3A_603 : vector<16xf32> to vector<1x16xf32>
        tpu.vector_store %arg6[%swap3A_604, %swap3A_605], %swap3A_608 {strides = array<i32>} : memref<8x4096xf32, #tpu.memory_space<vmem>>, vector<1x16xf32>,
        %mul3A_609 = arith.constant 256 : i32
        %mul3A_610 = arith.muli %scan3A_455, %mul3A_609 : i32
        %add3A_611 = arith.constant 176 : i32
        %add3A_612 = arith.addi %mul3A_610, %add3A_611 : i32
        %get3A_613 = arith.index_cast %scan3A_442 : i32 to index
        %get3A_614 = arith.index_cast %add3A_612 : i32 to index
        %get3A_615 = tpu.vector_load %arg6[%get3A_613, %get3A_614] {strides = array<i32>} : memref<8x4096xf32, #tpu.memory_space<vmem>>, vector<1x16xf32>,
        %get3A_616 = vector.shape_cast %get3A_615 : vector<1x16xf32> to vector<16xf32>
        %add3A_617 = arith.addf %get3A_616, %get3A_448 : vector<16xf32>
        %swap3A_618 = arith.index_cast %scan3A_442 : i32 to index
        %swap3A_619 = arith.index_cast %add3A_612 : i32 to index
        %swap3A_620 = tpu.vector_load %arg6[%swap3A_618, %swap3A_619] {strides = array<i32>} : memref<8x4096xf32, #tpu.memory_space<vmem>>, vector<1x16xf32>,
        %swap3A_621 = vector.shape_cast %swap3A_620 : vector<1x16xf32> to vector<16xf32>
        %swap3A_622 = vector.shape_cast %add3A_617 : vector<16xf32> to vector<1x16xf32>
        tpu.vector_store %arg6[%swap3A_618, %swap3A_619], %swap3A_622 {strides = array<i32>} : memref<8x4096xf32, #tpu.memory_space<vmem>>, vector<1x16xf32>,
        %mul3A_623 = arith.constant 256 : i32
        %mul3A_624 = arith.muli %scan3A_455, %mul3A_623 : i32
        %add3A_625 = arith.constant 192 : i32
        %add3A_626 = arith.addi %mul3A_624, %add3A_625 : i32
        %get3A_627 = arith.index_cast %scan3A_442 : i32 to index
        %get3A_628 = arith.index_cast %add3A_626 : i32 to index
        %get3A_629 = tpu.vector_load %arg6[%get3A_627, %get3A_628] {strides = array<i32>} : memref<8x4096xf32, #tpu.memory_space<vmem>>, vector<1x16xf32>,
        %get3A_630 = vector.shape_cast %get3A_629 : vector<1x16xf32> to vector<16xf32>
        %add3A_631 = arith.addf %get3A_630, %get3A_448 : vector<16xf32>
        %swap3A_632 = arith.index_cast %scan3A_442 : i32 to index
        %swap3A_633 = arith.index_cast %add3A_626 : i32 to index
        %swap3A_634 = tpu.vector_load %arg6[%swap3A_632, %swap3A_633] {strides = array<i32>} : memref<8x4096xf32, #tpu.memory_space<vmem>>, vector<1x16xf32>,
        %swap3A_635 = vector.shape_cast %swap3A_634 : vector<1x16xf32> to vector<16xf32>
        %swap3A_636 = vector.shape_cast %add3A_631 : vector<16xf32> to vector<1x16xf32>
        tpu.vector_store %arg6[%swap3A_632, %swap3A_633], %swap3A_636 {strides = array<i32>} : memref<8x4096xf32, #tpu.memory_space<vmem>>, vector<1x16xf32>,
        %mul3A_637 = arith.constant 256 : i32
        %mul3A_638 = arith.muli %scan3A_455, %mul3A_637 : i32
        %add3A_639 = arith.constant 208 : i32
        %add3A_640 = arith.addi %mul3A_638, %add3A_639 : i32
        %get3A_641 = arith.index_cast %scan3A_442 : i32 to index
        %get3A_642 = arith.index_cast %add3A_640 : i32 to index
        %get3A_643 = tpu.vector_load %arg6[%get3A_641, %get3A_642] {strides = array<i32>} : memref<8x4096xf32, #tpu.memory_space<vmem>>, vector<1x16xf32>,
        %get3A_644 = vector.shape_cast %get3A_643 : vector<1x16xf32> to vector<16xf32>
        %add3A_645 = arith.addf %get3A_644, %get3A_448 : vector<16xf32>
        %swap3A_646 = arith.index_cast %scan3A_442 : i32 to index
        %swap3A_647 = arith.index_cast %add3A_640 : i32 to index
        %swap3A_648 = tpu.vector_load %arg6[%swap3A_646, %swap3A_647] {strides = array<i32>} : memref<8x4096xf32, #tpu.memory_space<vmem>>, vector<1x16xf32>,
        %swap3A_649 = vector.shape_cast %swap3A_648 : vector<1x16xf32> to vector<16xf32>
        %swap3A_650 = vector.shape_cast %add3A_645 : vector<16xf32> to vector<1x16xf32>
        tpu.vector_store %arg6[%swap3A_646, %swap3A_647], %swap3A_650 {strides = array<i32>} : memref<8x4096xf32, #tpu.memory_space<vmem>>, vector<1x16xf32>,
        %mul3A_651 = arith.constant 256 : i32
        %mul3A_652 = arith.muli %scan3A_455, %mul3A_651 : i32
        %add3A_653 = arith.constant 224 : i32
        %add3A_654 = arith.addi %mul3A_652, %add3A_653 : i32
        %get3A_655 = arith.index_cast %scan3A_442 : i32 to index
        %get3A_656 = arith.index_cast %add3A_654 : i32 to index
        %get3A_657 = tpu.vector_load %arg6[%get3A_655, %get3A_656] {strides = array<i32>} : memref<8x4096xf32, #tpu.memory_space<vmem>>, vector<1x16xf32>,
        %get3A_658 = vector.shape_cast %get3A_657 : vector<1x16xf32> to vector<16xf32>
        %add3A_659 = arith.addf %get3A_658, %get3A_448 : vector<16xf32>
        %swap3A_660 = arith.index_cast %scan3A_442 : i32 to index
        %swap3A_661 = arith.index_cast %add3A_654 : i32 to index
        %swap3A_662 = tpu.vector_load %arg6[%swap3A_660, %swap3A_661] {strides = array<i32>} : memref<8x4096xf32, #tpu.memory_space<vmem>>, vector<1x16xf32>,
        %swap3A_663 = vector.shape_cast %swap3A_662 : vector<1x16xf32> to vector<16xf32>
        %swap3A_664 = vector.shape_cast %add3A_659 : vector<16xf32> to vector<1x16xf32>
        tpu.vector_store %arg6[%swap3A_660, %swap3A_661], %swap3A_664 {strides = array<i32>} : memref<8x4096xf32, #tpu.memory_space<vmem>>, vector<1x16xf32>,
        %mul3A_665 = arith.constant 256 : i32
        %mul3A_666 = arith.muli %scan3A_455, %mul3A_665 : i32
        %add3A_667 = arith.constant 240 : i32
        %add3A_668 = arith.addi %mul3A_666, %add3A_667 : i32
        %get3A_669 = arith.index_cast %scan3A_442 : i32 to index
        %get3A_670 = arith.index_cast %add3A_668 : i32 to index
        %get3A_671 = tpu.vector_load %arg6[%get3A_669, %get3A_670] {strides = array<i32>} : memref<8x4096xf32, #tpu.memory_space<vmem>>, vector<1x16xf32>,
        %get3A_672 = vector.shape_cast %get3A_671 : vector<1x16xf32> to vector<16xf32>
        %add3A_673 = arith.addf %get3A_672, %get3A_448 : vector<16xf32>
        %swap3A_674 = arith.index_cast %scan3A_442 : i32 to index
        %swap3A_675 = arith.index_cast %add3A_668 : i32 to index
        %swap3A_676 = tpu.vector_load %arg6[%swap3A_674, %swap3A_675] {strides = array<i32>} : memref<8x4096xf32, #tpu.memory_space<vmem>>, vector<1x16xf32>,
        %swap3A_677 = vector.shape_cast %swap3A_676 : vector<1x16xf32> to vector<16xf32>
        %swap3A_678 = vector.shape_cast %add3A_673 : vector<16xf32> to vector<1x16xf32>
        tpu.vector_store %arg6[%swap3A_674, %swap3A_675], %swap3A_678 {strides = array<i32>} : memref<8x4096xf32, #tpu.memory_space<vmem>>, vector<1x16xf32>,
      }
      %scan3A_454 = arith.constant 16 : i32
    }
    %scan3A_147 = arith.constant 8 : i32
    %add3A_148 = arith.constant 384 : i32
    %add3A_149 = arith.addi %mul3A_2, %add3A_148 : i32
    %jit3A_150 = arith.constant 64 : i32
    %div3A_151 = arith.divsi %add3A_149, %jit3A_150 : i32
    %sign3A_152 = arith.constant 0 : i32
    %sign3A_153 = arith.cmpi sgt, %add3A_149, %sign3A_152 : i32
    %sign3A_154 = arith.extui %sign3A_153 : i1 to i32
    %sign3A_155 = arith.constant 0 : i32
    %sign3A_156 = arith.cmpi slt, %add3A_149, %sign3A_155 : i32
    %sign3A_157 = arith.extui %sign3A_156 : i1 to i32
    %sign3A_158 = arith.subi %sign3A_154, %sign3A_157 : i32
    %sign3A_159 = arith.constant 0 : i32
    %sign3A_160 = arith.cmpi sgt, %jit3A_150, %sign3A_159 : i32
    %sign3A_161 = arith.extui %sign3A_160 : i1 to i32
    %sign3A_162 = arith.constant 0 : i32
    %sign3A_163 = arith.cmpi slt, %jit3A_150, %sign3A_162 : i32
    %sign3A_164 = arith.extui %sign3A_163 : i1 to i32
    %sign3A_165 = arith.subi %sign3A_161, %sign3A_164 : i32
    %ne3A_166 = arith.cmpi ne, %sign3A_158, %sign3A_165 : i32
    %rem3A_167 = arith.remsi %add3A_149, %jit3A_150 : i32
    %ne3A_168 = arith.constant 0 : i32
    %ne3A_169 = arith.cmpi ne, %rem3A_167, %ne3A_168 : i32
    %and3A_170 = arith.andi %ne3A_166, %ne3A_169 : i1
    %sub3A_171 = arith.constant 1 : i32
    %sub3A_172 = arith.subi %div3A_151, %sub3A_171 : i32
    %select_n3A_173 = arith.select %and3A_170, %sub3A_172, %div3A_151 : i32
    %jit3A_174 = arith.constant 64 : i32
    %eq3A_175 = arith.constant 0 : i32
    %eq3A_176 = arith.cmpi eq, %jit3A_174, %eq3A_175 : i32
    %jit3A_177 = arith.constant 1 : i32
    %select_n3A_178 = arith.select %eq3A_176, %jit3A_177, %jit3A_174 : i32
    %rem3A_179 = arith.remsi %add3A_149, %select_n3A_178 : i32
    %ne3A_180 = arith.constant 0 : i32
    %ne3A_181 = arith.cmpi ne, %rem3A_179, %ne3A_180 : i32
    %lt3A_182 = arith.constant 0 : i32
    %lt3A_183 = arith.cmpi slt, %rem3A_179, %lt3A_182 : i32
    %lt3A_184 = arith.constant 0 : i32
    %lt3A_185 = arith.cmpi slt, %select_n3A_178, %lt3A_184 : i32
    %ne3A_186 = arith.xori %lt3A_183, %lt3A_185 : i1
    %and3A_187 = arith.andi %ne3A_186, %ne3A_181 : i1
    %add3A_188 = arith.addi %rem3A_179, %select_n3A_178 : i32
    %select_n3A_189 = arith.select %and3A_187, %add3A_188, %rem3A_179 : i32
    %dma_start3A_190 = arith.constant 0 : i32
    %dma_start3A_191 = tpu.memref_slice %arg4[%select_n3A_173, %select_n3A_189, %dma_start3A_190] : memref<200x64x4096xf32, #tpu.memory_space<hbm>> -> memref<1x8x4096xf32, #tpu.memory_space<hbm>>
    %dma_start3A_192 = tpu.memref_squeeze %dma_start3A_191 : memref<1x8x4096xf32, #tpu.memory_space<hbm>> -> memref<8x4096xf32, #tpu.memory_space<hbm>>
    %dma_start3A_193 = arith.constant 0 : i32
    %dma_start3A_194 = tpu.memref_slice %arg4[%select_n3A_173, %select_n3A_189, %dma_start3A_193] : memref<200x64x4096xf32, #tpu.memory_space<hbm>> -> memref<1x8x4096xf32, #tpu.memory_space<hbm>>
    %dma_start3A_195 = tpu.memref_squeeze %dma_start3A_194 : memref<1x8x4096xf32, #tpu.memory_space<hbm>> -> memref<8x4096xf32, #tpu.memory_space<hbm>>
    tpu.enqueue_dma source(%arg6 : memref<8x4096xf32, #tpu.memory_space<vmem>>) target(%dma_start3A_195 : memref<8x4096xf32, #tpu.memory_space<hbm>>) target_semaphore(%arg12 : memref<!tpu.dma_semaphore, #tpu.memory_space<semaphore_mem>>)
    %add3A_196 = arith.constant 392 : i32
    %add3A_197 = arith.addi %mul3A_2, %add3A_196 : i32
    %jit3A_198 = arith.constant 64 : i32
    %div3A_199 = arith.divsi %add3A_197, %jit3A_198 : i32
    %sign3A_200 = arith.constant 0 : i32
    %sign3A_201 = arith.cmpi sgt, %add3A_197, %sign3A_200 : i32
    %sign3A_202 = arith.extui %sign3A_201 : i1 to i32
    %sign3A_203 = arith.constant 0 : i32
    %sign3A_204 = arith.cmpi slt, %add3A_197, %sign3A_203 : i32
    %sign3A_205 = arith.extui %sign3A_204 : i1 to i32
    %sign3A_206 = arith.subi %sign3A_202, %sign3A_205 : i32
    %sign3A_207 = arith.constant 0 : i32
    %sign3A_208 = arith.cmpi sgt, %jit3A_198, %sign3A_207 : i32
    %sign3A_209 = arith.extui %sign3A_208 : i1 to i32
    %sign3A_210 = arith.constant 0 : i32
    %sign3A_211 = arith.cmpi slt, %jit3A_198, %sign3A_210 : i32
    %sign3A_212 = arith.extui %sign3A_211 : i1 to i32
    %sign3A_213 = arith.subi %sign3A_209, %sign3A_212 : i32
    %ne3A_214 = arith.cmpi ne, %sign3A_206, %sign3A_213 : i32
    %rem3A_215 = arith.remsi %add3A_197, %jit3A_198 : i32
    %ne3A_216 = arith.constant 0 : i32
    %ne3A_217 = arith.cmpi ne, %rem3A_215, %ne3A_216 : i32
    %and3A_218 = arith.andi %ne3A_214, %ne3A_217 : i1
    %sub3A_219 = arith.constant 1 : i32
    %sub3A_220 = arith.subi %div3A_199, %sub3A_219 : i32
    %select_n3A_221 = arith.select %and3A_218, %sub3A_220, %div3A_199 : i32
    %jit3A_222 = arith.constant 64 : i32
    %eq3A_223 = arith.constant 0 : i32
    %eq3A_224 = arith.cmpi eq, %jit3A_222, %eq3A_223 : i32
    %jit3A_225 = arith.constant 1 : i32
    %select_n3A_226 = arith.select %eq3A_224, %jit3A_225, %jit3A_222 : i32
    %rem3A_227 = arith.remsi %add3A_197, %select_n3A_226 : i32
    %ne3A_228 = arith.constant 0 : i32
    %ne3A_229 = arith.cmpi ne, %rem3A_227, %ne3A_228 : i32
    %lt3A_230 = arith.constant 0 : i32
    %lt3A_231 = arith.cmpi slt, %rem3A_227, %lt3A_230 : i32
    %lt3A_232 = arith.constant 0 : i32
    %lt3A_233 = arith.cmpi slt, %select_n3A_226, %lt3A_232 : i32
    %ne3A_234 = arith.xori %lt3A_231, %lt3A_233 : i1
    %and3A_235 = arith.andi %ne3A_234, %ne3A_229 : i1
    %add3A_236 = arith.addi %rem3A_227, %select_n3A_226 : i32
    %select_n3A_237 = arith.select %and3A_235, %add3A_236, %rem3A_227 : i32
    %dma_wait3A_238 = arith.constant 0 : i32
    %dma_wait3A_239 = tpu.memref_slice %arg2[%select_n3A_221, %select_n3A_237, %dma_wait3A_238] : memref<200x64x4096xf32, #tpu.memory_space<hbm>> -> memref<1x8x4096xf32, #tpu.memory_space<hbm>>
    %dma_wait3A_240 = tpu.memref_squeeze %dma_wait3A_239 : memref<1x8x4096xf32, #tpu.memory_space<hbm>> -> memref<8x4096xf32, #tpu.memory_space<hbm>>
    %dma_wait3A_241 = arith.constant 0 : i32
    %dma_wait3A_242 = tpu.memref_slice %arg2[%select_n3A_221, %select_n3A_237, %dma_wait3A_241] : memref<200x64x4096xf32, #tpu.memory_space<hbm>> -> memref<1x8x4096xf32, #tpu.memory_space<hbm>>
    %dma_wait3A_243 = tpu.memref_squeeze %dma_wait3A_242 : memref<1x8x4096xf32, #tpu.memory_space<hbm>> -> memref<8x4096xf32, #tpu.memory_space<hbm>>
    tpu.wait_dma2 semaphore(%arg10 : memref<!tpu.dma_semaphore, #tpu.memory_space<semaphore_mem>>) src(%dma_wait3A_243 : memref<8x4096xf32, #tpu.memory_space<hbm>>) dst(%arg7 : memref<8x4096xf32, #tpu.memory_space<vmem>>)
    %scan3A_244 = arith.constant 0 : i32
    %scan3A_245 = arith.constant 0 : i32
    %scan3A_246 = arith.constant 8 : i32
    %scan3A_247 = arith.addi %scan3A_245, %scan3A_246 : i32
    %scan3A_248 = arith.constant 1 : i32
    scf.for %scan3A_442 = %scan3A_245 to %scan3A_247 step %scan3A_248  : i32 {
      %add3A_443 = arith.constant 392 : i32
      %add3A_444 = arith.addi %add3A_443, %scan3A_442 : i32
      %mul3A_445 = arith.constant 16 : i32
      %mul3A_446 = arith.muli %add3A_444, %mul3A_445 : i32
      %get3A = arith.index_cast %mul3A_446 : i32 to index
      %get3A_447 = tpu.vector_load %arg5[%get3A] {strides = array<i32>} : memref<6400xf32, #tpu.memory_space<vmem>>, vector<16xf32>,
      %get3A_448 = vector.shape_cast %get3A_447 : vector<16xf32> to vector<16xf32>
      %scan3A_449 = arith.constant 0 : i32
      %scan3A_450 = arith.constant 0 : i32
      %scan3A_451 = arith.constant 16 : i32
      %scan3A_452 = arith.addi %scan3A_450, %scan3A_451 : i32
      %scan3A_453 = arith.constant 1 : i32
      scf.for %scan3A_455 = %scan3A_450 to %scan3A_452 step %scan3A_453  : i32 {
        %mul3A_456 = arith.constant 256 : i32
        %mul3A_457 = arith.muli %scan3A_455, %mul3A_456 : i32
        %add3A_458 = arith.constant 0 : i32
        %add3A_459 = arith.addi %mul3A_457, %add3A_458 : i32
        %get3A_460 = arith.index_cast %scan3A_442 : i32 to index
        %get3A_461 = arith.index_cast %add3A_459 : i32 to index
        %get3A_462 = tpu.vector_load %arg7[%get3A_460, %get3A_461] {strides = array<i32>} : memref<8x4096xf32, #tpu.memory_space<vmem>>, vector<1x16xf32>,
        %get3A_463 = vector.shape_cast %get3A_462 : vector<1x16xf32> to vector<16xf32>
        %add3A_464 = arith.addf %get3A_463, %get3A_448 : vector<16xf32>
        %swap3A = arith.index_cast %scan3A_442 : i32 to index
        %swap3A_465 = arith.index_cast %add3A_459 : i32 to index
        %swap3A_466 = tpu.vector_load %arg7[%swap3A, %swap3A_465] {strides = array<i32>} : memref<8x4096xf32, #tpu.memory_space<vmem>>, vector<1x16xf32>,
        %swap3A_467 = vector.shape_cast %swap3A_466 : vector<1x16xf32> to vector<16xf32>
        %swap3A_468 = vector.shape_cast %add3A_464 : vector<16xf32> to vector<1x16xf32>
        tpu.vector_store %arg7[%swap3A, %swap3A_465], %swap3A_468 {strides = array<i32>} : memref<8x4096xf32, #tpu.memory_space<vmem>>, vector<1x16xf32>,
        %mul3A_469 = arith.constant 256 : i32
        %mul3A_470 = arith.muli %scan3A_455, %mul3A_469 : i32
        %add3A_471 = arith.constant 16 : i32
        %add3A_472 = arith.addi %mul3A_470, %add3A_471 : i32
        %get3A_473 = arith.index_cast %scan3A_442 : i32 to index
        %get3A_474 = arith.index_cast %add3A_472 : i32 to index
        %get3A_475 = tpu.vector_load %arg7[%get3A_473, %get3A_474] {strides = array<i32>} : memref<8x4096xf32, #tpu.memory_space<vmem>>, vector<1x16xf32>,
        %get3A_476 = vector.shape_cast %get3A_475 : vector<1x16xf32> to vector<16xf32>
        %add3A_477 = arith.addf %get3A_476, %get3A_448 : vector<16xf32>
        %swap3A_478 = arith.index_cast %scan3A_442 : i32 to index
        %swap3A_479 = arith.index_cast %add3A_472 : i32 to index
        %swap3A_480 = tpu.vector_load %arg7[%swap3A_478, %swap3A_479] {strides = array<i32>} : memref<8x4096xf32, #tpu.memory_space<vmem>>, vector<1x16xf32>,
        %swap3A_481 = vector.shape_cast %swap3A_480 : vector<1x16xf32> to vector<16xf32>
        %swap3A_482 = vector.shape_cast %add3A_477 : vector<16xf32> to vector<1x16xf32>
        tpu.vector_store %arg7[%swap3A_478, %swap3A_479], %swap3A_482 {strides = array<i32>} : memref<8x4096xf32, #tpu.memory_space<vmem>>, vector<1x16xf32>,
        %mul3A_483 = arith.constant 256 : i32
        %mul3A_484 = arith.muli %scan3A_455, %mul3A_483 : i32
        %add3A_485 = arith.constant 32 : i32
        %add3A_486 = arith.addi %mul3A_484, %add3A_485 : i32
        %get3A_487 = arith.index_cast %scan3A_442 : i32 to index
        %get3A_488 = arith.index_cast %add3A_486 : i32 to index
        %get3A_489 = tpu.vector_load %arg7[%get3A_487, %get3A_488] {strides = array<i32>} : memref<8x4096xf32, #tpu.memory_space<vmem>>, vector<1x16xf32>,
        %get3A_490 = vector.shape_cast %get3A_489 : vector<1x16xf32> to vector<16xf32>
        %add3A_491 = arith.addf %get3A_490, %get3A_448 : vector<16xf32>
        %swap3A_492 = arith.index_cast %scan3A_442 : i32 to index
        %swap3A_493 = arith.index_cast %add3A_486 : i32 to index
        %swap3A_494 = tpu.vector_load %arg7[%swap3A_492, %swap3A_493] {strides = array<i32>} : memref<8x4096xf32, #tpu.memory_space<vmem>>, vector<1x16xf32>,
        %swap3A_495 = vector.shape_cast %swap3A_494 : vector<1x16xf32> to vector<16xf32>
        %swap3A_496 = vector.shape_cast %add3A_491 : vector<16xf32> to vector<1x16xf32>
        tpu.vector_store %arg7[%swap3A_492, %swap3A_493], %swap3A_496 {strides = array<i32>} : memref<8x4096xf32, #tpu.memory_space<vmem>>, vector<1x16xf32>,
        %mul3A_497 = arith.constant 256 : i32
        %mul3A_498 = arith.muli %scan3A_455, %mul3A_497 : i32
        %add3A_499 = arith.constant 48 : i32
        %add3A_500 = arith.addi %mul3A_498, %add3A_499 : i32
        %get3A_501 = arith.index_cast %scan3A_442 : i32 to index
        %get3A_502 = arith.index_cast %add3A_500 : i32 to index
        %get3A_503 = tpu.vector_load %arg7[%get3A_501, %get3A_502] {strides = array<i32>} : memref<8x4096xf32, #tpu.memory_space<vmem>>, vector<1x16xf32>,
        %get3A_504 = vector.shape_cast %get3A_503 : vector<1x16xf32> to vector<16xf32>
        %add3A_505 = arith.addf %get3A_504, %get3A_448 : vector<16xf32>
        %swap3A_506 = arith.index_cast %scan3A_442 : i32 to index
        %swap3A_507 = arith.index_cast %add3A_500 : i32 to index
        %swap3A_508 = tpu.vector_load %arg7[%swap3A_506, %swap3A_507] {strides = array<i32>} : memref<8x4096xf32, #tpu.memory_space<vmem>>, vector<1x16xf32>,
        %swap3A_509 = vector.shape_cast %swap3A_508 : vector<1x16xf32> to vector<16xf32>
        %swap3A_510 = vector.shape_cast %add3A_505 : vector<16xf32> to vector<1x16xf32>
        tpu.vector_store %arg7[%swap3A_506, %swap3A_507], %swap3A_510 {strides = array<i32>} : memref<8x4096xf32, #tpu.memory_space<vmem>>, vector<1x16xf32>,
        %mul3A_511 = arith.constant 256 : i32
        %mul3A_512 = arith.muli %scan3A_455, %mul3A_511 : i32
        %add3A_513 = arith.constant 64 : i32
        %add3A_514 = arith.addi %mul3A_512, %add3A_513 : i32
        %get3A_515 = arith.index_cast %scan3A_442 : i32 to index
        %get3A_516 = arith.index_cast %add3A_514 : i32 to index
        %get3A_517 = tpu.vector_load %arg7[%get3A_515, %get3A_516] {strides = array<i32>} : memref<8x4096xf32, #tpu.memory_space<vmem>>, vector<1x16xf32>,
        %get3A_518 = vector.shape_cast %get3A_517 : vector<1x16xf32> to vector<16xf32>
        %add3A_519 = arith.addf %get3A_518, %get3A_448 : vector<16xf32>
        %swap3A_520 = arith.index_cast %scan3A_442 : i32 to index
        %swap3A_521 = arith.index_cast %add3A_514 : i32 to index
        %swap3A_522 = tpu.vector_load %arg7[%swap3A_520, %swap3A_521] {strides = array<i32>} : memref<8x4096xf32, #tpu.memory_space<vmem>>, vector<1x16xf32>,
        %swap3A_523 = vector.shape_cast %swap3A_522 : vector<1x16xf32> to vector<16xf32>
        %swap3A_524 = vector.shape_cast %add3A_519 : vector<16xf32> to vector<1x16xf32>
        tpu.vector_store %arg7[%swap3A_520, %swap3A_521], %swap3A_524 {strides = array<i32>} : memref<8x4096xf32, #tpu.memory_space<vmem>>, vector<1x16xf32>,
        %mul3A_525 = arith.constant 256 : i32
        %mul3A_526 = arith.muli %scan3A_455, %mul3A_525 : i32
        %add3A_527 = arith.constant 80 : i32
        %add3A_528 = arith.addi %mul3A_526, %add3A_527 : i32
        %get3A_529 = arith.index_cast %scan3A_442 : i32 to index
        %get3A_530 = arith.index_cast %add3A_528 : i32 to index
        %get3A_531 = tpu.vector_load %arg7[%get3A_529, %get3A_530] {strides = array<i32>} : memref<8x4096xf32, #tpu.memory_space<vmem>>, vector<1x16xf32>,
        %get3A_532 = vector.shape_cast %get3A_531 : vector<1x16xf32> to vector<16xf32>
        %add3A_533 = arith.addf %get3A_532, %get3A_448 : vector<16xf32>
        %swap3A_534 = arith.index_cast %scan3A_442 : i32 to index
        %swap3A_535 = arith.index_cast %add3A_528 : i32 to index
        %swap3A_536 = tpu.vector_load %arg7[%swap3A_534, %swap3A_535] {strides = array<i32>} : memref<8x4096xf32, #tpu.memory_space<vmem>>, vector<1x16xf32>,
        %swap3A_537 = vector.shape_cast %swap3A_536 : vector<1x16xf32> to vector<16xf32>
        %swap3A_538 = vector.shape_cast %add3A_533 : vector<16xf32> to vector<1x16xf32>
        tpu.vector_store %arg7[%swap3A_534, %swap3A_535], %swap3A_538 {strides = array<i32>} : memref<8x4096xf32, #tpu.memory_space<vmem>>, vector<1x16xf32>,
        %mul3A_539 = arith.constant 256 : i32
        %mul3A_540 = arith.muli %scan3A_455, %mul3A_539 : i32
        %add3A_541 = arith.constant 96 : i32
        %add3A_542 = arith.addi %mul3A_540, %add3A_541 : i32
        %get3A_543 = arith.index_cast %scan3A_442 : i32 to index
        %get3A_544 = arith.index_cast %add3A_542 : i32 to index
        %get3A_545 = tpu.vector_load %arg7[%get3A_543, %get3A_544] {strides = array<i32>} : memref<8x4096xf32, #tpu.memory_space<vmem>>, vector<1x16xf32>,
        %get3A_546 = vector.shape_cast %get3A_545 : vector<1x16xf32> to vector<16xf32>
        %add3A_547 = arith.addf %get3A_546, %get3A_448 : vector<16xf32>
        %swap3A_548 = arith.index_cast %scan3A_442 : i32 to index
        %swap3A_549 = arith.index_cast %add3A_542 : i32 to index
        %swap3A_550 = tpu.vector_load %arg7[%swap3A_548, %swap3A_549] {strides = array<i32>} : memref<8x4096xf32, #tpu.memory_space<vmem>>, vector<1x16xf32>,
        %swap3A_551 = vector.shape_cast %swap3A_550 : vector<1x16xf32> to vector<16xf32>
        %swap3A_552 = vector.shape_cast %add3A_547 : vector<16xf32> to vector<1x16xf32>
        tpu.vector_store %arg7[%swap3A_548, %swap3A_549], %swap3A_552 {strides = array<i32>} : memref<8x4096xf32, #tpu.memory_space<vmem>>, vector<1x16xf32>,
        %mul3A_553 = arith.constant 256 : i32
        %mul3A_554 = arith.muli %scan3A_455, %mul3A_553 : i32
        %add3A_555 = arith.constant 112 : i32
        %add3A_556 = arith.addi %mul3A_554, %add3A_555 : i32
        %get3A_557 = arith.index_cast %scan3A_442 : i32 to index
        %get3A_558 = arith.index_cast %add3A_556 : i32 to index
        %get3A_559 = tpu.vector_load %arg7[%get3A_557, %get3A_558] {strides = array<i32>} : memref<8x4096xf32, #tpu.memory_space<vmem>>, vector<1x16xf32>,
        %get3A_560 = vector.shape_cast %get3A_559 : vector<1x16xf32> to vector<16xf32>
        %add3A_561 = arith.addf %get3A_560, %get3A_448 : vector<16xf32>
        %swap3A_562 = arith.index_cast %scan3A_442 : i32 to index
        %swap3A_563 = arith.index_cast %add3A_556 : i32 to index
        %swap3A_564 = tpu.vector_load %arg7[%swap3A_562, %swap3A_563] {strides = array<i32>} : memref<8x4096xf32, #tpu.memory_space<vmem>>, vector<1x16xf32>,
        %swap3A_565 = vector.shape_cast %swap3A_564 : vector<1x16xf32> to vector<16xf32>
        %swap3A_566 = vector.shape_cast %add3A_561 : vector<16xf32> to vector<1x16xf32>
        tpu.vector_store %arg7[%swap3A_562, %swap3A_563], %swap3A_566 {strides = array<i32>} : memref<8x4096xf32, #tpu.memory_space<vmem>>, vector<1x16xf32>,
        %mul3A_567 = arith.constant 256 : i32
        %mul3A_568 = arith.muli %scan3A_455, %mul3A_567 : i32
        %add3A_569 = arith.constant 128 : i32
        %add3A_570 = arith.addi %mul3A_568, %add3A_569 : i32
        %get3A_571 = arith.index_cast %scan3A_442 : i32 to index
        %get3A_572 = arith.index_cast %add3A_570 : i32 to index
        %get3A_573 = tpu.vector_load %arg7[%get3A_571, %get3A_572] {strides = array<i32>} : memref<8x4096xf32, #tpu.memory_space<vmem>>, vector<1x16xf32>,
        %get3A_574 = vector.shape_cast %get3A_573 : vector<1x16xf32> to vector<16xf32>
        %add3A_575 = arith.addf %get3A_574, %get3A_448 : vector<16xf32>
        %swap3A_576 = arith.index_cast %scan3A_442 : i32 to index
        %swap3A_577 = arith.index_cast %add3A_570 : i32 to index
        %swap3A_578 = tpu.vector_load %arg7[%swap3A_576, %swap3A_577] {strides = array<i32>} : memref<8x4096xf32, #tpu.memory_space<vmem>>, vector<1x16xf32>,
        %swap3A_579 = vector.shape_cast %swap3A_578 : vector<1x16xf32> to vector<16xf32>
        %swap3A_580 = vector.shape_cast %add3A_575 : vector<16xf32> to vector<1x16xf32>
        tpu.vector_store %arg7[%swap3A_576, %swap3A_577], %swap3A_580 {strides = array<i32>} : memref<8x4096xf32, #tpu.memory_space<vmem>>, vector<1x16xf32>,
        %mul3A_581 = arith.constant 256 : i32
        %mul3A_582 = arith.muli %scan3A_455, %mul3A_581 : i32
        %add3A_583 = arith.constant 144 : i32
        %add3A_584 = arith.addi %mul3A_582, %add3A_583 : i32
        %get3A_585 = arith.index_cast %scan3A_442 : i32 to index
        %get3A_586 = arith.index_cast %add3A_584 : i32 to index
        %get3A_587 = tpu.vector_load %arg7[%get3A_585, %get3A_586] {strides = array<i32>} : memref<8x4096xf32, #tpu.memory_space<vmem>>, vector<1x16xf32>,
        %get3A_588 = vector.shape_cast %get3A_587 : vector<1x16xf32> to vector<16xf32>
        %add3A_589 = arith.addf %get3A_588, %get3A_448 : vector<16xf32>
        %swap3A_590 = arith.index_cast %scan3A_442 : i32 to index
        %swap3A_591 = arith.index_cast %add3A_584 : i32 to index
        %swap3A_592 = tpu.vector_load %arg7[%swap3A_590, %swap3A_591] {strides = array<i32>} : memref<8x4096xf32, #tpu.memory_space<vmem>>, vector<1x16xf32>,
        %swap3A_593 = vector.shape_cast %swap3A_592 : vector<1x16xf32> to vector<16xf32>
        %swap3A_594 = vector.shape_cast %add3A_589 : vector<16xf32> to vector<1x16xf32>
        tpu.vector_store %arg7[%swap3A_590, %swap3A_591], %swap3A_594 {strides = array<i32>} : memref<8x4096xf32, #tpu.memory_space<vmem>>, vector<1x16xf32>,
        %mul3A_595 = arith.constant 256 : i32
        %mul3A_596 = arith.muli %scan3A_455, %mul3A_595 : i32
        %add3A_597 = arith.constant 160 : i32
        %add3A_598 = arith.addi %mul3A_596, %add3A_597 : i32
        %get3A_599 = arith.index_cast %scan3A_442 : i32 to index
        %get3A_600 = arith.index_cast %add3A_598 : i32 to index
        %get3A_601 = tpu.vector_load %arg7[%get3A_599, %get3A_600] {strides = array<i32>} : memref<8x4096xf32, #tpu.memory_space<vmem>>, vector<1x16xf32>,
        %get3A_602 = vector.shape_cast %get3A_601 : vector<1x16xf32> to vector<16xf32>
        %add3A_603 = arith.addf %get3A_602, %get3A_448 : vector<16xf32>
        %swap3A_604 = arith.index_cast %scan3A_442 : i32 to index
        %swap3A_605 = arith.index_cast %add3A_598 : i32 to index
        %swap3A_606 = tpu.vector_load %arg7[%swap3A_604, %swap3A_605] {strides = array<i32>} : memref<8x4096xf32, #tpu.memory_space<vmem>>, vector<1x16xf32>,
        %swap3A_607 = vector.shape_cast %swap3A_606 : vector<1x16xf32> to vector<16xf32>
        %swap3A_608 = vector.shape_cast %add3A_603 : vector<16xf32> to vector<1x16xf32>
        tpu.vector_store %arg7[%swap3A_604, %swap3A_605], %swap3A_608 {strides = array<i32>} : memref<8x4096xf32, #tpu.memory_space<vmem>>, vector<1x16xf32>,
        %mul3A_609 = arith.constant 256 : i32
        %mul3A_610 = arith.muli %scan3A_455, %mul3A_609 : i32
        %add3A_611 = arith.constant 176 : i32
        %add3A_612 = arith.addi %mul3A_610, %add3A_611 : i32
        %get3A_613 = arith.index_cast %scan3A_442 : i32 to index
        %get3A_614 = arith.index_cast %add3A_612 : i32 to index
        %get3A_615 = tpu.vector_load %arg7[%get3A_613, %get3A_614] {strides = array<i32>} : memref<8x4096xf32, #tpu.memory_space<vmem>>, vector<1x16xf32>,
        %get3A_616 = vector.shape_cast %get3A_615 : vector<1x16xf32> to vector<16xf32>
        %add3A_617 = arith.addf %get3A_616, %get3A_448 : vector<16xf32>
        %swap3A_618 = arith.index_cast %scan3A_442 : i32 to index
        %swap3A_619 = arith.index_cast %add3A_612 : i32 to index
        %swap3A_620 = tpu.vector_load %arg7[%swap3A_618, %swap3A_619] {strides = array<i32>} : memref<8x4096xf32, #tpu.memory_space<vmem>>, vector<1x16xf32>,
        %swap3A_621 = vector.shape_cast %swap3A_620 : vector<1x16xf32> to vector<16xf32>
        %swap3A_622 = vector.shape_cast %add3A_617 : vector<16xf32> to vector<1x16xf32>
        tpu.vector_store %arg7[%swap3A_618, %swap3A_619], %swap3A_622 {strides = array<i32>} : memref<8x4096xf32, #tpu.memory_space<vmem>>, vector<1x16xf32>,
        %mul3A_623 = arith.constant 256 : i32
        %mul3A_624 = arith.muli %scan3A_455, %mul3A_623 : i32
        %add3A_625 = arith.constant 192 : i32
        %add3A_626 = arith.addi %mul3A_624, %add3A_625 : i32
        %get3A_627 = arith.index_cast %scan3A_442 : i32 to index
        %get3A_628 = arith.index_cast %add3A_626 : i32 to index
        %get3A_629 = tpu.vector_load %arg7[%get3A_627, %get3A_628] {strides = array<i32>} : memref<8x4096xf32, #tpu.memory_space<vmem>>, vector<1x16xf32>,
        %get3A_630 = vector.shape_cast %get3A_629 : vector<1x16xf32> to vector<16xf32>
        %add3A_631 = arith.addf %get3A_630, %get3A_448 : vector<16xf32>
        %swap3A_632 = arith.index_cast %scan3A_442 : i32 to index
        %swap3A_633 = arith.index_cast %add3A_626 : i32 to index
        %swap3A_634 = tpu.vector_load %arg7[%swap3A_632, %swap3A_633] {strides = array<i32>} : memref<8x4096xf32, #tpu.memory_space<vmem>>, vector<1x16xf32>,
        %swap3A_635 = vector.shape_cast %swap3A_634 : vector<1x16xf32> to vector<16xf32>
        %swap3A_636 = vector.shape_cast %add3A_631 : vector<16xf32> to vector<1x16xf32>
        tpu.vector_store %arg7[%swap3A_632, %swap3A_633], %swap3A_636 {strides = array<i32>} : memref<8x4096xf32, #tpu.memory_space<vmem>>, vector<1x16xf32>,
        %mul3A_637 = arith.constant 256 : i32
        %mul3A_638 = arith.muli %scan3A_455, %mul3A_637 : i32
        %add3A_639 = arith.constant 208 : i32
        %add3A_640 = arith.addi %mul3A_638, %add3A_639 : i32
        %get3A_641 = arith.index_cast %scan3A_442 : i32 to index
        %get3A_642 = arith.index_cast %add3A_640 : i32 to index
        %get3A_643 = tpu.vector_load %arg7[%get3A_641, %get3A_642] {strides = array<i32>} : memref<8x4096xf32, #tpu.memory_space<vmem>>, vector<1x16xf32>,
        %get3A_644 = vector.shape_cast %get3A_643 : vector<1x16xf32> to vector<16xf32>
        %add3A_645 = arith.addf %get3A_644, %get3A_448 : vector<16xf32>
        %swap3A_646 = arith.index_cast %scan3A_442 : i32 to index
        %swap3A_647 = arith.index_cast %add3A_640 : i32 to index
        %swap3A_648 = tpu.vector_load %arg7[%swap3A_646, %swap3A_647] {strides = array<i32>} : memref<8x4096xf32, #tpu.memory_space<vmem>>, vector<1x16xf32>,
        %swap3A_649 = vector.shape_cast %swap3A_648 : vector<1x16xf32> to vector<16xf32>
        %swap3A_650 = vector.shape_cast %add3A_645 : vector<16xf32> to vector<1x16xf32>
        tpu.vector_store %arg7[%swap3A_646, %swap3A_647], %swap3A_650 {strides = array<i32>} : memref<8x4096xf32, #tpu.memory_space<vmem>>, vector<1x16xf32>,
        %mul3A_651 = arith.constant 256 : i32
        %mul3A_652 = arith.muli %scan3A_455, %mul3A_651 : i32
        %add3A_653 = arith.constant 224 : i32
        %add3A_654 = arith.addi %mul3A_652, %add3A_653 : i32
        %get3A_655 = arith.index_cast %scan3A_442 : i32 to index
        %get3A_656 = arith.index_cast %add3A_654 : i32 to index
        %get3A_657 = tpu.vector_load %arg7[%get3A_655, %get3A_656] {strides = array<i32>} : memref<8x4096xf32, #tpu.memory_space<vmem>>, vector<1x16xf32>,
        %get3A_658 = vector.shape_cast %get3A_657 : vector<1x16xf32> to vector<16xf32>
        %add3A_659 = arith.addf %get3A_658, %get3A_448 : vector<16xf32>
        %swap3A_660 = arith.index_cast %scan3A_442 : i32 to index
        %swap3A_661 = arith.index_cast %add3A_654 : i32 to index
        %swap3A_662 = tpu.vector_load %arg7[%swap3A_660, %swap3A_661] {strides = array<i32>} : memref<8x4096xf32, #tpu.memory_space<vmem>>, vector<1x16xf32>,
        %swap3A_663 = vector.shape_cast %swap3A_662 : vector<1x16xf32> to vector<16xf32>
        %swap3A_664 = vector.shape_cast %add3A_659 : vector<16xf32> to vector<1x16xf32>
        tpu.vector_store %arg7[%swap3A_660, %swap3A_661], %swap3A_664 {strides = array<i32>} : memref<8x4096xf32, #tpu.memory_space<vmem>>, vector<1x16xf32>,
        %mul3A_665 = arith.constant 256 : i32
        %mul3A_666 = arith.muli %scan3A_455, %mul3A_665 : i32
        %add3A_667 = arith.constant 240 : i32
        %add3A_668 = arith.addi %mul3A_666, %add3A_667 : i32
        %get3A_669 = arith.index_cast %scan3A_442 : i32 to index
        %get3A_670 = arith.index_cast %add3A_668 : i32 to index
        %get3A_671 = tpu.vector_load %arg7[%get3A_669, %get3A_670] {strides = array<i32>} : memref<8x4096xf32, #tpu.memory_space<vmem>>, vector<1x16xf32>,
        %get3A_672 = vector.shape_cast %get3A_671 : vector<1x16xf32> to vector<16xf32>
        %add3A_673 = arith.addf %get3A_672, %get3A_448 : vector<16xf32>
        %swap3A_674 = arith.index_cast %scan3A_442 : i32 to index
        %swap3A_675 = arith.index_cast %add3A_668 : i32 to index
        %swap3A_676 = tpu.vector_load %arg7[%swap3A_674, %swap3A_675] {strides = array<i32>} : memref<8x4096xf32, #tpu.memory_space<vmem>>, vector<1x16xf32>,
        %swap3A_677 = vector.shape_cast %swap3A_676 : vector<1x16xf32> to vector<16xf32>
        %swap3A_678 = vector.shape_cast %add3A_673 : vector<16xf32> to vector<1x16xf32>
        tpu.vector_store %arg7[%swap3A_674, %swap3A_675], %swap3A_678 {strides = array<i32>} : memref<8x4096xf32, #tpu.memory_space<vmem>>, vector<1x16xf32>,
      }
      %scan3A_454 = arith.constant 16 : i32
    }
    %scan3A_249 = arith.constant 8 : i32
    %add3A_250 = arith.constant 392 : i32
    %add3A_251 = arith.addi %mul3A_2, %add3A_250 : i32
    %jit3A_252 = arith.constant 64 : i32
    %div3A_253 = arith.divsi %add3A_251, %jit3A_252 : i32
    %sign3A_254 = arith.constant 0 : i32
    %sign3A_255 = arith.cmpi sgt, %add3A_251, %sign3A_254 : i32
    %sign3A_256 = arith.extui %sign3A_255 : i1 to i32
    %sign3A_257 = arith.constant 0 : i32
    %sign3A_258 = arith.cmpi slt, %add3A_251, %sign3A_257 : i32
    %sign3A_259 = arith.extui %sign3A_258 : i1 to i32
    %sign3A_260 = arith.subi %sign3A_256, %sign3A_259 : i32
    %sign3A_261 = arith.constant 0 : i32
    %sign3A_262 = arith.cmpi sgt, %jit3A_252, %sign3A_261 : i32
    %sign3A_263 = arith.extui %sign3A_262 : i1 to i32
    %sign3A_264 = arith.constant 0 : i32
    %sign3A_265 = arith.cmpi slt, %jit3A_252, %sign3A_264 : i32
    %sign3A_266 = arith.extui %sign3A_265 : i1 to i32
    %sign3A_267 = arith.subi %sign3A_263, %sign3A_266 : i32
    %ne3A_268 = arith.cmpi ne, %sign3A_260, %sign3A_267 : i32
    %rem3A_269 = arith.remsi %add3A_251, %jit3A_252 : i32
    %ne3A_270 = arith.constant 0 : i32
    %ne3A_271 = arith.cmpi ne, %rem3A_269, %ne3A_270 : i32
    %and3A_272 = arith.andi %ne3A_268, %ne3A_271 : i1
    %sub3A_273 = arith.constant 1 : i32
    %sub3A_274 = arith.subi %div3A_253, %sub3A_273 : i32
    %select_n3A_275 = arith.select %and3A_272, %sub3A_274, %div3A_253 : i32
    %jit3A_276 = arith.constant 64 : i32
    %eq3A_277 = arith.constant 0 : i32
    %eq3A_278 = arith.cmpi eq, %jit3A_276, %eq3A_277 : i32
    %jit3A_279 = arith.constant 1 : i32
    %select_n3A_280 = arith.select %eq3A_278, %jit3A_279, %jit3A_276 : i32
    %rem3A_281 = arith.remsi %add3A_251, %select_n3A_280 : i32
    %ne3A_282 = arith.constant 0 : i32
    %ne3A_283 = arith.cmpi ne, %rem3A_281, %ne3A_282 : i32
    %lt3A_284 = arith.constant 0 : i32
    %lt3A_285 = arith.cmpi slt, %rem3A_281, %lt3A_284 : i32
    %lt3A_286 = arith.constant 0 : i32
    %lt3A_287 = arith.cmpi slt, %select_n3A_280, %lt3A_286 : i32
    %ne3A_288 = arith.xori %lt3A_285, %lt3A_287 : i1
    %and3A_289 = arith.andi %ne3A_288, %ne3A_283 : i1
    %add3A_290 = arith.addi %rem3A_281, %select_n3A_280 : i32
    %select_n3A_291 = arith.select %and3A_289, %add3A_290, %rem3A_281 : i32
    %dma_start3A_292 = arith.constant 0 : i32
    %dma_start3A_293 = tpu.memref_slice %arg4[%select_n3A_275, %select_n3A_291, %dma_start3A_292] : memref<200x64x4096xf32, #tpu.memory_space<hbm>> -> memref<1x8x4096xf32, #tpu.memory_space<hbm>>
    %dma_start3A_294 = tpu.memref_squeeze %dma_start3A_293 : memref<1x8x4096xf32, #tpu.memory_space<hbm>> -> memref<8x4096xf32, #tpu.memory_space<hbm>>
    %dma_start3A_295 = arith.constant 0 : i32
    %dma_start3A_296 = tpu.memref_slice %arg4[%select_n3A_275, %select_n3A_291, %dma_start3A_295] : memref<200x64x4096xf32, #tpu.memory_space<hbm>> -> memref<1x8x4096xf32, #tpu.memory_space<hbm>>
    %dma_start3A_297 = tpu.memref_squeeze %dma_start3A_296 : memref<1x8x4096xf32, #tpu.memory_space<hbm>> -> memref<8x4096xf32, #tpu.memory_space<hbm>>
    tpu.enqueue_dma source(%arg7 : memref<8x4096xf32, #tpu.memory_space<vmem>>) target(%dma_start3A_297 : memref<8x4096xf32, #tpu.memory_space<hbm>>) target_semaphore(%arg13 : memref<!tpu.dma_semaphore, #tpu.memory_space<semaphore_mem>>)
    %add3A_298 = arith.constant 376 : i32
    %add3A_299 = arith.addi %mul3A_2, %add3A_298 : i32
    %jit3A_300 = arith.constant 64 : i32
    %div3A_301 = arith.divsi %add3A_299, %jit3A_300 : i32
    %sign3A_302 = arith.constant 0 : i32
    %sign3A_303 = arith.cmpi sgt, %add3A_299, %sign3A_302 : i32
    %sign3A_304 = arith.extui %sign3A_303 : i1 to i32
    %sign3A_305 = arith.constant 0 : i32
    %sign3A_306 = arith.cmpi slt, %add3A_299, %sign3A_305 : i32
    %sign3A_307 = arith.extui %sign3A_306 : i1 to i32
    %sign3A_308 = arith.subi %sign3A_304, %sign3A_307 : i32
    %sign3A_309 = arith.constant 0 : i32
    %sign3A_310 = arith.cmpi sgt, %jit3A_300, %sign3A_309 : i32
    %sign3A_311 = arith.extui %sign3A_310 : i1 to i32
    %sign3A_312 = arith.constant 0 : i32
    %sign3A_313 = arith.cmpi slt, %jit3A_300, %sign3A_312 : i32
    %sign3A_314 = arith.extui %sign3A_313 : i1 to i32
    %sign3A_315 = arith.subi %sign3A_311, %sign3A_314 : i32
    %ne3A_316 = arith.cmpi ne, %sign3A_308, %sign3A_315 : i32
    %rem3A_317 = arith.remsi %add3A_299, %jit3A_300 : i32
    %ne3A_318 = arith.constant 0 : i32
    %ne3A_319 = arith.cmpi ne, %rem3A_317, %ne3A_318 : i32
    %and3A_320 = arith.andi %ne3A_316, %ne3A_319 : i1
    %sub3A_321 = arith.constant 1 : i32
    %sub3A_322 = arith.subi %div3A_301, %sub3A_321 : i32
    %select_n3A_323 = arith.select %and3A_320, %sub3A_322, %div3A_301 : i32
    %jit3A_324 = arith.constant 64 : i32
    %eq3A_325 = arith.constant 0 : i32
    %eq3A_326 = arith.cmpi eq, %jit3A_324, %eq3A_325 : i32
    %jit3A_327 = arith.constant 1 : i32
    %select_n3A_328 = arith.select %eq3A_326, %jit3A_327, %jit3A_324 : i32
    %rem3A_329 = arith.remsi %add3A_299, %select_n3A_328 : i32
    %ne3A_330 = arith.constant 0 : i32
    %ne3A_331 = arith.cmpi ne, %rem3A_329, %ne3A_330 : i32
    %lt3A_332 = arith.constant 0 : i32
    %lt3A_333 = arith.cmpi slt, %rem3A_329, %lt3A_332 : i32
    %lt3A_334 = arith.constant 0 : i32
    %lt3A_335 = arith.cmpi slt, %select_n3A_328, %lt3A_334 : i32
    %ne3A_336 = arith.xori %lt3A_333, %lt3A_335 : i1
    %and3A_337 = arith.andi %ne3A_336, %ne3A_331 : i1
    %add3A_338 = arith.addi %rem3A_329, %select_n3A_328 : i32
    %select_n3A_339 = arith.select %and3A_337, %add3A_338, %rem3A_329 : i32
    %dma_wait3A_340 = arith.constant 0 : i32
    %dma_wait3A_341 = tpu.memref_slice %arg4[%select_n3A_323, %select_n3A_339, %dma_wait3A_340] : memref<200x64x4096xf32, #tpu.memory_space<hbm>> -> memref<1x8x4096xf32, #tpu.memory_space<hbm>>
    %dma_wait3A_342 = tpu.memref_squeeze %dma_wait3A_341 : memref<1x8x4096xf32, #tpu.memory_space<hbm>> -> memref<8x4096xf32, #tpu.memory_space<hbm>>
    %dma_wait3A_343 = arith.constant 0 : i32
    %dma_wait3A_344 = tpu.memref_slice %arg4[%select_n3A_323, %select_n3A_339, %dma_wait3A_343] : memref<200x64x4096xf32, #tpu.memory_space<hbm>> -> memref<1x8x4096xf32, #tpu.memory_space<hbm>>
    %dma_wait3A_345 = tpu.memref_squeeze %dma_wait3A_344 : memref<1x8x4096xf32, #tpu.memory_space<hbm>> -> memref<8x4096xf32, #tpu.memory_space<hbm>>
    tpu.wait_dma2 semaphore(%arg14 : memref<!tpu.dma_semaphore, #tpu.memory_space<semaphore_mem>>) src(%arg8 : memref<8x4096xf32, #tpu.memory_space<vmem>>) dst(%dma_wait3A_345 : memref<8x4096xf32, #tpu.memory_space<hbm>>)
    %add3A_346 = arith.constant 384 : i32
    %add3A_347 = arith.addi %mul3A_2, %add3A_346 : i32
    %jit3A_348 = arith.constant 64 : i32
    %div3A_349 = arith.divsi %add3A_347, %jit3A_348 : i32
    %sign3A_350 = arith.constant 0 : i32
    %sign3A_351 = arith.cmpi sgt, %add3A_347, %sign3A_350 : i32
    %sign3A_352 = arith.extui %sign3A_351 : i1 to i32
    %sign3A_353 = arith.constant 0 : i32
    %sign3A_354 = arith.cmpi slt, %add3A_347, %sign3A_353 : i32
    %sign3A_355 = arith.extui %sign3A_354 : i1 to i32
    %sign3A_356 = arith.subi %sign3A_352, %sign3A_355 : i32
    %sign3A_357 = arith.constant 0 : i32
    %sign3A_358 = arith.cmpi sgt, %jit3A_348, %sign3A_357 : i32
    %sign3A_359 = arith.extui %sign3A_358 : i1 to i32
    %sign3A_360 = arith.constant 0 : i32
    %sign3A_361 = arith.cmpi slt, %jit3A_348, %sign3A_360 : i32
    %sign3A_362 = arith.extui %sign3A_361 : i1 to i32
    %sign3A_363 = arith.subi %sign3A_359, %sign3A_362 : i32
    %ne3A_364 = arith.cmpi ne, %sign3A_356, %sign3A_363 : i32
    %rem3A_365 = arith.remsi %add3A_347, %jit3A_348 : i32
    %ne3A_366 = arith.constant 0 : i32
    %ne3A_367 = arith.cmpi ne, %rem3A_365, %ne3A_366 : i32
    %and3A_368 = arith.andi %ne3A_364, %ne3A_367 : i1
    %sub3A_369 = arith.constant 1 : i32
    %sub3A_370 = arith.subi %div3A_349, %sub3A_369 : i32
    %select_n3A_371 = arith.select %and3A_368, %sub3A_370, %div3A_349 : i32
    %jit3A_372 = arith.constant 64 : i32
    %eq3A_373 = arith.constant 0 : i32
    %eq3A_374 = arith.cmpi eq, %jit3A_372, %eq3A_373 : i32
    %jit3A_375 = arith.constant 1 : i32
    %select_n3A_376 = arith.select %eq3A_374, %jit3A_375, %jit3A_372 : i32
    %rem3A_377 = arith.remsi %add3A_347, %select_n3A_376 : i32
    %ne3A_378 = arith.constant 0 : i32
    %ne3A_379 = arith.cmpi ne, %rem3A_377, %ne3A_378 : i32
    %lt3A_380 = arith.constant 0 : i32
    %lt3A_381 = arith.cmpi slt, %rem3A_377, %lt3A_380 : i32
    %lt3A_382 = arith.constant 0 : i32
    %lt3A_383 = arith.cmpi slt, %select_n3A_376, %lt3A_382 : i32
    %ne3A_384 = arith.xori %lt3A_381, %lt3A_383 : i1
    %and3A_385 = arith.andi %ne3A_384, %ne3A_379 : i1
    %add3A_386 = arith.addi %rem3A_377, %select_n3A_376 : i32
    %select_n3A_387 = arith.select %and3A_385, %add3A_386, %rem3A_377 : i32
    %dma_wait3A_388 = arith.constant 0 : i32
    %dma_wait3A_389 = tpu.memref_slice %arg4[%select_n3A_371, %select_n3A_387, %dma_wait3A_388] : memref<200x64x4096xf32, #tpu.memory_space<hbm>> -> memref<1x8x4096xf32, #tpu.memory_space<hbm>>
    %dma_wait3A_390 = tpu.memref_squeeze %dma_wait3A_389 : memref<1x8x4096xf32, #tpu.memory_space<hbm>> -> memref<8x4096xf32, #tpu.memory_space<hbm>>
    %dma_wait3A_391 = arith.constant 0 : i32
    %dma_wait3A_392 = tpu.memref_slice %arg4[%select_n3A_371, %select_n3A_387, %dma_wait3A_391] : memref<200x64x4096xf32, #tpu.memory_space<hbm>> -> memref<1x8x4096xf32, #tpu.memory_space<hbm>>
    %dma_wait3A_393 = tpu.memref_squeeze %dma_wait3A_392 : memref<1x8x4096xf32, #tpu.memory_space<hbm>> -> memref<8x4096xf32, #tpu.memory_space<hbm>>
    tpu.wait_dma2 semaphore(%arg12 : memref<!tpu.dma_semaphore, #tpu.memory_space<semaphore_mem>>) src(%arg6 : memref<8x4096xf32, #tpu.memory_space<vmem>>) dst(%dma_wait3A_393 : memref<8x4096xf32, #tpu.memory_space<hbm>>)
    %add3A_394 = arith.constant 392 : i32
    %add3A_395 = arith.addi %mul3A_2, %add3A_394 : i32
    %jit3A_396 = arith.constant 64 : i32
    %div3A_397 = arith.divsi %add3A_395, %jit3A_396 : i32
    %sign3A_398 = arith.constant 0 : i32
    %sign3A_399 = arith.cmpi sgt, %add3A_395, %sign3A_398 : i32
    %sign3A_400 = arith.extui %sign3A_399 : i1 to i32
    %sign3A_401 = arith.constant 0 : i32
    %sign3A_402 = arith.cmpi slt, %add3A_395, %sign3A_401 : i32
    %sign3A_403 = arith.extui %sign3A_402 : i1 to i32
    %sign3A_404 = arith.subi %sign3A_400, %sign3A_403 : i32
    %sign3A_405 = arith.constant 0 : i32
    %sign3A_406 = arith.cmpi sgt, %jit3A_396, %sign3A_405 : i32
    %sign3A_407 = arith.extui %sign3A_406 : i1 to i32
    %sign3A_408 = arith.constant 0 : i32
    %sign3A_409 = arith.cmpi slt, %jit3A_396, %sign3A_408 : i32
    %sign3A_410 = arith.extui %sign3A_409 : i1 to i32
    %sign3A_411 = arith.subi %sign3A_407, %sign3A_410 : i32
    %ne3A_412 = arith.cmpi ne, %sign3A_404, %sign3A_411 : i32
    %rem3A_413 = arith.remsi %add3A_395, %jit3A_396 : i32
    %ne3A_414 = arith.constant 0 : i32
    %ne3A_415 = arith.cmpi ne, %rem3A_413, %ne3A_414 : i32
    %and3A_416 = arith.andi %ne3A_412, %ne3A_415 : i1
    %sub3A_417 = arith.constant 1 : i32
    %sub3A_418 = arith.subi %div3A_397, %sub3A_417 : i32
    %select_n3A_419 = arith.select %and3A_416, %sub3A_418, %div3A_397 : i32
    %jit3A_420 = arith.constant 64 : i32
    %eq3A_421 = arith.constant 0 : i32
    %eq3A_422 = arith.cmpi eq, %jit3A_420, %eq3A_421 : i32
    %jit3A_423 = arith.constant 1 : i32
    %select_n3A_424 = arith.select %eq3A_422, %jit3A_423, %jit3A_420 : i32
    %rem3A_425 = arith.remsi %add3A_395, %select_n3A_424 : i32
    %ne3A_426 = arith.constant 0 : i32
    %ne3A_427 = arith.cmpi ne, %rem3A_425, %ne3A_426 : i32
    %lt3A_428 = arith.constant 0 : i32
    %lt3A_429 = arith.cmpi slt, %rem3A_425, %lt3A_428 : i32
    %lt3A_430 = arith.constant 0 : i32
    %lt3A_431 = arith.cmpi slt, %select_n3A_424, %lt3A_430 : i32
    %ne3A_432 = arith.xori %lt3A_429, %lt3A_431 : i1
    %and3A_433 = arith.andi %ne3A_432, %ne3A_427 : i1
    %add3A_434 = arith.addi %rem3A_425, %select_n3A_424 : i32
    %select_n3A_435 = arith.select %and3A_433, %add3A_434, %rem3A_425 : i32
    %dma_wait3A_436 = arith.constant 0 : i32
    %dma_wait3A_437 = tpu.memref_slice %arg4[%select_n3A_419, %select_n3A_435, %dma_wait3A_436] : memref<200x64x4096xf32, #tpu.memory_space<hbm>> -> memref<1x8x4096xf32, #tpu.memory_space<hbm>>
    %dma_wait3A_438 = tpu.memref_squeeze %dma_wait3A_437 : memref<1x8x4096xf32, #tpu.memory_space<hbm>> -> memref<8x4096xf32, #tpu.memory_space<hbm>>
    %dma_wait3A_439 = arith.constant 0 : i32
    %dma_wait3A_440 = tpu.memref_slice %arg4[%select_n3A_419, %select_n3A_435, %dma_wait3A_439] : memref<200x64x4096xf32, #tpu.memory_space<hbm>> -> memref<1x8x4096xf32, #tpu.memory_space<hbm>>
    %dma_wait3A_441 = tpu.memref_squeeze %dma_wait3A_440 : memref<1x8x4096xf32, #tpu.memory_space<hbm>> -> memref<8x4096xf32, #tpu.memory_space<hbm>>
    tpu.wait_dma2 semaphore(%arg13 : memref<!tpu.dma_semaphore, #tpu.memory_space<semaphore_mem>>) src(%arg7 : memref<8x4096xf32, #tpu.memory_space<vmem>>) dst(%dma_wait3A_441 : memref<8x4096xf32, #tpu.memory_space<hbm>>)
    return
  }
}

</mosaic_0001>

<sc_bundles>
// kernel: kernel.3.cloned.1.call-start
scs
__scs_entry_jumppad:
0x0: {  	(pc) =	sbr.rel $0x88, $3  }
0x1: {  	(tag) =	ssettag $0x0;
	lr =	simm.s32 $0x1  }
0x2: {  	[smem:$0x3F9F] =	sst lr;
	_ =	strace $0xD0000000  }
0x3: {  	_ = 	snop  }
0x4: {  	_ = 	snop  }
0x5: {  	_ = 	snop  }
0x6: {  	_ = 	snop  }
0x7: {  	_ = 	snop  }
__scs_overlays_trampoline_lowered:
0x8: {  	[smem:$0x3FAE] =	sst s0  }
0x9: {  	[smem:$0x3FAF] =	sst s1  }
0xa: {  	[smem:$0x3FB0] =	sst s2  }
0xb: {  	[smem:$0x3FB1] =	sst s3  }
0xc: {  	[smem:$0x3FB2] =	sst s4  }
0xd: {  	[smem:$0x3FB3] =	sst s5  }
0xe: {  	[smem:$0x3FB4] =	sst s6  }
0xf: {  	[smem:$0x3FB5] =	sst s7  }
0x10: {  	[smem:$0x3FB6] =	sst s8  }
0x11: {  	[smem:$0x3FB7] =	sst s9;
	s0 =	simm.s32 @!p0 $0x0  }
0x12: {  	s1 =	sld [smem:$0x3F9D];
	s0 =	simm.s32 @p0 $0x1  }
0x13: {  	[smem:$0x3FB8] =	sst s0;
	s0 =	simm.s32 @!p1 $0x0  }
0x14: {  	s2 =	sld [smem:$0x3F9C];
	s0 =	simm.s32 @p1 $0x1  }
0x15: {  	[smem:$0x3FB9] =	sst s0;
	s0 =	simm.s32 @!p2 $0x0  }
0x16: {  	s3 =	sld [smem:$0x3FDB];
	s0 =	simm.s32 @p2 $0x1  }
0x17: {  	s4 =	simm.s32 $0x1BF5;
	[smem:$0x3FBB] =	sst s0  }
0x18: {  	s0 =	sld [smem:$0x3F9E];
	_ =	swait.ge [sflag:s4], $0x0  }
0x19: {  	s7 =	sld [smem:$0x3F9F]  }
0x1a: {  	s8 =	sadd.s32 $0xFFFFE003, lr  }
0x1b: {  	s9 =	sadd.s32 $0xFFFFFEF7, lr;
	s5 =	simm.s32 $0xFFFFFFFF;
	p2 =	slt.u32 s8, $0xFFFFF086  }
0x1c: {  	p1 =	slt.u32 s9, $0xF7A;
	s5 =	simm.s32 @!p2 $0x0  }
0x1d: {  	s5 =	simm.s32 @p1 $0x1;
	p0 =	seq.s32 s7, s2  }
0x1e: {  	s7 =	smul.u32 @!p0 $0xF7A, s2;
	p2 =	seq.s32 @!p0 s5, $0x0  }
0x1f: {  	s9 =	smul.u32 $0xF7A, s1;
	s8 =	simm.s32 @!p0 $0x1BF5;
	p2 =	por !p2, p0  }
0x20: {  	[sflag:s8] =	ssyncset.s32 @!p0 $0xFFFFF086;
	s6 =	sadd.s32 @!p0 s3, s7;
	s7 =	simm.s32 @!p0 $0x108  }
0x21: {  	s3 =	sadd.s32 s3, s9;
	s6 =	sadd.s32 @!p0 $0x88, s6;
	s7 =	simm.s32 @p2 $0x1082  }
0x22: {  	[simem:s7], [sflag:s8] =	dma.local @!p0 [hbm:s6], $0xF7A  }
0x23: {  	s9 =	sor.u32 $0xD0000000, s2;
	s6 =	simm.s32 $0x108;
	_ =	swait.ge @!p0 [sflag:s8], $0x0  }
0x24: {  	s3 =	sadd.s32 $0x88, s3;
	s6 =	simm.s32 @!p1 $0x1082;
	[sflag:s4] =	ssyncset.s32 $0xFFFFF086  }
0x25: {  	[simem:s6], [sflag:s4] =	dma.local [hbm:s3], $0xF7A  }
0x26: {  	[smem:$0x3F9F] =	sst s1;
	(tag) =	ssettag s2;
	_ =	strace s9  }
0x27: {  	s1 =	sld [smem:$0x3FAF]  }
0x28: {  	s2 =	sld [smem:$0x3FB0]  }
0x29: {  	s4 =	sld [smem:$0x3FB2]  }
0x2a: {  	p0 =	seq.s32 s5, $0x0;
	s5 =	sld [smem:$0x3FB3]  }
0x2b: {  	s6 =	sld [smem:$0x3FB4]  }
0x2c: {  	s7 =	sld [smem:$0x3FB5]  }
0x2d: {  	s3 =	simm.s32 $0x108;
	s8 =	sld [smem:$0x3FB6]  }
0x2e: {  	s3 =	simm.s32 @!p0 $0x1082;
	s9 =	sld [smem:$0x3FB7]  }
0x2f: {  	lr =	sadd.s32 s0, s3;
	s0 =	sld [smem:$0x3FAE]  }
0x30: {  	s3 =	sld [smem:$0x3FB1]  }
0x31: {  	[smem:$0x3FBA] =	sst s10  }
0x32: {  	s10 =	sld [smem:$0x3FB8];
	_ =	sdelay $0x3  }
0x33: {  	p0 =	seq.s32 s10, $0x1;
	s10 =	sld [smem:$0x3FBA];
	_ =	sdelay $0x3  }
0x34: {  	[smem:$0x3FBA] =	sst s10  }
0x35: {  	s10 =	sld [smem:$0x3FB9];
	_ =	sdelay $0x3  }
0x36: {  	p1 =	seq.s32 s10, $0x1;
	s10 =	sld [smem:$0x3FBA];
	_ =	sdelay $0x3  }
0x37: {  	[smem:$0x3FBA] =	sst s10  }
0x38: {  	s10 =	sld [smem:$0x3FBB]  }
0x39: {  	_ = 	snop;
	(pc) =	sbr.ind lr, $3  }
0x3a: {  	_ = 	snop  }
0x3b: {  	_ = 	snop  }
0x3c: {  	p2 =	seq.s32 s10, $0x1;
	s10 =	sld [smem:$0x3FBA]  }
0x3d: {  	_ =	shalt  }
0x3e: {  	_ =	shalt  }
0x3f: {  	_ =	shalt  }
0x40: {  	_ =	shalt  }
0x41: {  	_ =	shalt  }
0x42: {  	_ =	shalt  }
0x43: {  	_ =	shalt  }
0x44: {  	_ =	shalt  }
0x45: {  	_ =	shalt  }
0x46: {  	_ =	shalt  }
0x47: {  	_ =	shalt  }
0x48: {  	_ =	shalt  }
0x49: {  	_ =	shalt  }
0x4a: {  	_ =	shalt  }
0x4b: {  	_ =	shalt  }
0x4c: {  	_ =	shalt  }
0x4d: {  	_ =	shalt  }
0x4e: {  	_ =	shalt  }
0x4f: {  	_ =	shalt  }
0x50: {  	_ =	shalt  }
0x51: {  	_ =	shalt  }
0x52: {  	_ =	shalt  }
0x53: {  	_ =	shalt  }
0x54: {  	_ =	shalt  }
0x55: {  	_ =	shalt  }
0x56: {  	_ =	shalt  }
0x57: {  	_ =	shalt  }
0x58: {  	_ =	shalt  }
0x59: {  	_ =	shalt  }
0x5a: {  	_ =	shalt  }
0x5b: {  	_ =	shalt  }
0x5c: {  	_ =	shalt  }
0x5d: {  	_ =	shalt  }
0x5e: {  	_ =	shalt  }
0x5f: {  	_ =	shalt  }
0x60: {  	_ =	shalt  }
0x61: {  	_ =	shalt  }
0x62: {  	_ =	shalt  }
0x63: {  	_ =	shalt  }
0x64: {  	_ =	shalt  }
0x65: {  	_ =	shalt  }
0x66: {  	_ =	shalt  }
0x67: {  	_ =	shalt  }
0x68: {  	_ =	shalt  }
0x69: {  	_ =	shalt  }
0x6a: {  	_ =	shalt  }
0x6b: {  	_ =	shalt  }
0x6c: {  	_ =	shalt  }
0x6d: {  	_ =	shalt  }
0x6e: {  	_ =	shalt  }
0x6f: {  	_ =	shalt  }
0x70: {  	_ =	shalt  }
0x71: {  	_ =	shalt  }
0x72: {  	_ =	shalt  }
0x73: {  	_ =	shalt  }
0x74: {  	_ =	shalt  }
0x75: {  	_ =	shalt  }
0x76: {  	_ =	shalt  }
0x77: {  	_ =	shalt  }
0x78: {  	_ =	shalt  }
0x79: {  	_ =	shalt  }
0x7a: {  	_ =	shalt  }
0x7b: {  	_ =	shalt  }
0x7c: {  	_ =	shalt  }
0x7d: {  	_ =	shalt  }
0x7e: {  	_ =	shalt  }
0x7f: {  	_ =	shalt  }
0x80: {  	_ =	shalt  }
0x81: {  	_ =	shalt  }
0x82: {  	_ =	shalt  }
0x83: {  	_ =	shalt  }
0x84: {  	_ =	shalt  }
0x85: {  	_ =	shalt  }
0x86: {  	_ =	shalt  }
0x87: {  	_ =	shalt  }
.Lfunc_end0:
.L_simem_size_0:
called_computation_lowered:
.L_overlay_start_0:
0x88: {  	s2 =	sld [smem:$0x3FD9]  }
0x89: {  	s3 =	sld [smem:$0x3FFE];
	_ =	sdelay $0x1  }
0x8a: {  	s1 =	srdreg.scid  }
0x8b: {  	s0 =	sand.u32 $0x1, s1  }
0x8c: {  	s17 =	sshll.u32 s0, $0xA;
	s2 =	sadd.s32 s3, s2  }
0x8d: {  	s2 =	sadd.s32 s2, s17  }
0x8e: {  	[smem:$0x3FC6] =	sst s2  }
0x8f: {  	_ = 	snop  }
0x90: {  	s2 =	sld [smem:$0x3FC9]  }
0x91: {  	s18 =	sld [smem:$0x3FD0];
	(tm) =	ssettm $0x1  }
0x92: {  	s4 =	sld [smem:$0x3FFB];
	_ =	sdelay $0x3  }
0x93: {  	_ =	strace s4  }
0x94: {  	s4 =	sld [smem:$0x3FFC];
	_ =	sdelay $0x3  }
0x95: {  	_ =	strace s4  }
0x96: {  	s4 =	sld [smem:$0x3FFD];
	_ =	sdelay $0x3  }
0x97: {  	_ =	strace s4  }
0x98: {  	_ =	strace $0x8FFFFFFF  }
0x99: {  	s19 =	sld [smem:$0x3FDB];
	_ =	sdelay $0x1  }
0x9a: {  	s5 =	simm.s32 $_scs_section_size  }
0x9b: {  	s6 =	simm.s32 $_size__tile_overlayer_lowered;
	s7 =	simm.s32 $_tile_overlayer_lowered  }
0x9c: {  	s22 =	simm.s32 $0x1BFF;
	s21 =	sshll.u32 s7, $0x1;
	s4 =	sadd.s32 s5, s19  }
0x9d: {  	s8 =	simm.s32 $0x0;
	s20 =	sshll.u32 s6, $0x1;
	s6 =	sadd.s32 s21, s4  }
0x9e: {  	[timem:s8], [sflag:s22] =	dma.local [hbm:s6], s20  }
0x9f: {  	_ =	swait.ge [sflag:s22], s20  }
0xa0: {  	s5 =	ssub.s32 $0x0, s20;
	[sflag:s22] =	ssyncset.done $0x0  }
0xa1: {  	[sflag:s22] =	ssyncadd.s32 s5;
	_ =	sdelay $0x1  }
0xa2: {  	s23 =	simm.s32 $0x1B8B  }
0xa3: {  	_ =	swait.ge [sflag:s23], $0x1  }
0xa4: {  	[sflag:s23] =	ssyncset.done $0x0  }
0xa5: {  	s25 =	simm.s32 $0x1B8E;
	s24 =	sld [smem:$0x3FFE];
	[sflag:s23] =	ssyncadd.s32 $0xFFFFFFFF  }
0xa6: {  	s26 =	simm.s32 $execute0_lowered;
	[smem:$0x3FD2] =	sst s25  }
0xa7: {  	s6 =	sshll.u32 s26, $0x1;
	_ =	strace $0x80000046;
	[dreg:$0x1] =	wrdreg $0xFFFFFFFF  }
0xa8: {  	s28 =	simm.s32 $_size_execute0_lowered;
	s4 =	sadd.s32 s4, s6;
	[dreg:$0x0] =	wrdreg $0x0  }
0xa9: {  	s6 =	sshll.u32 s28, $0x1;
	[dreg:$0x2] =	wrdreg s4  }
0xaa: {  	[dreg:$0x3] =	wrdreg s6  }
0xab: {  	[dreg:$0x4] =	wrdreg $0xC0  }
0xac: {  	_ =	task [dreg:s8], $0x5FFFF  }
0xad: {  	[dreg:$0x1] =	wrdreg $0xFFFFFFFF  }
0xae: {  	[dreg:$0x0] =	wrdreg $0x60  }
0xaf: {  	[dreg:$0x2] =	wrdreg s2  }
0xb0: {  	[dreg:$0x3] =	wrdreg s24  }
0xb1: {  	[dreg:$0x4] =	wrdreg s18  }
0xb2: {  	[dreg:$0x5] =	wrdreg $0x9  }
0xb3: {  	_ =	task.clear_ibuf [dreg:s8], $0x6FFFF;
	_ =	strace $0x90000046  }
0xb4: {  	s29 =	simm.s32 $0x9;
	_ =	strace $0x80000048  }
0xb5: {  	_ =	swait.ge [sflag:s29], $0x1  }
0xb6: {  	[sflag:s29] =	ssyncadd.s32 $0xFFFFFFFF  }
0xb7: {  	_ =	strace $0x90000048  }
0xb8: {  	_ =	sfence  }
0xb9: {  	s30 =	sld [smem:$0x0];
	_ =	sdelay $0x2  }
0xba: {  	s31 =	sshll.u32 s1, $0xD;
	s1 =	sshrl.u32 s1, $0x2  }
0xbb: {  	s3 =	sand.u32 $0x4000, s31;
	s1 =	sadd.s32 s1, s30  }
0xbc: {  	s0 =	sor.u32 s3, s0;
	s1 =	sshll.u32 s1, $0x11  }
0xbd: {  	s0 =	sor.u32 s1, s0  }
0xbe: {  	s0 =	sadd.s32 $0x8F2B, s0  }
0xbf: {  	[sflag:s0] =	ssyncadd.remote.s32 $0x1  }
0xc0: {  	_ =	sfence.sel $0xFFFF  }
0xc1: {  	[dreg:$0x0] =	wrdreg $0xFFFFFFFF;
	(pc) =	sbr.abs _section_cstart, $3  }
0xc2: {  	[dreg:$0x1] =	wrdreg $0xFFFFFFFF  }
0xc3: {  	_ =	task.clear_ibuf [dreg:s8], $0x2FFFF;
	_ =	strace $0x9FFFFFFF  }
0xc4: {  	(tm) =	ssettm $0x7FFFFFFF  }
0xc5: {  	_ =	shalt  }
tec
execute0_lowered:
.L_overlay_start_1:
0x0: {  	(tag) =	ssettag $0x1  }
0x1: {  	s1 =	rddreg [dreg:$0x0];
	s0 =	srdreg.scid  }
0x2: {  	s3 =	stileid.u32;
	s2 =	rddreg [dreg:$0x1]  }
0x3: {  	s14 =	simm.s32 $0x7;
	s15 =	simm.s32 $0x1900;
	s16 =	simm.s32 $0x9900  }
0x4: {  	s17 =	simm.s32 $0x1;
	s18 =	simm.s32 $0x11900;
	s19 =	simm.s32 $0x2  }
0x5: {  	s20 =	simm.s32 $0x4;
	s21 =	simm.s32 $0x3;
	s22 =	simm.s32 $0x5  }
0x6: {  	s23 =	simm.s32 $0x6;
	s0 =	sand.u32 $0x1, s0;
	s4 =	sshll.u32 s3, $0x1  }
0x7: {  	s24 =	simm.s32 $0x0;
	s3 =	rddreg [dreg:$0x2];
	s5 =	sor.u32 s0, s4  }
0x8: {  	s4 =	simm.s32 $0x0;
	s0 =	ssub.s32 $0x2, s0;
	s6 =	smul.u32 $0x190000, s5  }
0x9: {  	[smem:$0x7FF] =	sst s4;
	s7 =	smul.u32 $0x320, s5;
	s8 =	sshll.u32 s5, $0x10  }
0xa: {  	s10 =	sshrl.u32 s0, $0x1;
	s5 =	smul.u32 $0x190, s5;
	s8 =	sand.u32 $0x30000, s8  }
0xb: {  	_ =	strace $0x80000047;
	s0 =	ssub.s32 s0, s10;
	s9 =	sand.u32 $0x3FC0000, s6  }
0xc: {  	s2 =	sadd.s32 s7, s2;
	s6 =	sshrl.u32 s6, $0x3;
	s8 =	sor.u32 s8, s9  }
0xd: {  	s10 =	sadd.s32 $0x20, s5;
	s13 =	smax.u32 s0, $0x1;
	s29 =	sshrl.u32 s8, $0x3  }
0xe: {  	s2 =	sadd.s32 $0x400, s2;
	s31 =	sadd.s32 $0x180000, s8;
	s7 =	sadd.s32 s1, s29  }
0xf: {  	[dreg:$0x4] =	wrdreg s2;
	s2 =	sshrl.u32 s31, $0x3;
	s30 =	sadd.s32 $0x1000, s7  }
0x10: {  	s6 =	sadd.s32 s3, s6;
	s2 =	sadd.s32 s3, s2;
	[dreg:$0x5] =	wrdreg s30  }
0x11: {  	s9 =	sadd.s32 $0x18, s5;
	s12 =	sadd.s32 $0x31000, s6;
	[dreg:$0x6] =	wrdreg s2  }
.LBB2_1:
0x12: {  	s0 =	rddreg [dreg:$0x4]  }
0x13: {  	[tilespmem:s4], [sflag:$0x7] =	stream.linear.gather [hbm4b:s0+s4], $0x1900, $0x38;
	[tilespmem:$0x19900] =	vst v63  }
0x14: {  	_ =	swait.ge [sflag:s14], $0x1900  }
0x15: {  	[sflag:s14] =	ssyncset.done $0x0  }
0x16: {  	[sflag:s14] =	ssyncadd.s32 $0xFFFFE700  }
0x17: {  	[tilespmem:s15], [sflag:$0x1] =	stream.linear.gather [hbm4b:s7+s4], $0x8000, $0x38;
	[tilespmem:$0x19900] =	vst v63  }
0x18: {  	s25 =	simm.s32 $0x0;
	s31 =	rddreg [dreg:$0x5]  }
0x19: {  	[tilespmem:s16], [sflag:$0x2] =	stream.linear.gather [hbm4b:s31+s4], $0x8000, $0x38;
	[tilespmem:$0x19900] =	vst v63  }
.LBB2_2:
0x1a: {  	_ =	swait.ge [sflag:s17], $0x8000  }
0x1b: {  	s26 =	smul.u32 $0x18, s25;
	[sflag:s17] =	ssyncset.done $0x0  }
0x1c: {  	s28 =	simm.s32 $0x0;
	s29 =	simm.s32 $0x1D70;
	[sflag:s17] =	ssyncadd.s32 $0xFFFF8000  }
.LBB2_3:
0x1d: {  	v0 =	vmov s29  }
0x1e: {  	s0 =	sadd.s32 s26, s28  }
0x1f: {  	s0 =	sshll.u32 s0, $0x4  }
0x20: {  	s0 =	sand.u32 $0x3FFFFFF0, s0  }
0x21: {  	s2 =	simm.s32 $0x0;
	v1 =	vld [tilespmem:s0+$0x0]  }
0x22: {  	v2 =	vld.idx.msk [tilespmem:v0+s2+$0xFFFFFB90 ss:$0x1], $0xffff  }
0x23: {  	v3 =	vld.idx.msk [tilespmem:v0+s2+$0xFFFFFF90 ss:$0x1], $0xffff;
	_ =	sdelay $0x3  }
0x24: {  	v2 =	vadd.f32 v2, v1  }
0x25: {  	v3 =	vadd.f32 v3, v1  }
0x26: {  	[tilespmem:v0+s2+$0xFFFFFB90 ss:$0x1] =	vst.idx.msk $0xffff, v2  }
0x27: {  	[tilespmem:v0+s2+$0xFFFFFF90 ss:$0x1] =	vst.idx.msk $0xffff, v3;
	v2 =	vld.idx.msk [tilespmem:v0+s2+$0xFFFFFBA0 ss:$0x1], $0xffff  }
0x28: {  	v3 =	vld.idx.msk [tilespmem:v0+s2+$0xFFFFFFA0 ss:$0x1], $0xffff;
	_ =	sdelay $0x3  }
0x29: {  	v2 =	vadd.f32 v2, v1  }
0x2a: {  	v3 =	vadd.f32 v3, v1  }
0x2b: {  	[tilespmem:v0+s2+$0xFFFFFBA0 ss:$0x1] =	vst.idx.msk $0xffff, v2  }
0x2c: {  	[tilespmem:v0+s2+$0xFFFFFFA0 ss:$0x1] =	vst.idx.msk $0xffff, v3;
	v2 =	vld.idx.msk [tilespmem:v0+s2+$0xFFFFFBB0 ss:$0x1], $0xffff  }
0x2d: {  	v3 =	vld.idx.msk [tilespmem:v0+s2+$0xFFFFFFB0 ss:$0x1], $0xffff;
	_ =	sdelay $0x3  }
0x2e: {  	v2 =	vadd.f32 v2, v1  }
0x2f: {  	v3 =	vadd.f32 v3, v1  }
0x30: {  	[tilespmem:v0+s2+$0xFFFFFBB0 ss:$0x1] =	vst.idx.msk $0xffff, v2  }
0x31: {  	[tilespmem:v0+s2+$0xFFFFFFB0 ss:$0x1] =	vst.idx.msk $0xffff, v3;
	v2 =	vld.idx.msk [tilespmem:v0+s2+$0xFFFFFBC0 ss:$0x1], $0xffff  }
0x32: {  	v3 =	vld.idx.msk [tilespmem:v0+s2+$0xFFFFFFC0 ss:$0x1], $0xffff;
	_ =	sdelay $0x3  }
0x33: {  	v2 =	vadd.f32 v2, v1  }
0x34: {  	v3 =	vadd.f32 v3, v1  }
0x35: {  	[tilespmem:v0+s2+$0xFFFFFBC0 ss:$0x1] =	vst.idx.msk $0xffff, v2  }
0x36: {  	[tilespmem:v0+s2+$0xFFFFFFC0 ss:$0x1] =	vst.idx.msk $0xffff, v3;
	v2 =	vld.idx.msk [tilespmem:v0+s2+$0xFFFFFBD0 ss:$0x1], $0xffff  }
0x37: {  	s0 =	simm.s32 $0x800;
	v3 =	vld.idx.msk [tilespmem:v0+s2+$0xFFFFFFD0 ss:$0x1], $0xffff  }
0x38: {  	v4 =	vld.idx.msk [tilespmem:v0+s0+$0xFFFFFB90 ss:$0x1], $0xffff  }
0x39: {  	v5 =	vld.idx.msk [tilespmem:v0+s0+$0xFFFFFF90 ss:$0x1], $0xffff;
	_ =	sdelay $0x1  }
0x3a: {  	v2 =	vadd.f32 v2, v1  }
0x3b: {  	v3 =	vadd.f32 v3, v1  }
0x3c: {  	v4 =	vadd.f32 v4, v1;
	[tilespmem:v0+s2+$0xFFFFFBD0 ss:$0x1] =	vst.idx.msk $0xffff, v2  }
0x3d: {  	v5 =	vadd.f32 v5, v1;
	[tilespmem:v0+s2+$0xFFFFFFD0 ss:$0x1] =	vst.idx.msk $0xffff, v3;
	v2 =	vld.idx.msk [tilespmem:v0+s2+$0xFFFFFBE0 ss:$0x1], $0xffff  }
0x3e: {  	[tilespmem:v0+s0+$0xFFFFFB90 ss:$0x1] =	vst.idx.msk $0xffff, v4;
	v3 =	vld.idx.msk [tilespmem:v0+s2+$0xFFFFFFE0 ss:$0x1], $0xffff  }
0x3f: {  	[tilespmem:v0+s0+$0xFFFFFF90 ss:$0x1] =	vst.idx.msk $0xffff, v5;
	v4 =	vld.idx.msk [tilespmem:v0+s0+$0xFFFFFBA0 ss:$0x1], $0xffff  }
0x40: {  	v5 =	vld.idx.msk [tilespmem:v0+s0+$0xFFFFFFA0 ss:$0x1], $0xffff;
	_ =	sdelay $0x1  }
0x41: {  	v2 =	vadd.f32 v2, v1  }
0x42: {  	v3 =	vadd.f32 v3, v1  }
0x43: {  	v4 =	vadd.f32 v4, v1;
	[tilespmem:v0+s2+$0xFFFFFBE0 ss:$0x1] =	vst.idx.msk $0xffff, v2  }
0x44: {  	v5 =	vadd.f32 v5, v1;
	[tilespmem:v0+s2+$0xFFFFFFE0 ss:$0x1] =	vst.idx.msk $0xffff, v3;
	v2 =	vld.idx.msk [tilespmem:v0+s2+$0xFFFFFBF0 ss:$0x1], $0xffff  }
0x45: {  	[tilespmem:v0+s0+$0xFFFFFBA0 ss:$0x1] =	vst.idx.msk $0xffff, v4;
	v3 =	vld.idx.msk [tilespmem:v0+s2+$0xFFFFFFF0 ss:$0x1], $0xffff  }
0x46: {  	[tilespmem:v0+s0+$0xFFFFFFA0 ss:$0x1] =	vst.idx.msk $0xffff, v5;
	v4 =	vld.idx.msk [tilespmem:v0+s0+$0xFFFFFBB0 ss:$0x1], $0xffff  }
0x47: {  	v5 =	vld.idx.msk [tilespmem:v0+s0+$0xFFFFFFB0 ss:$0x1], $0xffff;
	_ =	sdelay $0x1  }
0x48: {  	v2 =	vadd.f32 v2, v1  }
0x49: {  	v3 =	vadd.f32 v3, v1  }
0x4a: {  	[tilespmem:v0+s2+$0xFFFFFBF0 ss:$0x1] =	vst.idx.msk $0xffff, v2;
	v2 =	vadd.f32 v4, v1  }
0x4b: {  	[tilespmem:v0+s2+$0xFFFFFFF0 ss:$0x1] =	vst.idx.msk $0xffff, v3;
	v4 =	vadd.f32 v5, v1;
	v6 =	vld.idx.msk [tilespmem:v0+s2+$0xFFFFFC00 ss:$0x1], $0xffff  }
0x4c: {  	v7 =	vld.idx.msk [tilespmem:v0+s2+$0x0 ss:$0x1], $0xffff;
	[tilespmem:v0+s0+$0xFFFFFBB0 ss:$0x1] =	vst.idx.msk $0xffff, v2  }
0x4d: {  	[tilespmem:v0+s0+$0xFFFFFFB0 ss:$0x1] =	vst.idx.msk $0xffff, v4;
	v3 =	vld.idx.msk [tilespmem:v0+s0+$0xFFFFFBC0 ss:$0x1], $0xffff  }
0x4e: {  	v2 =	vld.idx.msk [tilespmem:v0+s0+$0xFFFFFFC0 ss:$0x1], $0xffff;
	_ =	sdelay $0x1  }
0x4f: {  	v5 =	vadd.f32 v6, v1  }
0x50: {  	s6 =	simm.s32 $0x4000;
	v4 =	vadd.f32 v7, v1  }
.LBB2_4:
0x51: {  	p0 =	sne.s32 s6, $0x1E000;
	v3 =	vadd.f32 v3, v1;
	[tilespmem:v0+s2+$0xFFFFFC00 ss:$0x1] =	vst.idx.msk $0xffff, v5;
	s8 =	smov.u32 s6;
	s6 =	sadd.s32 $0x2000, s6  }
0x52: {  	v2 =	vadd.f32 v2, v1;
	[tilespmem:v0+s2+$0x0 ss:$0x1] =	vst.idx.msk $0xffff, v4;
	s2 =	smov.u32 s0  }
0x53: {  	[tilespmem:v0+s2+$0xFFFFFBC0 ss:$0x1] =	vst.idx.msk $0xffff, v3  }
0x54: {  	v3 =	vld.idx.msk [tilespmem:v0+s2+$0xFFFFFBD0 ss:$0x1], $0xffff;
	[tilespmem:v0+s2+$0xFFFFFFC0 ss:$0x1] =	vst.idx.msk $0xffff, v2  }
0x55: {  	s0 =	sshra.s32 s8, $0x2;
	v2 =	vld.idx.msk [tilespmem:v0+s2+$0xFFFFFFD0 ss:$0x1], $0xffff  }
0x56: {  	v4 =	vld.idx.msk [tilespmem:v0+s0+$0xFFFFFB90 ss:$0x1], $0xffff  }
0x57: {  	v5 =	vld.idx.msk [tilespmem:v0+s0+$0xFFFFFF90 ss:$0x1], $0xffff;
	_ =	sdelay $0x2  }
0x58: {  	v3 =	vadd.f32 v3, v1  }
0x59: {  	v2 =	vadd.f32 v2, v1  }
0x5a: {  	v4 =	vadd.f32 v4, v1;
	[tilespmem:v0+s2+$0xFFFFFBD0 ss:$0x1] =	vst.idx.msk $0xffff, v3  }
0x5b: {  	v3 =	vadd.f32 v5, v1;
	v5 =	vld.idx.msk [tilespmem:v0+s2+$0xFFFFFBE0 ss:$0x1], $0xffff;
	[tilespmem:v0+s2+$0xFFFFFFD0 ss:$0x1] =	vst.idx.msk $0xffff, v2  }
0x5c: {  	[tilespmem:v0+s0+$0xFFFFFB90 ss:$0x1] =	vst.idx.msk $0xffff, v4;
	v2 =	vld.idx.msk [tilespmem:v0+s2+$0xFFFFFFE0 ss:$0x1], $0xffff  }
0x5d: {  	v4 =	vld.idx.msk [tilespmem:v0+s0+$0xFFFFFBA0 ss:$0x1], $0xffff;
	[tilespmem:v0+s0+$0xFFFFFF90 ss:$0x1] =	vst.idx.msk $0xffff, v3  }
0x5e: {  	v3 =	vld.idx.msk [tilespmem:v0+s0+$0xFFFFFFA0 ss:$0x1], $0xffff;
	_ =	sdelay $0x2  }
0x5f: {  	v5 =	vadd.f32 v5, v1  }
0x60: {  	v2 =	vadd.f32 v2, v1  }
0x61: {  	v4 =	vadd.f32 v4, v1;
	[tilespmem:v0+s2+$0xFFFFFBE0 ss:$0x1] =	vst.idx.msk $0xffff, v5  }
0x62: {  	v3 =	vadd.f32 v3, v1;
	v5 =	vld.idx.msk [tilespmem:v0+s2+$0xFFFFFBF0 ss:$0x1], $0xffff;
	[tilespmem:v0+s2+$0xFFFFFFE0 ss:$0x1] =	vst.idx.msk $0xffff, v2  }
0x63: {  	[tilespmem:v0+s0+$0xFFFFFBA0 ss:$0x1] =	vst.idx.msk $0xffff, v4;
	v2 =	vld.idx.msk [tilespmem:v0+s2+$0xFFFFFFF0 ss:$0x1], $0xffff  }
0x64: {  	v4 =	vld.idx.msk [tilespmem:v0+s0+$0xFFFFFBB0 ss:$0x1], $0xffff;
	[tilespmem:v0+s0+$0xFFFFFFA0 ss:$0x1] =	vst.idx.msk $0xffff, v3  }
0x65: {  	v3 =	vld.idx.msk [tilespmem:v0+s0+$0xFFFFFFB0 ss:$0x1], $0xffff;
	_ =	sdelay $0x2  }
0x66: {  	v5 =	vadd.f32 v5, v1  }
0x67: {  	v2 =	vadd.f32 v2, v1  }
0x68: {  	v4 =	vadd.f32 v4, v1;
	[tilespmem:v0+s2+$0xFFFFFBF0 ss:$0x1] =	vst.idx.msk $0xffff, v5  }
0x69: {  	v5 =	vadd.f32 v3, v1;
	v6 =	vld.idx.msk [tilespmem:v0+s2+$0xFFFFFC00 ss:$0x1], $0xffff;
	[tilespmem:v0+s2+$0xFFFFFFF0 ss:$0x1] =	vst.idx.msk $0xffff, v2  }
0x6a: {  	[tilespmem:v0+s0+$0xFFFFFBB0 ss:$0x1] =	vst.idx.msk $0xffff, v4;
	v4 =	vld.idx.msk [tilespmem:v0+s2+$0x0 ss:$0x1], $0xffff  }
0x6b: {  	v3 =	vld.idx.msk [tilespmem:v0+s0+$0xFFFFFBC0 ss:$0x1], $0xffff;
	[tilespmem:v0+s0+$0xFFFFFFB0 ss:$0x1] =	vst.idx.msk $0xffff, v5  }
.Ltmp0:
0x6c: {  	v2 =	vld.idx.msk [tilespmem:v0+s0+$0xFFFFFFC0 ss:$0x1], $0xffff;
	(pc) =	sbr.rel @p0 .LBB2_4-.Ltmp0, $3  }
0x6d: {  	_ =	sdelay $0x1  }
0x6e: {  	v5 =	vadd.f32 v6, v1  }
0x6f: {  	v4 =	vadd.f32 v4, v1  }
0x70: {  	_ =	sdelay $0x3  }
0x71: {  	v3 =	vadd.f32 v3, v1;
	[tilespmem:v0+s2+$0xFFFFFC00 ss:$0x1] =	vst.idx.msk $0xffff, v5  }
0x72: {  	v2 =	vadd.f32 v2, v1;
	[tilespmem:v0+s2+$0x0 ss:$0x1] =	vst.idx.msk $0xffff, v4  }
0x73: {  	[tilespmem:v0+s0+$0xFFFFFBC0 ss:$0x1] =	vst.idx.msk $0xffff, v3  }
0x74: {  	[tilespmem:v0+s0+$0xFFFFFFC0 ss:$0x1] =	vst.idx.msk $0xffff, v2;
	v3 =	vld.idx.msk [tilespmem:v0+s0+$0xFFFFFBD0 ss:$0x1], $0xffff  }
0x75: {  	v2 =	vld.idx.msk [tilespmem:v0+s0+$0xFFFFFFD0 ss:$0x1], $0xffff;
	_ =	sdelay $0x3  }
0x76: {  	v3 =	vadd.f32 v3, v1  }
0x77: {  	v2 =	vadd.f32 v2, v1  }
0x78: {  	[tilespmem:v0+s0+$0xFFFFFBD0 ss:$0x1] =	vst.idx.msk $0xffff, v3  }
0x79: {  	[tilespmem:v0+s0+$0xFFFFFFD0 ss:$0x1] =	vst.idx.msk $0xffff, v2;
	v3 =	vld.idx.msk [tilespmem:v0+s0+$0xFFFFFBE0 ss:$0x1], $0xffff  }
0x7a: {  	v2 =	vld.idx.msk [tilespmem:v0+s0+$0xFFFFFFE0 ss:$0x1], $0xffff;
	_ =	sdelay $0x3  }
0x7b: {  	v3 =	vadd.f32 v3, v1  }
0x7c: {  	v2 =	vadd.f32 v2, v1  }
0x7d: {  	[tilespmem:v0+s0+$0xFFFFFBE0 ss:$0x1] =	vst.idx.msk $0xffff, v3  }
0x7e: {  	[tilespmem:v0+s0+$0xFFFFFFE0 ss:$0x1] =	vst.idx.msk $0xffff, v2;
	v3 =	vld.idx.msk [tilespmem:v0+s0+$0xFFFFFBF0 ss:$0x1], $0xffff  }
0x7f: {  	v2 =	vld.idx.msk [tilespmem:v0+s0+$0xFFFFFFF0 ss:$0x1], $0xffff;
	_ =	sdelay $0x3  }
0x80: {  	v3 =	vadd.f32 v3, v1  }
0x81: {  	v2 =	vadd.f32 v2, v1  }
0x82: {  	[tilespmem:v0+s0+$0xFFFFFBF0 ss:$0x1] =	vst.idx.msk $0xffff, v3  }
0x83: {  	[tilespmem:v0+s0+$0xFFFFFFF0 ss:$0x1] =	vst.idx.msk $0xffff, v2;
	v3 =	vld.idx.msk [tilespmem:v0+s0+$0xFFFFFC00 ss:$0x1], $0xffff  }
0x84: {  	v2 =	vld.idx.msk [tilespmem:v0+s0+$0x0 ss:$0x1], $0xffff  }
0x85: {  	s28 =	sadd.s32 $0x1, s28  }
0x86: {  	p0 =	sne.s32 s28, $0x8  }
.Ltmp1:
0x87: {  	_ = 	snop;
	(pc) =	sbr.rel @p0 .LBB2_3-.Ltmp1, $4  }
0x88: {  	v3 =	vadd.f32 v3, v1  }
0x89: {  	v63 =	vadd.f32 v2, v1  }
0x8a: {  	[tilespmem:v0+s0+$0xFFFFFC00 ss:$0x1] =	vst.idx.msk $0xffff, v3  }
0x8b: {  	s29 =	sadd.s32 $0x80, s29;
	[tilespmem:v0+s0+$0x0 ss:$0x1] =	vst.idx.msk $0xffff, v63  }
0x8c: {  	s0 =	sadd.s32 s5, s26  }
0x8d: {  	s0 =	sshll.u32 s0, $0x9  }
0x8e: {  	p0 =	seq.s32 s25, $0x0;
	s28 =	sadd.s32 $0x10, s26;
	s0 =	sadd.s32 s3, s0  }
0x8f: {  	[hbm4b:s0+s4] =	stream.linear.scatter [tilespmem:s15], [sflag:$0x4], $0x8000, $0x38;
	[tilespmem:$0x19900] =	vst v63  }
0x90: {  	s2 =	sadd.s32 s5, s28;
	s0 =	simm.s32 @!p0 $0x6  }
0x91: {  	s2 =	sshll.u32 s2, $0x9;
	_ =	swait.ge @!p0 [sflag:s0], $0x8000  }
0x92: {  	s29 =	sand.u32 $0xFFFF000, s2;
	[sflag:s0] =	ssyncset.done @!p0 $0x0  }
0x93: {  	s30 =	simm.s32 $0x0;
	s11 =	sadd.s32 s1, s29;
	[sflag:s0] =	ssyncadd.s32 @!p0 $0xFFFF8000  }
0x94: {  	[tilespmem:s18], [sflag:$0x3] =	stream.linear.gather [hbm4b:s11+s30], $0x8000, $0x38;
	[tilespmem:$0x19900] =	vst v63  }
0x95: {  	_ =	swait.ge [sflag:s19], $0x8000  }
0x96: {  	[sflag:s19] =	ssyncset.done $0x0  }
0x97: {  	s31 =	sadd.s32 $0x8, s26;
	s2 =	simm.s32 $0x9D70;
	[sflag:s19] =	ssyncadd.s32 $0xFFFF8000  }
.LBB2_7:
0x98: {  	v0 =	vmov s2  }
0x99: {  	s0 =	sadd.s32 s31, s30  }
0x9a: {  	s0 =	sshll.u32 s0, $0x4  }
0x9b: {  	s0 =	sand.u32 $0x3FFFFFF0, s0  }
0x9c: {  	v1 =	vld [tilespmem:s0+$0x0];
	s0 =	simm.s32 $0x0  }
0x9d: {  	v2 =	vld.idx.msk [tilespmem:v0+s0+$0xFFFFFB90 ss:$0x1], $0xffff  }
0x9e: {  	v3 =	vld.idx.msk [tilespmem:v0+s0+$0xFFFFFF90 ss:$0x1], $0xffff;
	_ =	sdelay $0x3  }
0x9f: {  	v2 =	vadd.f32 v2, v1  }
0xa0: {  	v3 =	vadd.f32 v3, v1  }
0xa1: {  	[tilespmem:v0+s0+$0xFFFFFB90 ss:$0x1] =	vst.idx.msk $0xffff, v2  }
0xa2: {  	[tilespmem:v0+s0+$0xFFFFFF90 ss:$0x1] =	vst.idx.msk $0xffff, v3;
	v2 =	vld.idx.msk [tilespmem:v0+s0+$0xFFFFFBA0 ss:$0x1], $0xffff  }
0xa3: {  	v3 =	vld.idx.msk [tilespmem:v0+s0+$0xFFFFFFA0 ss:$0x1], $0xffff;
	_ =	sdelay $0x3  }
0xa4: {  	v2 =	vadd.f32 v2, v1  }
0xa5: {  	v3 =	vadd.f32 v3, v1  }
0xa6: {  	[tilespmem:v0+s0+$0xFFFFFBA0 ss:$0x1] =	vst.idx.msk $0xffff, v2  }
0xa7: {  	[tilespmem:v0+s0+$0xFFFFFFA0 ss:$0x1] =	vst.idx.msk $0xffff, v3;
	v2 =	vld.idx.msk [tilespmem:v0+s0+$0xFFFFFBB0 ss:$0x1], $0xffff  }
0xa8: {  	v3 =	vld.idx.msk [tilespmem:v0+s0+$0xFFFFFFB0 ss:$0x1], $0xffff;
	_ =	sdelay $0x3  }
0xa9: {  	v2 =	vadd.f32 v2, v1  }
0xaa: {  	v3 =	vadd.f32 v3, v1  }
0xab: {  	[tilespmem:v0+s0+$0xFFFFFBB0 ss:$0x1] =	vst.idx.msk $0xffff, v2  }
0xac: {  	[tilespmem:v0+s0+$0xFFFFFFB0 ss:$0x1] =	vst.idx.msk $0xffff, v3;
	v2 =	vld.idx.msk [tilespmem:v0+s0+$0xFFFFFBC0 ss:$0x1], $0xffff  }
0xad: {  	v3 =	vld.idx.msk [tilespmem:v0+s0+$0xFFFFFFC0 ss:$0x1], $0xffff;
	_ =	sdelay $0x3  }
0xae: {  	v2 =	vadd.f32 v2, v1  }
0xaf: {  	v3 =	vadd.f32 v3, v1  }
0xb0: {  	[tilespmem:v0+s0+$0xFFFFFBC0 ss:$0x1] =	vst.idx.msk $0xffff, v2  }
0xb1: {  	[tilespmem:v0+s0+$0xFFFFFFC0 ss:$0x1] =	vst.idx.msk $0xffff, v3;
	v2 =	vld.idx.msk [tilespmem:v0+s0+$0xFFFFFBD0 ss:$0x1], $0xffff  }
0xb2: {  	s6 =	simm.s32 $0x800;
	v3 =	vld.idx.msk [tilespmem:v0+s0+$0xFFFFFFD0 ss:$0x1], $0xffff  }
0xb3: {  	v4 =	vld.idx.msk [tilespmem:v0+s6+$0xFFFFFB90 ss:$0x1], $0xffff  }
0xb4: {  	v5 =	vld.idx.msk [tilespmem:v0+s6+$0xFFFFFF90 ss:$0x1], $0xffff;
	_ =	sdelay $0x1  }
0xb5: {  	v2 =	vadd.f32 v2, v1  }
0xb6: {  	v3 =	vadd.f32 v3, v1  }
0xb7: {  	v4 =	vadd.f32 v4, v1;
	[tilespmem:v0+s0+$0xFFFFFBD0 ss:$0x1] =	vst.idx.msk $0xffff, v2  }
0xb8: {  	v5 =	vadd.f32 v5, v1;
	[tilespmem:v0+s0+$0xFFFFFFD0 ss:$0x1] =	vst.idx.msk $0xffff, v3;
	v2 =	vld.idx.msk [tilespmem:v0+s0+$0xFFFFFBE0 ss:$0x1], $0xffff  }
0xb9: {  	[tilespmem:v0+s6+$0xFFFFFB90 ss:$0x1] =	vst.idx.msk $0xffff, v4;
	v3 =	vld.idx.msk [tilespmem:v0+s0+$0xFFFFFFE0 ss:$0x1], $0xffff  }
0xba: {  	[tilespmem:v0+s6+$0xFFFFFF90 ss:$0x1] =	vst.idx.msk $0xffff, v5;
	v4 =	vld.idx.msk [tilespmem:v0+s6+$0xFFFFFBA0 ss:$0x1], $0xffff  }
0xbb: {  	v5 =	vld.idx.msk [tilespmem:v0+s6+$0xFFFFFFA0 ss:$0x1], $0xffff;
	_ =	sdelay $0x1  }
0xbc: {  	v2 =	vadd.f32 v2, v1  }
0xbd: {  	v3 =	vadd.f32 v3, v1  }
0xbe: {  	v4 =	vadd.f32 v4, v1;
	[tilespmem:v0+s0+$0xFFFFFBE0 ss:$0x1] =	vst.idx.msk $0xffff, v2  }
0xbf: {  	v5 =	vadd.f32 v5, v1;
	[tilespmem:v0+s0+$0xFFFFFFE0 ss:$0x1] =	vst.idx.msk $0xffff, v3;
	v2 =	vld.idx.msk [tilespmem:v0+s0+$0xFFFFFBF0 ss:$0x1], $0xffff  }
0xc0: {  	[tilespmem:v0+s6+$0xFFFFFBA0 ss:$0x1] =	vst.idx.msk $0xffff, v4;
	v3 =	vld.idx.msk [tilespmem:v0+s0+$0xFFFFFFF0 ss:$0x1], $0xffff  }
0xc1: {  	[tilespmem:v0+s6+$0xFFFFFFA0 ss:$0x1] =	vst.idx.msk $0xffff, v5;
	v4 =	vld.idx.msk [tilespmem:v0+s6+$0xFFFFFBB0 ss:$0x1], $0xffff  }
0xc2: {  	v5 =	vld.idx.msk [tilespmem:v0+s6+$0xFFFFFFB0 ss:$0x1], $0xffff;
	_ =	sdelay $0x1  }
0xc3: {  	v2 =	vadd.f32 v2, v1  }
0xc4: {  	v3 =	vadd.f32 v3, v1  }
0xc5: {  	[tilespmem:v0+s0+$0xFFFFFBF0 ss:$0x1] =	vst.idx.msk $0xffff, v2;
	v2 =	vadd.f32 v4, v1  }
0xc6: {  	[tilespmem:v0+s0+$0xFFFFFFF0 ss:$0x1] =	vst.idx.msk $0xffff, v3;
	v4 =	vadd.f32 v5, v1;
	v6 =	vld.idx.msk [tilespmem:v0+s0+$0xFFFFFC00 ss:$0x1], $0xffff  }
0xc7: {  	v7 =	vld.idx.msk [tilespmem:v0+s0+$0x0 ss:$0x1], $0xffff;
	[tilespmem:v0+s6+$0xFFFFFBB0 ss:$0x1] =	vst.idx.msk $0xffff, v2  }
0xc8: {  	[tilespmem:v0+s6+$0xFFFFFFB0 ss:$0x1] =	vst.idx.msk $0xffff, v4;
	v3 =	vld.idx.msk [tilespmem:v0+s6+$0xFFFFFBC0 ss:$0x1], $0xffff  }
0xc9: {  	v2 =	vld.idx.msk [tilespmem:v0+s6+$0xFFFFFFC0 ss:$0x1], $0xffff;
	_ =	sdelay $0x1  }
0xca: {  	v5 =	vadd.f32 v6, v1  }
0xcb: {  	s8 =	simm.s32 $0x4000;
	v4 =	vadd.f32 v7, v1  }
.LBB2_8:
0xcc: {  	p0 =	sne.s32 s8, $0x1E000;
	v3 =	vadd.f32 v3, v1;
	[tilespmem:v0+s0+$0xFFFFFC00 ss:$0x1] =	vst.idx.msk $0xffff, v5;
	s11 =	smov.u32 s8;
	s8 =	sadd.s32 $0x2000, s8  }
0xcd: {  	v2 =	vadd.f32 v2, v1;
	[tilespmem:v0+s0+$0x0 ss:$0x1] =	vst.idx.msk $0xffff, v4;
	s0 =	smov.u32 s6  }
0xce: {  	[tilespmem:v0+s0+$0xFFFFFBC0 ss:$0x1] =	vst.idx.msk $0xffff, v3  }
0xcf: {  	v3 =	vld.idx.msk [tilespmem:v0+s0+$0xFFFFFBD0 ss:$0x1], $0xffff;
	[tilespmem:v0+s0+$0xFFFFFFC0 ss:$0x1] =	vst.idx.msk $0xffff, v2  }
0xd0: {  	s6 =	sshra.s32 s11, $0x2;
	v2 =	vld.idx.msk [tilespmem:v0+s0+$0xFFFFFFD0 ss:$0x1], $0xffff  }
0xd1: {  	v4 =	vld.idx.msk [tilespmem:v0+s6+$0xFFFFFB90 ss:$0x1], $0xffff  }
0xd2: {  	v5 =	vld.idx.msk [tilespmem:v0+s6+$0xFFFFFF90 ss:$0x1], $0xffff;
	_ =	sdelay $0x2  }
0xd3: {  	v3 =	vadd.f32 v3, v1  }
0xd4: {  	v2 =	vadd.f32 v2, v1  }
0xd5: {  	v4 =	vadd.f32 v4, v1;
	[tilespmem:v0+s0+$0xFFFFFBD0 ss:$0x1] =	vst.idx.msk $0xffff, v3  }
0xd6: {  	v3 =	vadd.f32 v5, v1;
	v5 =	vld.idx.msk [tilespmem:v0+s0+$0xFFFFFBE0 ss:$0x1], $0xffff;
	[tilespmem:v0+s0+$0xFFFFFFD0 ss:$0x1] =	vst.idx.msk $0xffff, v2  }
0xd7: {  	[tilespmem:v0+s6+$0xFFFFFB90 ss:$0x1] =	vst.idx.msk $0xffff, v4;
	v2 =	vld.idx.msk [tilespmem:v0+s0+$0xFFFFFFE0 ss:$0x1], $0xffff  }
0xd8: {  	v4 =	vld.idx.msk [tilespmem:v0+s6+$0xFFFFFBA0 ss:$0x1], $0xffff;
	[tilespmem:v0+s6+$0xFFFFFF90 ss:$0x1] =	vst.idx.msk $0xffff, v3  }
0xd9: {  	v3 =	vld.idx.msk [tilespmem:v0+s6+$0xFFFFFFA0 ss:$0x1], $0xffff;
	_ =	sdelay $0x2  }
0xda: {  	v5 =	vadd.f32 v5, v1  }
0xdb: {  	v2 =	vadd.f32 v2, v1  }
0xdc: {  	v4 =	vadd.f32 v4, v1;
	[tilespmem:v0+s0+$0xFFFFFBE0 ss:$0x1] =	vst.idx.msk $0xffff, v5  }
0xdd: {  	v3 =	vadd.f32 v3, v1;
	v5 =	vld.idx.msk [tilespmem:v0+s0+$0xFFFFFBF0 ss:$0x1], $0xffff;
	[tilespmem:v0+s0+$0xFFFFFFE0 ss:$0x1] =	vst.idx.msk $0xffff, v2  }
0xde: {  	[tilespmem:v0+s6+$0xFFFFFBA0 ss:$0x1] =	vst.idx.msk $0xffff, v4;
	v2 =	vld.idx.msk [tilespmem:v0+s0+$0xFFFFFFF0 ss:$0x1], $0xffff  }
0xdf: {  	v4 =	vld.idx.msk [tilespmem:v0+s6+$0xFFFFFBB0 ss:$0x1], $0xffff;
	[tilespmem:v0+s6+$0xFFFFFFA0 ss:$0x1] =	vst.idx.msk $0xffff, v3  }
0xe0: {  	v3 =	vld.idx.msk [tilespmem:v0+s6+$0xFFFFFFB0 ss:$0x1], $0xffff;
	_ =	sdelay $0x2  }
0xe1: {  	v5 =	vadd.f32 v5, v1  }
0xe2: {  	v2 =	vadd.f32 v2, v1  }
0xe3: {  	v4 =	vadd.f32 v4, v1;
	[tilespmem:v0+s0+$0xFFFFFBF0 ss:$0x1] =	vst.idx.msk $0xffff, v5  }
0xe4: {  	v5 =	vadd.f32 v3, v1;
	v6 =	vld.idx.msk [tilespmem:v0+s0+$0xFFFFFC00 ss:$0x1], $0xffff;
	[tilespmem:v0+s0+$0xFFFFFFF0 ss:$0x1] =	vst.idx.msk $0xffff, v2  }
0xe5: {  	[tilespmem:v0+s6+$0xFFFFFBB0 ss:$0x1] =	vst.idx.msk $0xffff, v4;
	v4 =	vld.idx.msk [tilespmem:v0+s0+$0x0 ss:$0x1], $0xffff  }
0xe6: {  	v3 =	vld.idx.msk [tilespmem:v0+s6+$0xFFFFFBC0 ss:$0x1], $0xffff;
	[tilespmem:v0+s6+$0xFFFFFFB0 ss:$0x1] =	vst.idx.msk $0xffff, v5  }
.Ltmp2:
0xe7: {  	v2 =	vld.idx.msk [tilespmem:v0+s6+$0xFFFFFFC0 ss:$0x1], $0xffff;
	(pc) =	sbr.rel @p0 .LBB2_8-.Ltmp2, $3  }
0xe8: {  	_ =	sdelay $0x1  }
0xe9: {  	v5 =	vadd.f32 v6, v1  }
0xea: {  	v4 =	vadd.f32 v4, v1  }
0xeb: {  	_ =	sdelay $0x3  }
0xec: {  	v3 =	vadd.f32 v3, v1;
	[tilespmem:v0+s0+$0xFFFFFC00 ss:$0x1] =	vst.idx.msk $0xffff, v5  }
0xed: {  	v2 =	vadd.f32 v2, v1;
	[tilespmem:v0+s0+$0x0 ss:$0x1] =	vst.idx.msk $0xffff, v4  }
0xee: {  	[tilespmem:v0+s6+$0xFFFFFBC0 ss:$0x1] =	vst.idx.msk $0xffff, v3  }
0xef: {  	[tilespmem:v0+s6+$0xFFFFFFC0 ss:$0x1] =	vst.idx.msk $0xffff, v2;
	v3 =	vld.idx.msk [tilespmem:v0+s6+$0xFFFFFBD0 ss:$0x1], $0xffff  }
0xf0: {  	v2 =	vld.idx.msk [tilespmem:v0+s6+$0xFFFFFFD0 ss:$0x1], $0xffff;
	_ =	sdelay $0x3  }
0xf1: {  	v3 =	vadd.f32 v3, v1  }
0xf2: {  	v2 =	vadd.f32 v2, v1  }
0xf3: {  	[tilespmem:v0+s6+$0xFFFFFBD0 ss:$0x1] =	vst.idx.msk $0xffff, v3  }
0xf4: {  	[tilespmem:v0+s6+$0xFFFFFFD0 ss:$0x1] =	vst.idx.msk $0xffff, v2;
	v3 =	vld.idx.msk [tilespmem:v0+s6+$0xFFFFFBE0 ss:$0x1], $0xffff  }
0xf5: {  	v2 =	vld.idx.msk [tilespmem:v0+s6+$0xFFFFFFE0 ss:$0x1], $0xffff;
	_ =	sdelay $0x3  }
0xf6: {  	v3 =	vadd.f32 v3, v1  }
0xf7: {  	v2 =	vadd.f32 v2, v1  }
0xf8: {  	[tilespmem:v0+s6+$0xFFFFFBE0 ss:$0x1] =	vst.idx.msk $0xffff, v3  }
0xf9: {  	[tilespmem:v0+s6+$0xFFFFFFE0 ss:$0x1] =	vst.idx.msk $0xffff, v2;
	v3 =	vld.idx.msk [tilespmem:v0+s6+$0xFFFFFBF0 ss:$0x1], $0xffff  }
0xfa: {  	v2 =	vld.idx.msk [tilespmem:v0+s6+$0xFFFFFFF0 ss:$0x1], $0xffff;
	_ =	sdelay $0x3  }
0xfb: {  	v3 =	vadd.f32 v3, v1  }
0xfc: {  	v2 =	vadd.f32 v2, v1  }
0xfd: {  	[tilespmem:v0+s6+$0xFFFFFBF0 ss:$0x1] =	vst.idx.msk $0xffff, v3  }
0xfe: {  	[tilespmem:v0+s6+$0xFFFFFFF0 ss:$0x1] =	vst.idx.msk $0xffff, v2;
	v3 =	vld.idx.msk [tilespmem:v0+s6+$0xFFFFFC00 ss:$0x1], $0xffff  }
0xff: {  	v2 =	vld.idx.msk [tilespmem:v0+s6+$0x0 ss:$0x1], $0xffff  }
0x100: {  	s30 =	sadd.s32 $0x1, s30  }
0x101: {  	p0 =	sne.s32 s30, $0x8  }
.Ltmp3:
0x102: {  	_ = 	snop;
	(pc) =	sbr.rel @p0 .LBB2_7-.Ltmp3, $4  }
0x103: {  	v3 =	vadd.f32 v3, v1  }
0x104: {  	v63 =	vadd.f32 v2, v1  }
0x105: {  	[tilespmem:v0+s6+$0xFFFFFC00 ss:$0x1] =	vst.idx.msk $0xffff, v3  }
0x106: {  	s2 =	sadd.s32 $0x80, s2;
	[tilespmem:v0+s6+$0x0 ss:$0x1] =	vst.idx.msk $0xffff, v63  }
0x107: {  	s0 =	sadd.s32 s5, s31  }
0x108: {  	s0 =	sshll.u32 s0, $0x9  }
0x109: {  	s0 =	sand.u32 $0xFFFF000, s0  }
0x10a: {  	s30 =	simm.s32 $0x0;
	s31 =	sadd.s32 s26, s9;
	s0 =	sadd.s32 s3, s0  }
0x10b: {  	[hbm4b:s0+s30] =	stream.linear.scatter [tilespmem:s16], [sflag:$0x5], $0x8000, $0x38;
	[tilespmem:$0x19900] =	vst v63  }
0x10c: {  	s0 =	sshll.u32 s31, $0x9;
	_ =	swait.ge [sflag:s20], $0x8000  }
0x10d: {  	s0 =	sand.u32 $0xFFFF000, s0;
	[sflag:s20] =	ssyncset.done $0x0  }
0x10e: {  	s0 =	sadd.s32 s1, s0;
	[sflag:s20] =	ssyncadd.s32 $0xFFFF8000  }
0x10f: {  	[tilespmem:s15], [sflag:$0x1] =	stream.linear.gather [hbm4b:s0+s30], $0x8000, $0x38;
	[tilespmem:$0x19900] =	vst v63  }
0x110: {  	_ =	swait.ge [sflag:s21], $0x8000  }
0x111: {  	[sflag:s21] =	ssyncset.done $0x0  }
0x112: {  	s2 =	simm.s32 $0x11D70;
	[sflag:s21] =	ssyncadd.s32 $0xFFFF8000  }
.LBB2_11:
0x113: {  	v0 =	vmov s2  }
0x114: {  	s0 =	sadd.s32 s28, s30  }
0x115: {  	s0 =	sshll.u32 s0, $0x4  }
0x116: {  	s0 =	sand.u32 $0x3FFFFFF0, s0  }
0x117: {  	v1 =	vld [tilespmem:s0+$0x0];
	s0 =	simm.s32 $0x0  }
0x118: {  	v2 =	vld.idx.msk [tilespmem:v0+s0+$0xFFFFFB90 ss:$0x1], $0xffff  }
0x119: {  	v3 =	vld.idx.msk [tilespmem:v0+s0+$0xFFFFFF90 ss:$0x1], $0xffff;
	_ =	sdelay $0x3  }
0x11a: {  	v2 =	vadd.f32 v2, v1  }
0x11b: {  	v3 =	vadd.f32 v3, v1  }
0x11c: {  	[tilespmem:v0+s0+$0xFFFFFB90 ss:$0x1] =	vst.idx.msk $0xffff, v2  }
0x11d: {  	[tilespmem:v0+s0+$0xFFFFFF90 ss:$0x1] =	vst.idx.msk $0xffff, v3;
	v2 =	vld.idx.msk [tilespmem:v0+s0+$0xFFFFFBA0 ss:$0x1], $0xffff  }
0x11e: {  	v3 =	vld.idx.msk [tilespmem:v0+s0+$0xFFFFFFA0 ss:$0x1], $0xffff;
	_ =	sdelay $0x3  }
0x11f: {  	v2 =	vadd.f32 v2, v1  }
0x120: {  	v3 =	vadd.f32 v3, v1  }
0x121: {  	[tilespmem:v0+s0+$0xFFFFFBA0 ss:$0x1] =	vst.idx.msk $0xffff, v2  }
0x122: {  	[tilespmem:v0+s0+$0xFFFFFFA0 ss:$0x1] =	vst.idx.msk $0xffff, v3;
	v2 =	vld.idx.msk [tilespmem:v0+s0+$0xFFFFFBB0 ss:$0x1], $0xffff  }
0x123: {  	v3 =	vld.idx.msk [tilespmem:v0+s0+$0xFFFFFFB0 ss:$0x1], $0xffff;
	_ =	sdelay $0x3  }
0x124: {  	v2 =	vadd.f32 v2, v1  }
0x125: {  	v3 =	vadd.f32 v3, v1  }
0x126: {  	[tilespmem:v0+s0+$0xFFFFFBB0 ss:$0x1] =	vst.idx.msk $0xffff, v2  }
0x127: {  	[tilespmem:v0+s0+$0xFFFFFFB0 ss:$0x1] =	vst.idx.msk $0xffff, v3;
	v2 =	vld.idx.msk [tilespmem:v0+s0+$0xFFFFFBC0 ss:$0x1], $0xffff  }
0x128: {  	v3 =	vld.idx.msk [tilespmem:v0+s0+$0xFFFFFFC0 ss:$0x1], $0xffff;
	_ =	sdelay $0x3  }
0x129: {  	v2 =	vadd.f32 v2, v1  }
0x12a: {  	v3 =	vadd.f32 v3, v1  }
0x12b: {  	[tilespmem:v0+s0+$0xFFFFFBC0 ss:$0x1] =	vst.idx.msk $0xffff, v2  }
0x12c: {  	[tilespmem:v0+s0+$0xFFFFFFC0 ss:$0x1] =	vst.idx.msk $0xffff, v3;
	v2 =	vld.idx.msk [tilespmem:v0+s0+$0xFFFFFBD0 ss:$0x1], $0xffff  }
0x12d: {  	s6 =	simm.s32 $0x800;
	v3 =	vld.idx.msk [tilespmem:v0+s0+$0xFFFFFFD0 ss:$0x1], $0xffff  }
0x12e: {  	v4 =	vld.idx.msk [tilespmem:v0+s6+$0xFFFFFB90 ss:$0x1], $0xffff  }
0x12f: {  	v5 =	vld.idx.msk [tilespmem:v0+s6+$0xFFFFFF90 ss:$0x1], $0xffff;
	_ =	sdelay $0x1  }
0x130: {  	v2 =	vadd.f32 v2, v1  }
0x131: {  	v3 =	vadd.f32 v3, v1  }
0x132: {  	v4 =	vadd.f32 v4, v1;
	[tilespmem:v0+s0+$0xFFFFFBD0 ss:$0x1] =	vst.idx.msk $0xffff, v2  }
0x133: {  	v5 =	vadd.f32 v5, v1;
	[tilespmem:v0+s0+$0xFFFFFFD0 ss:$0x1] =	vst.idx.msk $0xffff, v3;
	v2 =	vld.idx.msk [tilespmem:v0+s0+$0xFFFFFBE0 ss:$0x1], $0xffff  }
0x134: {  	[tilespmem:v0+s6+$0xFFFFFB90 ss:$0x1] =	vst.idx.msk $0xffff, v4;
	v3 =	vld.idx.msk [tilespmem:v0+s0+$0xFFFFFFE0 ss:$0x1], $0xffff  }
0x135: {  	[tilespmem:v0+s6+$0xFFFFFF90 ss:$0x1] =	vst.idx.msk $0xffff, v5;
	v4 =	vld.idx.msk [tilespmem:v0+s6+$0xFFFFFBA0 ss:$0x1], $0xffff  }
0x136: {  	v5 =	vld.idx.msk [tilespmem:v0+s6+$0xFFFFFFA0 ss:$0x1], $0xffff;
	_ =	sdelay $0x1  }
0x137: {  	v2 =	vadd.f32 v2, v1  }
0x138: {  	v3 =	vadd.f32 v3, v1  }
0x139: {  	v4 =	vadd.f32 v4, v1;
	[tilespmem:v0+s0+$0xFFFFFBE0 ss:$0x1] =	vst.idx.msk $0xffff, v2  }
0x13a: {  	v5 =	vadd.f32 v5, v1;
	[tilespmem:v0+s0+$0xFFFFFFE0 ss:$0x1] =	vst.idx.msk $0xffff, v3;
	v2 =	vld.idx.msk [tilespmem:v0+s0+$0xFFFFFBF0 ss:$0x1], $0xffff  }
0x13b: {  	[tilespmem:v0+s6+$0xFFFFFBA0 ss:$0x1] =	vst.idx.msk $0xffff, v4;
	v3 =	vld.idx.msk [tilespmem:v0+s0+$0xFFFFFFF0 ss:$0x1], $0xffff  }
0x13c: {  	[tilespmem:v0+s6+$0xFFFFFFA0 ss:$0x1] =	vst.idx.msk $0xffff, v5;
	v4 =	vld.idx.msk [tilespmem:v0+s6+$0xFFFFFBB0 ss:$0x1], $0xffff  }
0x13d: {  	v5 =	vld.idx.msk [tilespmem:v0+s6+$0xFFFFFFB0 ss:$0x1], $0xffff;
	_ =	sdelay $0x1  }
0x13e: {  	v2 =	vadd.f32 v2, v1  }
0x13f: {  	v3 =	vadd.f32 v3, v1  }
0x140: {  	[tilespmem:v0+s0+$0xFFFFFBF0 ss:$0x1] =	vst.idx.msk $0xffff, v2;
	v2 =	vadd.f32 v4, v1  }
0x141: {  	[tilespmem:v0+s0+$0xFFFFFFF0 ss:$0x1] =	vst.idx.msk $0xffff, v3;
	v4 =	vadd.f32 v5, v1;
	v6 =	vld.idx.msk [tilespmem:v0+s0+$0xFFFFFC00 ss:$0x1], $0xffff  }
0x142: {  	v7 =	vld.idx.msk [tilespmem:v0+s0+$0x0 ss:$0x1], $0xffff;
	[tilespmem:v0+s6+$0xFFFFFBB0 ss:$0x1] =	vst.idx.msk $0xffff, v2  }
0x143: {  	[tilespmem:v0+s6+$0xFFFFFFB0 ss:$0x1] =	vst.idx.msk $0xffff, v4;
	v3 =	vld.idx.msk [tilespmem:v0+s6+$0xFFFFFBC0 ss:$0x1], $0xffff  }
0x144: {  	v2 =	vld.idx.msk [tilespmem:v0+s6+$0xFFFFFFC0 ss:$0x1], $0xffff;
	_ =	sdelay $0x1  }
0x145: {  	v5 =	vadd.f32 v6, v1  }
0x146: {  	s8 =	simm.s32 $0x4000;
	v4 =	vadd.f32 v7, v1  }
.LBB2_12:
0x147: {  	p0 =	sne.s32 s8, $0x1E000;
	v3 =	vadd.f32 v3, v1;
	[tilespmem:v0+s0+$0xFFFFFC00 ss:$0x1] =	vst.idx.msk $0xffff, v5;
	s11 =	smov.u32 s8;
	s8 =	sadd.s32 $0x2000, s8  }
0x148: {  	v2 =	vadd.f32 v2, v1;
	[tilespmem:v0+s0+$0x0 ss:$0x1] =	vst.idx.msk $0xffff, v4;
	s0 =	smov.u32 s6  }
0x149: {  	[tilespmem:v0+s0+$0xFFFFFBC0 ss:$0x1] =	vst.idx.msk $0xffff, v3  }
0x14a: {  	v3 =	vld.idx.msk [tilespmem:v0+s0+$0xFFFFFBD0 ss:$0x1], $0xffff;
	[tilespmem:v0+s0+$0xFFFFFFC0 ss:$0x1] =	vst.idx.msk $0xffff, v2  }
0x14b: {  	s6 =	sshra.s32 s11, $0x2;
	v2 =	vld.idx.msk [tilespmem:v0+s0+$0xFFFFFFD0 ss:$0x1], $0xffff  }
0x14c: {  	v4 =	vld.idx.msk [tilespmem:v0+s6+$0xFFFFFB90 ss:$0x1], $0xffff  }
0x14d: {  	v5 =	vld.idx.msk [tilespmem:v0+s6+$0xFFFFFF90 ss:$0x1], $0xffff;
	_ =	sdelay $0x2  }
0x14e: {  	v3 =	vadd.f32 v3, v1  }
0x14f: {  	v2 =	vadd.f32 v2, v1  }
0x150: {  	v4 =	vadd.f32 v4, v1;
	[tilespmem:v0+s0+$0xFFFFFBD0 ss:$0x1] =	vst.idx.msk $0xffff, v3  }
0x151: {  	v3 =	vadd.f32 v5, v1;
	v5 =	vld.idx.msk [tilespmem:v0+s0+$0xFFFFFBE0 ss:$0x1], $0xffff;
	[tilespmem:v0+s0+$0xFFFFFFD0 ss:$0x1] =	vst.idx.msk $0xffff, v2  }
0x152: {  	[tilespmem:v0+s6+$0xFFFFFB90 ss:$0x1] =	vst.idx.msk $0xffff, v4;
	v2 =	vld.idx.msk [tilespmem:v0+s0+$0xFFFFFFE0 ss:$0x1], $0xffff  }
0x153: {  	v4 =	vld.idx.msk [tilespmem:v0+s6+$0xFFFFFBA0 ss:$0x1], $0xffff;
	[tilespmem:v0+s6+$0xFFFFFF90 ss:$0x1] =	vst.idx.msk $0xffff, v3  }
0x154: {  	v3 =	vld.idx.msk [tilespmem:v0+s6+$0xFFFFFFA0 ss:$0x1], $0xffff;
	_ =	sdelay $0x2  }
0x155: {  	v5 =	vadd.f32 v5, v1  }
0x156: {  	v2 =	vadd.f32 v2, v1  }
0x157: {  	v4 =	vadd.f32 v4, v1;
	[tilespmem:v0+s0+$0xFFFFFBE0 ss:$0x1] =	vst.idx.msk $0xffff, v5  }
0x158: {  	v3 =	vadd.f32 v3, v1;
	v5 =	vld.idx.msk [tilespmem:v0+s0+$0xFFFFFBF0 ss:$0x1], $0xffff;
	[tilespmem:v0+s0+$0xFFFFFFE0 ss:$0x1] =	vst.idx.msk $0xffff, v2  }
0x159: {  	[tilespmem:v0+s6+$0xFFFFFBA0 ss:$0x1] =	vst.idx.msk $0xffff, v4;
	v2 =	vld.idx.msk [tilespmem:v0+s0+$0xFFFFFFF0 ss:$0x1], $0xffff  }
0x15a: {  	v4 =	vld.idx.msk [tilespmem:v0+s6+$0xFFFFFBB0 ss:$0x1], $0xffff;
	[tilespmem:v0+s6+$0xFFFFFFA0 ss:$0x1] =	vst.idx.msk $0xffff, v3  }
0x15b: {  	v3 =	vld.idx.msk [tilespmem:v0+s6+$0xFFFFFFB0 ss:$0x1], $0xffff;
	_ =	sdelay $0x2  }
0x15c: {  	v5 =	vadd.f32 v5, v1  }
0x15d: {  	v2 =	vadd.f32 v2, v1  }
0x15e: {  	v4 =	vadd.f32 v4, v1;
	[tilespmem:v0+s0+$0xFFFFFBF0 ss:$0x1] =	vst.idx.msk $0xffff, v5  }
0x15f: {  	v5 =	vadd.f32 v3, v1;
	v6 =	vld.idx.msk [tilespmem:v0+s0+$0xFFFFFC00 ss:$0x1], $0xffff;
	[tilespmem:v0+s0+$0xFFFFFFF0 ss:$0x1] =	vst.idx.msk $0xffff, v2  }
0x160: {  	[tilespmem:v0+s6+$0xFFFFFBB0 ss:$0x1] =	vst.idx.msk $0xffff, v4;
	v4 =	vld.idx.msk [tilespmem:v0+s0+$0x0 ss:$0x1], $0xffff  }
0x161: {  	v3 =	vld.idx.msk [tilespmem:v0+s6+$0xFFFFFBC0 ss:$0x1], $0xffff;
	[tilespmem:v0+s6+$0xFFFFFFB0 ss:$0x1] =	vst.idx.msk $0xffff, v5  }
.Ltmp4:
0x162: {  	v2 =	vld.idx.msk [tilespmem:v0+s6+$0xFFFFFFC0 ss:$0x1], $0xffff;
	(pc) =	sbr.rel @p0 .LBB2_12-.Ltmp4, $3  }
0x163: {  	_ =	sdelay $0x1  }
0x164: {  	v5 =	vadd.f32 v6, v1  }
0x165: {  	v4 =	vadd.f32 v4, v1  }
0x166: {  	_ =	sdelay $0x3  }
0x167: {  	v3 =	vadd.f32 v3, v1;
	[tilespmem:v0+s0+$0xFFFFFC00 ss:$0x1] =	vst.idx.msk $0xffff, v5  }
0x168: {  	v2 =	vadd.f32 v2, v1;
	[tilespmem:v0+s0+$0x0 ss:$0x1] =	vst.idx.msk $0xffff, v4  }
0x169: {  	[tilespmem:v0+s6+$0xFFFFFBC0 ss:$0x1] =	vst.idx.msk $0xffff, v3  }
0x16a: {  	[tilespmem:v0+s6+$0xFFFFFFC0 ss:$0x1] =	vst.idx.msk $0xffff, v2;
	v3 =	vld.idx.msk [tilespmem:v0+s6+$0xFFFFFBD0 ss:$0x1], $0xffff  }
0x16b: {  	v2 =	vld.idx.msk [tilespmem:v0+s6+$0xFFFFFFD0 ss:$0x1], $0xffff;
	_ =	sdelay $0x3  }
0x16c: {  	v3 =	vadd.f32 v3, v1  }
0x16d: {  	v2 =	vadd.f32 v2, v1  }
0x16e: {  	[tilespmem:v0+s6+$0xFFFFFBD0 ss:$0x1] =	vst.idx.msk $0xffff, v3  }
0x16f: {  	[tilespmem:v0+s6+$0xFFFFFFD0 ss:$0x1] =	vst.idx.msk $0xffff, v2;
	v3 =	vld.idx.msk [tilespmem:v0+s6+$0xFFFFFBE0 ss:$0x1], $0xffff  }
0x170: {  	v2 =	vld.idx.msk [tilespmem:v0+s6+$0xFFFFFFE0 ss:$0x1], $0xffff;
	_ =	sdelay $0x3  }
0x171: {  	v3 =	vadd.f32 v3, v1  }
0x172: {  	v2 =	vadd.f32 v2, v1  }
0x173: {  	[tilespmem:v0+s6+$0xFFFFFBE0 ss:$0x1] =	vst.idx.msk $0xffff, v3  }
0x174: {  	[tilespmem:v0+s6+$0xFFFFFFE0 ss:$0x1] =	vst.idx.msk $0xffff, v2;
	v3 =	vld.idx.msk [tilespmem:v0+s6+$0xFFFFFBF0 ss:$0x1], $0xffff  }
0x175: {  	v2 =	vld.idx.msk [tilespmem:v0+s6+$0xFFFFFFF0 ss:$0x1], $0xffff;
	_ =	sdelay $0x3  }
0x176: {  	v3 =	vadd.f32 v3, v1  }
0x177: {  	v2 =	vadd.f32 v2, v1  }
0x178: {  	[tilespmem:v0+s6+$0xFFFFFBF0 ss:$0x1] =	vst.idx.msk $0xffff, v3  }
0x179: {  	[tilespmem:v0+s6+$0xFFFFFFF0 ss:$0x1] =	vst.idx.msk $0xffff, v2;
	v3 =	vld.idx.msk [tilespmem:v0+s6+$0xFFFFFC00 ss:$0x1], $0xffff  }
0x17a: {  	v2 =	vld.idx.msk [tilespmem:v0+s6+$0x0 ss:$0x1], $0xffff  }
0x17b: {  	s30 =	sadd.s32 $0x1, s30  }
0x17c: {  	p0 =	sne.s32 s30, $0x8  }
.Ltmp5:
0x17d: {  	_ = 	snop;
	(pc) =	sbr.rel @p0 .LBB2_11-.Ltmp5, $4  }
0x17e: {  	v3 =	vadd.f32 v3, v1  }
0x17f: {  	v63 =	vadd.f32 v2, v1  }
0x180: {  	[tilespmem:v0+s6+$0xFFFFFC00 ss:$0x1] =	vst.idx.msk $0xffff, v3  }
0x181: {  	s2 =	sadd.s32 $0x80, s2;
	[tilespmem:v0+s6+$0x0 ss:$0x1] =	vst.idx.msk $0xffff, v63  }
0x182: {  	s0 =	sadd.s32 s3, s29;
	s25 =	sadd.s32 $0x1, s25  }
0x183: {  	[hbm4b:s0+s4] =	stream.linear.scatter [tilespmem:s18], [sflag:$0x6], $0x8000, $0x38;
	[tilespmem:$0x19900] =	vst v63  }
0x184: {  	p0 =	sne.s32 s25, $0x10  }
.Ltmp6:
0x185: {  	s31 =	sadd.s32 s26, s10;
	(pc) =	sbr.rel @p0 .LBB2_2-.Ltmp6, $4  }
0x186: {  	s0 =	sshll.u32 s31, $0x9;
	_ =	swait.ge [sflag:s22], $0x8000  }
0x187: {  	s0 =	sand.u32 $0xFFFF000, s0;
	[sflag:s22] =	ssyncset.done $0x0  }
0x188: {  	s0 =	sadd.s32 s1, s0;
	[sflag:s22] =	ssyncadd.s32 $0xFFFF8000  }
0x189: {  	[tilespmem:s16], [sflag:$0x2] =	stream.linear.gather [hbm4b:s0+s4], $0x8000, $0x38;
	[tilespmem:$0x19900] =	vst v63  }
0x18a: {  	_ =	swait.ge [sflag:s17], $0x8000  }
0x18b: {  	[sflag:s17] =	ssyncset.done $0x0  }
0x18c: {  	s2 =	simm.s32 $0x0;
	s25 =	simm.s32 $0x1D70;
	[sflag:s17] =	ssyncadd.s32 $0xFFFF8000  }
.LBB2_16:
0x18d: {  	v0 =	vmov s25;
	_ =	sdelay $0x1  }
0x18e: {  	s0 =	sshll.u32 s2, $0x4  }
0x18f: {  	s0 =	sand.u32 $0x3FFFFFF0, s0  }
0x190: {  	v1 =	vld [tilespmem:s0+$0x1800];
	s0 =	simm.s32 $0x0  }
0x191: {  	v2 =	vld.idx.msk [tilespmem:v0+s0+$0xFFFFFB90 ss:$0x1], $0xffff  }
0x192: {  	v3 =	vld.idx.msk [tilespmem:v0+s0+$0xFFFFFF90 ss:$0x1], $0xffff;
	_ =	sdelay $0x3  }
0x193: {  	v2 =	vadd.f32 v2, v1  }
0x194: {  	v3 =	vadd.f32 v3, v1  }
0x195: {  	[tilespmem:v0+s0+$0xFFFFFB90 ss:$0x1] =	vst.idx.msk $0xffff, v2  }
0x196: {  	[tilespmem:v0+s0+$0xFFFFFF90 ss:$0x1] =	vst.idx.msk $0xffff, v3;
	v2 =	vld.idx.msk [tilespmem:v0+s0+$0xFFFFFBA0 ss:$0x1], $0xffff  }
0x197: {  	v3 =	vld.idx.msk [tilespmem:v0+s0+$0xFFFFFFA0 ss:$0x1], $0xffff;
	_ =	sdelay $0x3  }
0x198: {  	v2 =	vadd.f32 v2, v1  }
0x199: {  	v3 =	vadd.f32 v3, v1  }
0x19a: {  	[tilespmem:v0+s0+$0xFFFFFBA0 ss:$0x1] =	vst.idx.msk $0xffff, v2  }
0x19b: {  	[tilespmem:v0+s0+$0xFFFFFFA0 ss:$0x1] =	vst.idx.msk $0xffff, v3;
	v2 =	vld.idx.msk [tilespmem:v0+s0+$0xFFFFFBB0 ss:$0x1], $0xffff  }
0x19c: {  	v3 =	vld.idx.msk [tilespmem:v0+s0+$0xFFFFFFB0 ss:$0x1], $0xffff;
	_ =	sdelay $0x3  }
0x19d: {  	v2 =	vadd.f32 v2, v1  }
0x19e: {  	v3 =	vadd.f32 v3, v1  }
0x19f: {  	[tilespmem:v0+s0+$0xFFFFFBB0 ss:$0x1] =	vst.idx.msk $0xffff, v2  }
0x1a0: {  	[tilespmem:v0+s0+$0xFFFFFFB0 ss:$0x1] =	vst.idx.msk $0xffff, v3;
	v2 =	vld.idx.msk [tilespmem:v0+s0+$0xFFFFFBC0 ss:$0x1], $0xffff  }
0x1a1: {  	v3 =	vld.idx.msk [tilespmem:v0+s0+$0xFFFFFFC0 ss:$0x1], $0xffff;
	_ =	sdelay $0x3  }
0x1a2: {  	v2 =	vadd.f32 v2, v1  }
0x1a3: {  	v3 =	vadd.f32 v3, v1  }
0x1a4: {  	[tilespmem:v0+s0+$0xFFFFFBC0 ss:$0x1] =	vst.idx.msk $0xffff, v2  }
0x1a5: {  	[tilespmem:v0+s0+$0xFFFFFFC0 ss:$0x1] =	vst.idx.msk $0xffff, v3;
	v2 =	vld.idx.msk [tilespmem:v0+s0+$0xFFFFFBD0 ss:$0x1], $0xffff  }
0x1a6: {  	s6 =	simm.s32 $0x800;
	v3 =	vld.idx.msk [tilespmem:v0+s0+$0xFFFFFFD0 ss:$0x1], $0xffff  }
0x1a7: {  	v4 =	vld.idx.msk [tilespmem:v0+s6+$0xFFFFFB90 ss:$0x1], $0xffff  }
0x1a8: {  	v5 =	vld.idx.msk [tilespmem:v0+s6+$0xFFFFFF90 ss:$0x1], $0xffff;
	_ =	sdelay $0x1  }
0x1a9: {  	v2 =	vadd.f32 v2, v1  }
0x1aa: {  	v3 =	vadd.f32 v3, v1  }
0x1ab: {  	v4 =	vadd.f32 v4, v1;
	[tilespmem:v0+s0+$0xFFFFFBD0 ss:$0x1] =	vst.idx.msk $0xffff, v2  }
0x1ac: {  	v5 =	vadd.f32 v5, v1;
	[tilespmem:v0+s0+$0xFFFFFFD0 ss:$0x1] =	vst.idx.msk $0xffff, v3;
	v2 =	vld.idx.msk [tilespmem:v0+s0+$0xFFFFFBE0 ss:$0x1], $0xffff  }
0x1ad: {  	[tilespmem:v0+s6+$0xFFFFFB90 ss:$0x1] =	vst.idx.msk $0xffff, v4;
	v3 =	vld.idx.msk [tilespmem:v0+s0+$0xFFFFFFE0 ss:$0x1], $0xffff  }
0x1ae: {  	[tilespmem:v0+s6+$0xFFFFFF90 ss:$0x1] =	vst.idx.msk $0xffff, v5;
	v4 =	vld.idx.msk [tilespmem:v0+s6+$0xFFFFFBA0 ss:$0x1], $0xffff  }
0x1af: {  	v5 =	vld.idx.msk [tilespmem:v0+s6+$0xFFFFFFA0 ss:$0x1], $0xffff;
	_ =	sdelay $0x1  }
0x1b0: {  	v2 =	vadd.f32 v2, v1  }
0x1b1: {  	v3 =	vadd.f32 v3, v1  }
0x1b2: {  	v4 =	vadd.f32 v4, v1;
	[tilespmem:v0+s0+$0xFFFFFBE0 ss:$0x1] =	vst.idx.msk $0xffff, v2  }
0x1b3: {  	v5 =	vadd.f32 v5, v1;
	[tilespmem:v0+s0+$0xFFFFFFE0 ss:$0x1] =	vst.idx.msk $0xffff, v3;
	v2 =	vld.idx.msk [tilespmem:v0+s0+$0xFFFFFBF0 ss:$0x1], $0xffff  }
0x1b4: {  	[tilespmem:v0+s6+$0xFFFFFBA0 ss:$0x1] =	vst.idx.msk $0xffff, v4;
	v3 =	vld.idx.msk [tilespmem:v0+s0+$0xFFFFFFF0 ss:$0x1], $0xffff  }
0x1b5: {  	[tilespmem:v0+s6+$0xFFFFFFA0 ss:$0x1] =	vst.idx.msk $0xffff, v5;
	v4 =	vld.idx.msk [tilespmem:v0+s6+$0xFFFFFBB0 ss:$0x1], $0xffff  }
0x1b6: {  	v5 =	vld.idx.msk [tilespmem:v0+s6+$0xFFFFFFB0 ss:$0x1], $0xffff;
	_ =	sdelay $0x1  }
0x1b7: {  	v2 =	vadd.f32 v2, v1  }
0x1b8: {  	v3 =	vadd.f32 v3, v1  }
0x1b9: {  	[tilespmem:v0+s0+$0xFFFFFBF0 ss:$0x1] =	vst.idx.msk $0xffff, v2;
	v2 =	vadd.f32 v4, v1  }
0x1ba: {  	[tilespmem:v0+s0+$0xFFFFFFF0 ss:$0x1] =	vst.idx.msk $0xffff, v3;
	v4 =	vadd.f32 v5, v1;
	v6 =	vld.idx.msk [tilespmem:v0+s0+$0xFFFFFC00 ss:$0x1], $0xffff  }
0x1bb: {  	v7 =	vld.idx.msk [tilespmem:v0+s0+$0x0 ss:$0x1], $0xffff;
	[tilespmem:v0+s6+$0xFFFFFBB0 ss:$0x1] =	vst.idx.msk $0xffff, v2  }
0x1bc: {  	[tilespmem:v0+s6+$0xFFFFFFB0 ss:$0x1] =	vst.idx.msk $0xffff, v4;
	v3 =	vld.idx.msk [tilespmem:v0+s6+$0xFFFFFBC0 ss:$0x1], $0xffff  }
0x1bd: {  	v2 =	vld.idx.msk [tilespmem:v0+s6+$0xFFFFFFC0 ss:$0x1], $0xffff;
	_ =	sdelay $0x1  }
0x1be: {  	v5 =	vadd.f32 v6, v1  }
0x1bf: {  	s8 =	simm.s32 $0x4000;
	v4 =	vadd.f32 v7, v1  }
.LBB2_17:
0x1c0: {  	p0 =	sne.s32 s8, $0x1E000;
	v3 =	vadd.f32 v3, v1;
	[tilespmem:v0+s0+$0xFFFFFC00 ss:$0x1] =	vst.idx.msk $0xffff, v5;
	s11 =	smov.u32 s8;
	s8 =	sadd.s32 $0x2000, s8  }
0x1c1: {  	v2 =	vadd.f32 v2, v1;
	[tilespmem:v0+s0+$0x0 ss:$0x1] =	vst.idx.msk $0xffff, v4;
	s0 =	smov.u32 s6  }
0x1c2: {  	[tilespmem:v0+s0+$0xFFFFFBC0 ss:$0x1] =	vst.idx.msk $0xffff, v3  }
0x1c3: {  	v3 =	vld.idx.msk [tilespmem:v0+s0+$0xFFFFFBD0 ss:$0x1], $0xffff;
	[tilespmem:v0+s0+$0xFFFFFFC0 ss:$0x1] =	vst.idx.msk $0xffff, v2  }
0x1c4: {  	s6 =	sshra.s32 s11, $0x2;
	v2 =	vld.idx.msk [tilespmem:v0+s0+$0xFFFFFFD0 ss:$0x1], $0xffff  }
0x1c5: {  	v4 =	vld.idx.msk [tilespmem:v0+s6+$0xFFFFFB90 ss:$0x1], $0xffff  }
0x1c6: {  	v5 =	vld.idx.msk [tilespmem:v0+s6+$0xFFFFFF90 ss:$0x1], $0xffff;
	_ =	sdelay $0x2  }
0x1c7: {  	v3 =	vadd.f32 v3, v1  }
0x1c8: {  	v2 =	vadd.f32 v2, v1  }
0x1c9: {  	v4 =	vadd.f32 v4, v1;
	[tilespmem:v0+s0+$0xFFFFFBD0 ss:$0x1] =	vst.idx.msk $0xffff, v3  }
0x1ca: {  	v3 =	vadd.f32 v5, v1;
	v5 =	vld.idx.msk [tilespmem:v0+s0+$0xFFFFFBE0 ss:$0x1], $0xffff;
	[tilespmem:v0+s0+$0xFFFFFFD0 ss:$0x1] =	vst.idx.msk $0xffff, v2  }
0x1cb: {  	[tilespmem:v0+s6+$0xFFFFFB90 ss:$0x1] =	vst.idx.msk $0xffff, v4;
	v2 =	vld.idx.msk [tilespmem:v0+s0+$0xFFFFFFE0 ss:$0x1], $0xffff  }
0x1cc: {  	v4 =	vld.idx.msk [tilespmem:v0+s6+$0xFFFFFBA0 ss:$0x1], $0xffff;
	[tilespmem:v0+s6+$0xFFFFFF90 ss:$0x1] =	vst.idx.msk $0xffff, v3  }
0x1cd: {  	v3 =	vld.idx.msk [tilespmem:v0+s6+$0xFFFFFFA0 ss:$0x1], $0xffff;
	_ =	sdelay $0x2  }
0x1ce: {  	v5 =	vadd.f32 v5, v1  }
0x1cf: {  	v2 =	vadd.f32 v2, v1  }
0x1d0: {  	v4 =	vadd.f32 v4, v1;
	[tilespmem:v0+s0+$0xFFFFFBE0 ss:$0x1] =	vst.idx.msk $0xffff, v5  }
0x1d1: {  	v3 =	vadd.f32 v3, v1;
	v5 =	vld.idx.msk [tilespmem:v0+s0+$0xFFFFFBF0 ss:$0x1], $0xffff;
	[tilespmem:v0+s0+$0xFFFFFFE0 ss:$0x1] =	vst.idx.msk $0xffff, v2  }
0x1d2: {  	[tilespmem:v0+s6+$0xFFFFFBA0 ss:$0x1] =	vst.idx.msk $0xffff, v4;
	v2 =	vld.idx.msk [tilespmem:v0+s0+$0xFFFFFFF0 ss:$0x1], $0xffff  }
0x1d3: {  	v4 =	vld.idx.msk [tilespmem:v0+s6+$0xFFFFFBB0 ss:$0x1], $0xffff;
	[tilespmem:v0+s6+$0xFFFFFFA0 ss:$0x1] =	vst.idx.msk $0xffff, v3  }
0x1d4: {  	v3 =	vld.idx.msk [tilespmem:v0+s6+$0xFFFFFFB0 ss:$0x1], $0xffff;
	_ =	sdelay $0x2  }
0x1d5: {  	v5 =	vadd.f32 v5, v1  }
0x1d6: {  	v2 =	vadd.f32 v2, v1  }
0x1d7: {  	v4 =	vadd.f32 v4, v1;
	[tilespmem:v0+s0+$0xFFFFFBF0 ss:$0x1] =	vst.idx.msk $0xffff, v5  }
0x1d8: {  	v5 =	vadd.f32 v3, v1;
	v6 =	vld.idx.msk [tilespmem:v0+s0+$0xFFFFFC00 ss:$0x1], $0xffff;
	[tilespmem:v0+s0+$0xFFFFFFF0 ss:$0x1] =	vst.idx.msk $0xffff, v2  }
0x1d9: {  	[tilespmem:v0+s6+$0xFFFFFBB0 ss:$0x1] =	vst.idx.msk $0xffff, v4;
	v4 =	vld.idx.msk [tilespmem:v0+s0+$0x0 ss:$0x1], $0xffff  }
0x1da: {  	v3 =	vld.idx.msk [tilespmem:v0+s6+$0xFFFFFBC0 ss:$0x1], $0xffff;
	[tilespmem:v0+s6+$0xFFFFFFB0 ss:$0x1] =	vst.idx.msk $0xffff, v5  }
.Ltmp7:
0x1db: {  	v2 =	vld.idx.msk [tilespmem:v0+s6+$0xFFFFFFC0 ss:$0x1], $0xffff;
	(pc) =	sbr.rel @p0 .LBB2_17-.Ltmp7, $3  }
0x1dc: {  	_ =	sdelay $0x1  }
0x1dd: {  	v5 =	vadd.f32 v6, v1  }
0x1de: {  	v4 =	vadd.f32 v4, v1  }
0x1df: {  	_ =	sdelay $0x3  }
0x1e0: {  	v3 =	vadd.f32 v3, v1;
	[tilespmem:v0+s0+$0xFFFFFC00 ss:$0x1] =	vst.idx.msk $0xffff, v5  }
0x1e1: {  	v2 =	vadd.f32 v2, v1;
	[tilespmem:v0+s0+$0x0 ss:$0x1] =	vst.idx.msk $0xffff, v4  }
0x1e2: {  	[tilespmem:v0+s6+$0xFFFFFBC0 ss:$0x1] =	vst.idx.msk $0xffff, v3  }
0x1e3: {  	[tilespmem:v0+s6+$0xFFFFFFC0 ss:$0x1] =	vst.idx.msk $0xffff, v2;
	v3 =	vld.idx.msk [tilespmem:v0+s6+$0xFFFFFBD0 ss:$0x1], $0xffff  }
0x1e4: {  	v2 =	vld.idx.msk [tilespmem:v0+s6+$0xFFFFFFD0 ss:$0x1], $0xffff;
	_ =	sdelay $0x3  }
0x1e5: {  	v3 =	vadd.f32 v3, v1  }
0x1e6: {  	v2 =	vadd.f32 v2, v1  }
0x1e7: {  	[tilespmem:v0+s6+$0xFFFFFBD0 ss:$0x1] =	vst.idx.msk $0xffff, v3  }
0x1e8: {  	[tilespmem:v0+s6+$0xFFFFFFD0 ss:$0x1] =	vst.idx.msk $0xffff, v2;
	v3 =	vld.idx.msk [tilespmem:v0+s6+$0xFFFFFBE0 ss:$0x1], $0xffff  }
0x1e9: {  	v2 =	vld.idx.msk [tilespmem:v0+s6+$0xFFFFFFE0 ss:$0x1], $0xffff;
	_ =	sdelay $0x3  }
0x1ea: {  	v3 =	vadd.f32 v3, v1  }
0x1eb: {  	v2 =	vadd.f32 v2, v1  }
0x1ec: {  	[tilespmem:v0+s6+$0xFFFFFBE0 ss:$0x1] =	vst.idx.msk $0xffff, v3  }
0x1ed: {  	[tilespmem:v0+s6+$0xFFFFFFE0 ss:$0x1] =	vst.idx.msk $0xffff, v2;
	v3 =	vld.idx.msk [tilespmem:v0+s6+$0xFFFFFBF0 ss:$0x1], $0xffff  }
0x1ee: {  	v2 =	vld.idx.msk [tilespmem:v0+s6+$0xFFFFFFF0 ss:$0x1], $0xffff;
	_ =	sdelay $0x3  }
0x1ef: {  	v3 =	vadd.f32 v3, v1  }
0x1f0: {  	v2 =	vadd.f32 v2, v1  }
0x1f1: {  	[tilespmem:v0+s6+$0xFFFFFBF0 ss:$0x1] =	vst.idx.msk $0xffff, v3  }
0x1f2: {  	[tilespmem:v0+s6+$0xFFFFFFF0 ss:$0x1] =	vst.idx.msk $0xffff, v2;
	v3 =	vld.idx.msk [tilespmem:v0+s6+$0xFFFFFC00 ss:$0x1], $0xffff  }
0x1f3: {  	v2 =	vld.idx.msk [tilespmem:v0+s6+$0x0 ss:$0x1], $0xffff  }
0x1f4: {  	s2 =	sadd.s32 $0x1, s2  }
0x1f5: {  	p0 =	sne.s32 s2, $0x8  }
.Ltmp8:
0x1f6: {  	_ = 	snop;
	(pc) =	sbr.rel @p0 .LBB2_16-.Ltmp8, $4  }
0x1f7: {  	v3 =	vadd.f32 v3, v1  }
0x1f8: {  	v63 =	vadd.f32 v2, v1  }
0x1f9: {  	[tilespmem:v0+s6+$0xFFFFFC00 ss:$0x1] =	vst.idx.msk $0xffff, v3  }
0x1fa: {  	s25 =	sadd.s32 $0x80, s25;
	[tilespmem:v0+s6+$0x0 ss:$0x1] =	vst.idx.msk $0xffff, v63  }
0x1fb: {  	s25 =	simm.s32 $0x0;
	s0 =	rddreg [dreg:$0x6]  }
0x1fc: {  	[hbm4b:s0+s25] =	stream.linear.scatter [tilespmem:s15], [sflag:$0x4], $0x8000, $0x38;
	[tilespmem:$0x19900] =	vst v63  }
0x1fd: {  	_ =	swait.ge [sflag:s19], $0x8000  }
0x1fe: {  	[sflag:s19] =	ssyncset.done $0x0  }
0x1ff: {  	s2 =	simm.s32 $0x9D70;
	[sflag:s19] =	ssyncadd.s32 $0xFFFF8000  }
.LBB2_20:
0x200: {  	v0 =	vmov s2;
	_ =	sdelay $0x1  }
0x201: {  	s0 =	sshll.u32 s25, $0x4  }
0x202: {  	s0 =	sand.u32 $0x3FFFFFF0, s0  }
0x203: {  	v1 =	vld [tilespmem:s0+$0x1880];
	s0 =	simm.s32 $0x0  }
0x204: {  	v2 =	vld.idx.msk [tilespmem:v0+s0+$0xFFFFFB90 ss:$0x1], $0xffff  }
0x205: {  	v3 =	vld.idx.msk [tilespmem:v0+s0+$0xFFFFFF90 ss:$0x1], $0xffff;
	_ =	sdelay $0x3  }
0x206: {  	v2 =	vadd.f32 v2, v1  }
0x207: {  	v3 =	vadd.f32 v3, v1  }
0x208: {  	[tilespmem:v0+s0+$0xFFFFFB90 ss:$0x1] =	vst.idx.msk $0xffff, v2  }
0x209: {  	[tilespmem:v0+s0+$0xFFFFFF90 ss:$0x1] =	vst.idx.msk $0xffff, v3;
	v2 =	vld.idx.msk [tilespmem:v0+s0+$0xFFFFFBA0 ss:$0x1], $0xffff  }
0x20a: {  	v3 =	vld.idx.msk [tilespmem:v0+s0+$0xFFFFFFA0 ss:$0x1], $0xffff;
	_ =	sdelay $0x3  }
0x20b: {  	v2 =	vadd.f32 v2, v1  }
0x20c: {  	v3 =	vadd.f32 v3, v1  }
0x20d: {  	[tilespmem:v0+s0+$0xFFFFFBA0 ss:$0x1] =	vst.idx.msk $0xffff, v2  }
0x20e: {  	[tilespmem:v0+s0+$0xFFFFFFA0 ss:$0x1] =	vst.idx.msk $0xffff, v3;
	v2 =	vld.idx.msk [tilespmem:v0+s0+$0xFFFFFBB0 ss:$0x1], $0xffff  }
0x20f: {  	v3 =	vld.idx.msk [tilespmem:v0+s0+$0xFFFFFFB0 ss:$0x1], $0xffff;
	_ =	sdelay $0x3  }
0x210: {  	v2 =	vadd.f32 v2, v1  }
0x211: {  	v3 =	vadd.f32 v3, v1  }
0x212: {  	[tilespmem:v0+s0+$0xFFFFFBB0 ss:$0x1] =	vst.idx.msk $0xffff, v2  }
0x213: {  	[tilespmem:v0+s0+$0xFFFFFFB0 ss:$0x1] =	vst.idx.msk $0xffff, v3;
	v2 =	vld.idx.msk [tilespmem:v0+s0+$0xFFFFFBC0 ss:$0x1], $0xffff  }
0x214: {  	v3 =	vld.idx.msk [tilespmem:v0+s0+$0xFFFFFFC0 ss:$0x1], $0xffff;
	_ =	sdelay $0x3  }
0x215: {  	v2 =	vadd.f32 v2, v1  }
0x216: {  	v3 =	vadd.f32 v3, v1  }
0x217: {  	[tilespmem:v0+s0+$0xFFFFFBC0 ss:$0x1] =	vst.idx.msk $0xffff, v2  }
0x218: {  	[tilespmem:v0+s0+$0xFFFFFFC0 ss:$0x1] =	vst.idx.msk $0xffff, v3;
	v2 =	vld.idx.msk [tilespmem:v0+s0+$0xFFFFFBD0 ss:$0x1], $0xffff  }
0x219: {  	s6 =	simm.s32 $0x800;
	v3 =	vld.idx.msk [tilespmem:v0+s0+$0xFFFFFFD0 ss:$0x1], $0xffff  }
0x21a: {  	v4 =	vld.idx.msk [tilespmem:v0+s6+$0xFFFFFB90 ss:$0x1], $0xffff  }
0x21b: {  	v5 =	vld.idx.msk [tilespmem:v0+s6+$0xFFFFFF90 ss:$0x1], $0xffff;
	_ =	sdelay $0x1  }
0x21c: {  	v2 =	vadd.f32 v2, v1  }
0x21d: {  	v3 =	vadd.f32 v3, v1  }
0x21e: {  	v4 =	vadd.f32 v4, v1;
	[tilespmem:v0+s0+$0xFFFFFBD0 ss:$0x1] =	vst.idx.msk $0xffff, v2  }
0x21f: {  	v5 =	vadd.f32 v5, v1;
	[tilespmem:v0+s0+$0xFFFFFFD0 ss:$0x1] =	vst.idx.msk $0xffff, v3;
	v2 =	vld.idx.msk [tilespmem:v0+s0+$0xFFFFFBE0 ss:$0x1], $0xffff  }
0x220: {  	[tilespmem:v0+s6+$0xFFFFFB90 ss:$0x1] =	vst.idx.msk $0xffff, v4;
	v3 =	vld.idx.msk [tilespmem:v0+s0+$0xFFFFFFE0 ss:$0x1], $0xffff  }
0x221: {  	[tilespmem:v0+s6+$0xFFFFFF90 ss:$0x1] =	vst.idx.msk $0xffff, v5;
	v4 =	vld.idx.msk [tilespmem:v0+s6+$0xFFFFFBA0 ss:$0x1], $0xffff  }
0x222: {  	v5 =	vld.idx.msk [tilespmem:v0+s6+$0xFFFFFFA0 ss:$0x1], $0xffff;
	_ =	sdelay $0x1  }
0x223: {  	v2 =	vadd.f32 v2, v1  }
0x224: {  	v3 =	vadd.f32 v3, v1  }
0x225: {  	v4 =	vadd.f32 v4, v1;
	[tilespmem:v0+s0+$0xFFFFFBE0 ss:$0x1] =	vst.idx.msk $0xffff, v2  }
0x226: {  	v5 =	vadd.f32 v5, v1;
	[tilespmem:v0+s0+$0xFFFFFFE0 ss:$0x1] =	vst.idx.msk $0xffff, v3;
	v2 =	vld.idx.msk [tilespmem:v0+s0+$0xFFFFFBF0 ss:$0x1], $0xffff  }
0x227: {  	[tilespmem:v0+s6+$0xFFFFFBA0 ss:$0x1] =	vst.idx.msk $0xffff, v4;
	v3 =	vld.idx.msk [tilespmem:v0+s0+$0xFFFFFFF0 ss:$0x1], $0xffff  }
0x228: {  	[tilespmem:v0+s6+$0xFFFFFFA0 ss:$0x1] =	vst.idx.msk $0xffff, v5;
	v4 =	vld.idx.msk [tilespmem:v0+s6+$0xFFFFFBB0 ss:$0x1], $0xffff  }
0x229: {  	v5 =	vld.idx.msk [tilespmem:v0+s6+$0xFFFFFFB0 ss:$0x1], $0xffff;
	_ =	sdelay $0x1  }
0x22a: {  	v2 =	vadd.f32 v2, v1  }
0x22b: {  	v3 =	vadd.f32 v3, v1  }
0x22c: {  	[tilespmem:v0+s0+$0xFFFFFBF0 ss:$0x1] =	vst.idx.msk $0xffff, v2;
	v2 =	vadd.f32 v4, v1  }
0x22d: {  	[tilespmem:v0+s0+$0xFFFFFFF0 ss:$0x1] =	vst.idx.msk $0xffff, v3;
	v4 =	vadd.f32 v5, v1;
	v6 =	vld.idx.msk [tilespmem:v0+s0+$0xFFFFFC00 ss:$0x1], $0xffff  }
0x22e: {  	v7 =	vld.idx.msk [tilespmem:v0+s0+$0x0 ss:$0x1], $0xffff;
	[tilespmem:v0+s6+$0xFFFFFBB0 ss:$0x1] =	vst.idx.msk $0xffff, v2  }
0x22f: {  	[tilespmem:v0+s6+$0xFFFFFFB0 ss:$0x1] =	vst.idx.msk $0xffff, v4;
	v3 =	vld.idx.msk [tilespmem:v0+s6+$0xFFFFFBC0 ss:$0x1], $0xffff  }
0x230: {  	v2 =	vld.idx.msk [tilespmem:v0+s6+$0xFFFFFFC0 ss:$0x1], $0xffff;
	_ =	sdelay $0x1  }
0x231: {  	v5 =	vadd.f32 v6, v1  }
0x232: {  	s8 =	simm.s32 $0x4000;
	v4 =	vadd.f32 v7, v1  }
.LBB2_21:
0x233: {  	p0 =	sne.s32 s8, $0x1E000;
	v3 =	vadd.f32 v3, v1;
	[tilespmem:v0+s0+$0xFFFFFC00 ss:$0x1] =	vst.idx.msk $0xffff, v5;
	s11 =	smov.u32 s8;
	s8 =	sadd.s32 $0x2000, s8  }
0x234: {  	v2 =	vadd.f32 v2, v1;
	[tilespmem:v0+s0+$0x0 ss:$0x1] =	vst.idx.msk $0xffff, v4;
	s0 =	smov.u32 s6  }
0x235: {  	[tilespmem:v0+s0+$0xFFFFFBC0 ss:$0x1] =	vst.idx.msk $0xffff, v3  }
0x236: {  	v3 =	vld.idx.msk [tilespmem:v0+s0+$0xFFFFFBD0 ss:$0x1], $0xffff;
	[tilespmem:v0+s0+$0xFFFFFFC0 ss:$0x1] =	vst.idx.msk $0xffff, v2  }
0x237: {  	s6 =	sshra.s32 s11, $0x2;
	v2 =	vld.idx.msk [tilespmem:v0+s0+$0xFFFFFFD0 ss:$0x1], $0xffff  }
0x238: {  	v4 =	vld.idx.msk [tilespmem:v0+s6+$0xFFFFFB90 ss:$0x1], $0xffff  }
0x239: {  	v5 =	vld.idx.msk [tilespmem:v0+s6+$0xFFFFFF90 ss:$0x1], $0xffff;
	_ =	sdelay $0x2  }
0x23a: {  	v3 =	vadd.f32 v3, v1  }
0x23b: {  	v2 =	vadd.f32 v2, v1  }
0x23c: {  	v4 =	vadd.f32 v4, v1;
	[tilespmem:v0+s0+$0xFFFFFBD0 ss:$0x1] =	vst.idx.msk $0xffff, v3  }
0x23d: {  	v3 =	vadd.f32 v5, v1;
	v5 =	vld.idx.msk [tilespmem:v0+s0+$0xFFFFFBE0 ss:$0x1], $0xffff;
	[tilespmem:v0+s0+$0xFFFFFFD0 ss:$0x1] =	vst.idx.msk $0xffff, v2  }
0x23e: {  	[tilespmem:v0+s6+$0xFFFFFB90 ss:$0x1] =	vst.idx.msk $0xffff, v4;
	v2 =	vld.idx.msk [tilespmem:v0+s0+$0xFFFFFFE0 ss:$0x1], $0xffff  }
0x23f: {  	v4 =	vld.idx.msk [tilespmem:v0+s6+$0xFFFFFBA0 ss:$0x1], $0xffff;
	[tilespmem:v0+s6+$0xFFFFFF90 ss:$0x1] =	vst.idx.msk $0xffff, v3  }
0x240: {  	v3 =	vld.idx.msk [tilespmem:v0+s6+$0xFFFFFFA0 ss:$0x1], $0xffff;
	_ =	sdelay $0x2  }
0x241: {  	v5 =	vadd.f32 v5, v1  }
0x242: {  	v2 =	vadd.f32 v2, v1  }
0x243: {  	v4 =	vadd.f32 v4, v1;
	[tilespmem:v0+s0+$0xFFFFFBE0 ss:$0x1] =	vst.idx.msk $0xffff, v5  }
0x244: {  	v3 =	vadd.f32 v3, v1;
	v5 =	vld.idx.msk [tilespmem:v0+s0+$0xFFFFFBF0 ss:$0x1], $0xffff;
	[tilespmem:v0+s0+$0xFFFFFFE0 ss:$0x1] =	vst.idx.msk $0xffff, v2  }
0x245: {  	[tilespmem:v0+s6+$0xFFFFFBA0 ss:$0x1] =	vst.idx.msk $0xffff, v4;
	v2 =	vld.idx.msk [tilespmem:v0+s0+$0xFFFFFFF0 ss:$0x1], $0xffff  }
0x246: {  	v4 =	vld.idx.msk [tilespmem:v0+s6+$0xFFFFFBB0 ss:$0x1], $0xffff;
	[tilespmem:v0+s6+$0xFFFFFFA0 ss:$0x1] =	vst.idx.msk $0xffff, v3  }
0x247: {  	v3 =	vld.idx.msk [tilespmem:v0+s6+$0xFFFFFFB0 ss:$0x1], $0xffff;
	_ =	sdelay $0x2  }
0x248: {  	v5 =	vadd.f32 v5, v1  }
0x249: {  	v2 =	vadd.f32 v2, v1  }
0x24a: {  	v4 =	vadd.f32 v4, v1;
	[tilespmem:v0+s0+$0xFFFFFBF0 ss:$0x1] =	vst.idx.msk $0xffff, v5  }
0x24b: {  	v5 =	vadd.f32 v3, v1;
	v6 =	vld.idx.msk [tilespmem:v0+s0+$0xFFFFFC00 ss:$0x1], $0xffff;
	[tilespmem:v0+s0+$0xFFFFFFF0 ss:$0x1] =	vst.idx.msk $0xffff, v2  }
0x24c: {  	[tilespmem:v0+s6+$0xFFFFFBB0 ss:$0x1] =	vst.idx.msk $0xffff, v4;
	v4 =	vld.idx.msk [tilespmem:v0+s0+$0x0 ss:$0x1], $0xffff  }
0x24d: {  	v3 =	vld.idx.msk [tilespmem:v0+s6+$0xFFFFFBC0 ss:$0x1], $0xffff;
	[tilespmem:v0+s6+$0xFFFFFFB0 ss:$0x1] =	vst.idx.msk $0xffff, v5  }
.Ltmp9:
0x24e: {  	v2 =	vld.idx.msk [tilespmem:v0+s6+$0xFFFFFFC0 ss:$0x1], $0xffff;
	(pc) =	sbr.rel @p0 .LBB2_21-.Ltmp9, $3  }
0x24f: {  	_ =	sdelay $0x1  }
0x250: {  	v5 =	vadd.f32 v6, v1  }
0x251: {  	v4 =	vadd.f32 v4, v1  }
0x252: {  	_ =	sdelay $0x3  }
0x253: {  	v3 =	vadd.f32 v3, v1;
	[tilespmem:v0+s0+$0xFFFFFC00 ss:$0x1] =	vst.idx.msk $0xffff, v5  }
0x254: {  	v2 =	vadd.f32 v2, v1;
	[tilespmem:v0+s0+$0x0 ss:$0x1] =	vst.idx.msk $0xffff, v4  }
0x255: {  	[tilespmem:v0+s6+$0xFFFFFBC0 ss:$0x1] =	vst.idx.msk $0xffff, v3  }
0x256: {  	[tilespmem:v0+s6+$0xFFFFFFC0 ss:$0x1] =	vst.idx.msk $0xffff, v2;
	v3 =	vld.idx.msk [tilespmem:v0+s6+$0xFFFFFBD0 ss:$0x1], $0xffff  }
0x257: {  	v2 =	vld.idx.msk [tilespmem:v0+s6+$0xFFFFFFD0 ss:$0x1], $0xffff;
	_ =	sdelay $0x3  }
0x258: {  	v3 =	vadd.f32 v3, v1  }
0x259: {  	v2 =	vadd.f32 v2, v1  }
0x25a: {  	[tilespmem:v0+s6+$0xFFFFFBD0 ss:$0x1] =	vst.idx.msk $0xffff, v3  }
0x25b: {  	[tilespmem:v0+s6+$0xFFFFFFD0 ss:$0x1] =	vst.idx.msk $0xffff, v2;
	v3 =	vld.idx.msk [tilespmem:v0+s6+$0xFFFFFBE0 ss:$0x1], $0xffff  }
0x25c: {  	v2 =	vld.idx.msk [tilespmem:v0+s6+$0xFFFFFFE0 ss:$0x1], $0xffff;
	_ =	sdelay $0x3  }
0x25d: {  	v3 =	vadd.f32 v3, v1  }
0x25e: {  	v2 =	vadd.f32 v2, v1  }
0x25f: {  	[tilespmem:v0+s6+$0xFFFFFBE0 ss:$0x1] =	vst.idx.msk $0xffff, v3  }
0x260: {  	[tilespmem:v0+s6+$0xFFFFFFE0 ss:$0x1] =	vst.idx.msk $0xffff, v2;
	v3 =	vld.idx.msk [tilespmem:v0+s6+$0xFFFFFBF0 ss:$0x1], $0xffff  }
0x261: {  	v2 =	vld.idx.msk [tilespmem:v0+s6+$0xFFFFFFF0 ss:$0x1], $0xffff;
	_ =	sdelay $0x3  }
0x262: {  	v3 =	vadd.f32 v3, v1  }
0x263: {  	v2 =	vadd.f32 v2, v1  }
0x264: {  	[tilespmem:v0+s6+$0xFFFFFBF0 ss:$0x1] =	vst.idx.msk $0xffff, v3  }
0x265: {  	[tilespmem:v0+s6+$0xFFFFFFF0 ss:$0x1] =	vst.idx.msk $0xffff, v2;
	v3 =	vld.idx.msk [tilespmem:v0+s6+$0xFFFFFC00 ss:$0x1], $0xffff  }
0x266: {  	v2 =	vld.idx.msk [tilespmem:v0+s6+$0x0 ss:$0x1], $0xffff  }
0x267: {  	s25 =	sadd.s32 $0x1, s25  }
0x268: {  	p0 =	sne.s32 s25, $0x8  }
.Ltmp10:
0x269: {  	_ = 	snop;
	(pc) =	sbr.rel @p0 .LBB2_20-.Ltmp10, $4  }
0x26a: {  	v3 =	vadd.f32 v3, v1  }
0x26b: {  	v63 =	vadd.f32 v2, v1  }
0x26c: {  	[tilespmem:v0+s6+$0xFFFFFC00 ss:$0x1] =	vst.idx.msk $0xffff, v3  }
0x26d: {  	s2 =	sadd.s32 $0x80, s2;
	[tilespmem:v0+s6+$0x0 ss:$0x1] =	vst.idx.msk $0xffff, v63  }
0x26e: {  	[hbm4b:s12+s4] =	stream.linear.scatter [tilespmem:s16], [sflag:$0x5], $0x8000, $0x38;
	[tilespmem:$0x19900] =	vst v63  }
0x26f: {  	_ =	swait.ge [sflag:s23], $0x8000  }
0x270: {  	[sflag:s23] =	ssyncset.done $0x0  }
0x271: {  	s24 =	sadd.s32 $0x1, s24;
	[sflag:s23] =	ssyncadd.s32 $0xFFFF8000  }
0x272: {  	p0 =	sne.s32 s24, s13;
	_ =	swait.ge [sflag:s20], $0x8000  }
.Ltmp11:
0x273: {  	[sflag:s20] =	ssyncset.done $0x0;
	(pc) =	sbr.rel @p0 .LBB2_1-.Ltmp11, $4  }
0x274: {  	[sflag:s20] =	ssyncadd.s32 $0xFFFF8000  }
0x275: {  	_ =	swait.ge [sflag:s22], $0x8000  }
0x276: {  	[sflag:s22] =	ssyncset.done $0x0  }
0x277: {  	[sflag:s22] =	ssyncadd.s32 $0xFFFF8000  }
0x278: {  	_ =	sfence.sel $0x180000  }
0x279: {  	[bflag:$0x0] =	sbarrier.arrive $0xFFFF  }
0x27a: {  	_ =	strace $0x90000047  }
0x27b: {  	s0 =	stileid.u32;
	[bflag:$0x2] =	sbarrier.arrive $0xFFFF  }
0x27c: {  	p0 =	sne.s32 s0, $0x0;
	s0 =	rddreg [dreg:$0x3]  }
0x27d: {  	s0 =	sadd.s32 @!p0 $0x100000, s0  }
0x27e: {  	[sflag:s0] =	ssyncadd.tile.s32 @!p0 $0x1;
	_ =	shalt  }
.Lfunc_end2:
_tile_overlayer_lowered:
.L_overlay_start_2:
0x27f: {  	(tag) =	ssettag $0x2  }
0x280: {  	s0 =	rddreg [dreg:$0x0];
	s2 =	stileid.u32  }
0x281: {  	s1 =	rddreg [dreg:$0x1];
	p0 =	sne.s32 s2, $0x0  }
0x282: {  	s3 =	rddreg [dreg:$0x2];
	[bflag:$0x3] =	sbarrier.arrive $0xFFFF;
	s2 =	simm.s32 @!p0 $0x1C07  }
0x283: {  	[timem:s3], [sflag:s2] =	dma.local @!p0 [hbm:s0], s1  }
0x284: {  	s0 =	simm.s32 @!p0 $0x7  }
0x285: {  	_ =	swait.ge @!p0 [sflag:s0], s1  }
0x286: {  	s1 =	ssub.s32 @!p0 $0x0, s1;
	[sflag:s0] =	ssyncset.done @!p0 $0x0  }
0x287: {  	[sflag:s0] =	ssyncadd.s32 @!p0 s1  }
0x288: {  	[bflag:$0x3] =	sbarrier.arrive $0xFFFF  }
0x289: {  	_ =	shalt  }

</sc_bundles>
